<compile_context>
chip_gen: v7x
topology: tpu7x:2x2x1
jax: 0.10.2.dev20260603
libtpu: 0.0.44.dev20260713+nightly
codegen_flags: <defaults>
</compile_context>

<pallas_src>
import jax
import jax.numpy as jnp
from jax import lax
from jax.experimental import pallas as pl
from jax.experimental.pallas import tpu as pltpu
from jax.experimental.pallas import tpu_sc as plsc

_F = 100000
_B = 16384
_W = 128
_D_GO, _D_BP, _D_TR, _D_EX, _D_BE = 3, 63, 3, 10, 16
_C_GO, _C_TR, _C_EX, _C_BP = 0, 3, 6, 16
_R_GO, _R_BP, _R_TR, _R_EX = 8, 64, 8, 16

_NW = 32
_BPW = _B // _NW
_CH = 128
_NCH = _BPW // _CH
_NCK = _BPW // 16

_mesh = plsc.VectorSubcoreMesh(core_axis_name="c", subcore_axis_name="s")


def _body(ids_hbm, be_hbm, tbl_hbm,
          be_t, go_t, bp_t, tr_t, ex_t,
          idx_v, be_row, rows_v, be_p, go_p, bp_p, tr_p, ex_p, sem, wsem):
    wid = lax.axis_index("s") * 2 + lax.axis_index("c")
    base = wid * _BPW

    pltpu.sync_copy(ids_hbm.at[pl.ds(wid * _NCH, _NCH)], idx_v)
    gathers = [pltpu.async_copy(tbl_hbm.at[idx_v.at[j]],
                                rows_v.at[pl.ds(j * _CH, _CH)], sem)
               for j in range(_NCH)]

    pltpu.sync_copy(be_hbm, be_row)
    vec = be_row[0, :]
    lanes = lax.iota(jnp.int32, 16)
    for d in range(_D_BE):
        val = jnp.sum(jnp.where(lanes == d, vec, 0.0))
        bvec = jnp.full((16,), val, jnp.float32)

        def _fill(i, _, d=d, bvec=bvec):
            be_p[d, pl.ds(i * 16, 16)] = bvec
            return 0

        lax.fori_loop(0, _NCK, _fill, 0)
    writes = [pltpu.async_copy(be_p, be_t.at[:, pl.ds(base, _BPW)], wsem)]

    for g in gathers:
        g.wait()

    iota = lax.iota(jnp.int32, 16)
    for dst, out, c0, d in ((go_p, go_t, _C_GO, _D_GO),
                            (tr_p, tr_t, _C_TR, _D_TR),
                            (ex_p, ex_t, _C_EX, _D_EX),
                            (bp_p, bp_t, _C_BP, _D_BP)):
        def _tile(i, _, dst=dst, c0=c0, d=d):
            rows = i * 16 + iota
            for j in range(d):
                cols = jnp.full((16,), c0 + j, jnp.int32)
                dst[j, pl.ds(i * 16, 16)] = plsc.load_gather(
                    rows_v, [rows, cols])
            return 0

        lax.fori_loop(0, _NCK, _tile, 0)
        writes.append(pltpu.async_copy(dst, out.at[:, pl.ds(base, _BPW)],
                                       wsem))
    for w in writes:
        w.wait()


def _build(interpret=False):
    return pl.kernel(
        _body,
        mesh=_mesh,
        compiler_params=pltpu.CompilerParams(use_tc_tiling_on_sc=False,
                                             needs_layout_passes=False),
        out_type=[
            jax.ShapeDtypeStruct((_D_BE, _B), jnp.float32),
            jax.ShapeDtypeStruct((_R_GO, _B), jnp.float32),
            jax.ShapeDtypeStruct((_R_BP, _B), jnp.float32),
            jax.ShapeDtypeStruct((_R_TR, _B), jnp.float32),
            jax.ShapeDtypeStruct((_R_EX, _B), jnp.float32),
        ],
        scratch_types=[
            pltpu.VMEM((_NCH, _CH), jnp.int32),
            pltpu.VMEM((1, _D_BE), jnp.float32),
            pltpu.VMEM((_BPW, _W), jnp.float32),
            pltpu.VMEM((_D_BE, _BPW), jnp.float32),
            pltpu.VMEM((_R_GO, _BPW), jnp.float32),
            pltpu.VMEM((_R_BP, _BPW), jnp.float32),
            pltpu.VMEM((_R_TR, _BPW), jnp.float32),
            pltpu.VMEM((_R_EX, _BPW), jnp.float32),
            pltpu.SemaphoreType.DMA,
            pltpu.SemaphoreType.DMA,
        ],
        interpret=interpret,
    )


_gather_all = _build()


def kernel(frame_ids, betas_w, global_orient_w, body_pose_w, transl_w,
           expression_w):
    ids2d = frame_ids.astype(jnp.int32).reshape(_B // _CH, _CH)
    merged = jnp.pad(
        jnp.concatenate([global_orient_w, transl_w, expression_w,
                         body_pose_w], axis=1),
        ((0, 0), (0, _W - _C_BP - _D_BP)))
    be_t, go_t, bp_t, tr_t, ex_t = _gather_all(ids2d, betas_w, merged)
    return (be_t.T, go_t[:_D_GO].T, bp_t[:_D_BP].T, tr_t[:_D_TR].T,
            ex_t[:_D_EX].T)

# --- scband reference (transcript-rebuilt; emitter-appended) ---
"""Pipeline reference for scband-generic-params-37847251813158 (READ-ONLY COPY).

The authoritative reference and input builder live on the scoring server;
editing this copy changes nothing except your own understanding.
"""

import jax, jax.numpy as jnp
import numpy as np

NUM_FRAMES = 100000
PARAMS_DIM = {"betas": 16, "global_orient": 3, "body_pose": 63, "transl": 3, "expression": 10}
BATCH = 16384


def setup_inputs(seed: int = 0) -> dict:
    key = jax.random.key(seed)
    k_idx, k_b, k_g, k_p, k_t, k_e = jax.random.split(key, 6)
    frame_ids = jax.random.randint(k_idx, (BATCH,), 0, NUM_FRAMES, dtype=jnp.int64 if jax.config.jax_enable_x64 else jnp.int32)
    # Learned per-frame parameter tables (nn.Embedding weights). The torch module
    # zero-inits them; we use small random values so outputs/grads are nontrivial.
    betas_w = jax.random.normal(k_b, (1, PARAMS_DIM["betas"]), dtype=jnp.float32) * 0.01
    global_orient_w = jax.random.normal(k_g, (NUM_FRAMES, PARAMS_DIM["global_orient"]), dtype=jnp.float32) * 0.01
    body_pose_w = jax.random.normal(k_p, (NUM_FRAMES, PARAMS_DIM["body_pose"]), dtype=jnp.float32) * 0.01
    transl_w = jax.random.normal(k_t, (NUM_FRAMES, PARAMS_DIM["transl"]), dtype=jnp.float32) * 0.01
    expression_w = jax.random.normal(k_e, (NUM_FRAMES, PARAMS_DIM["expression"]), dtype=jnp.float32) * 0.01
    return {
        "frame_ids": frame_ids,
        "betas_w": betas_w,
        "global_orient_w": global_orient_w,
        "body_pose_w": body_pose_w,
        "transl_w": transl_w,
        "expression_w": expression_w,
    }


def reference(frame_ids, betas_w, global_orient_w, body_pose_w, transl_w, expression_w):
    # betas: shared across all frames -> always index row 0 (zeros_like(frame_ids))
    zero_idx = jnp.zeros_like(frame_ids)
    betas = jnp.take(betas_w, zero_idx, axis=0)
    # all other params: per-frame embedding lookup weight[frame_ids]
    global_orient = jnp.take(global_orient_w, frame_ids, axis=0)
    body_pose = jnp.take(body_pose_w, frame_ids, axis=0)
    transl = jnp.take(transl_w, frame_ids, axis=0)
    expression = jnp.take(expression_w, frame_ids, axis=0)
    # torch module returns xdict {node_id+'.'+name: tensor}; we return the values
    # in fixed param-name order (betas, global_orient, body_pose, transl, expression).
    return (betas, global_orient, body_pose, transl, expression)

if __name__ == "__main__":
    import jax
    _d = setup_inputs()
    print(jax.jit(kernel)(*tuple(_d.values())))

</pallas_src>

<mosaic_0001>
#map = affine_map<(d0, d1) -> (0, 0)>
module attributes {stable_mosaic.version = 14 : i64} {
  func.func @_body(%arg0: i32, %arg1: i32, %arg2: memref<128x128xi32, #tpu.memory_space<hbm>>, %arg3: memref<1x16xf32, #tpu.memory_space<hbm>>, %arg4: memref<100000x128xf32, #tpu.memory_space<hbm>>, %arg5: memref<16x16384xf32, #tpu.memory_space<hbm>>, %arg6: memref<8x16384xf32, #tpu.memory_space<hbm>>, %arg7: memref<64x16384xf32, #tpu.memory_space<hbm>>, %arg8: memref<8x16384xf32, #tpu.memory_space<hbm>>, %arg9: memref<16x16384xf32, #tpu.memory_space<hbm>>, %arg10: memref<4x128xi32, #tpu.memory_space<vmem>>, %arg11: memref<1x16xf32, #tpu.memory_space<vmem>>, %arg12: memref<512x128xf32, #tpu.memory_space<vmem>>, %arg13: memref<16x512xf32, #tpu.memory_space<vmem>>, %arg14: memref<8x512xf32, #tpu.memory_space<vmem>>, %arg15: memref<64x512xf32, #tpu.memory_space<vmem>>, %arg16: memref<8x512xf32, #tpu.memory_space<vmem>>, %arg17: memref<16x512xf32, #tpu.memory_space<vmem>>, %arg18: memref<!tpu.dma_semaphore, #tpu.memory_space<semaphore_mem>>, %arg19: memref<!tpu.dma_semaphore, #tpu.memory_space<semaphore_mem>>) attributes {dimension_semantics = [#tpu.dimension_semantics<core_parallel>, #tpu.dimension_semantics<subcore_parallel>], iteration_bounds = array<i64: 2, 16>, scalar_prefetch = 0 : i64, scratch_operands = 10 : i64, tpu.core_type = #tpu.core_type<sc_vector_subcore>, window_params = [{transform_indices = #map}, {transform_indices = #map}, {transform_indices = #map}, {transform_indices = #map}, {transform_indices = #map}, {transform_indices = #map}, {transform_indices = #map}, {transform_indices = #map}]} {
    %mul3A = arith.constant 2 : i32
    %mul3A_0 = arith.muli %arg1, %mul3A : i32
    %add3A = arith.addi %mul3A_0, %arg0 : i32
    %mul3A_1 = arith.constant 512 : i32
    %mul3A_2 = arith.muli %add3A, %mul3A_1 : i32
    %mul3A_3 = arith.constant 4 : i32
    %mul3A_4 = arith.muli %add3A, %mul3A_3 : i32
    "tpu.region"() ({
      %run_scoped3A = tpu.sem_alloc : memref<!tpu.dma_semaphore, #tpu.memory_space<semaphore_mem>>
      %dma_start3A_437 = arith.constant 0 : i32
      %dma_start3A_438 = tpu.memref_slice %arg2[%mul3A_4, %dma_start3A_437] : memref<128x128xi32, #tpu.memory_space<hbm>> -> memref<4x128xi32, #tpu.memory_space<hbm>>
      %dma_start3A_439 = arith.constant 0 : i32
      %dma_start3A_440 = tpu.memref_slice %arg2[%mul3A_4, %dma_start3A_439] : memref<128x128xi32, #tpu.memory_space<hbm>> -> memref<4x128xi32, #tpu.memory_space<hbm>>
      tpu.enqueue_dma source(%dma_start3A_440 : memref<4x128xi32, #tpu.memory_space<hbm>>) target(%arg10 : memref<4x128xi32, #tpu.memory_space<vmem>>) target_semaphore(%run_scoped3A : memref<!tpu.dma_semaphore, #tpu.memory_space<semaphore_mem>>)
      %dma_wait3A_441 = arith.constant 0 : i32
      %dma_wait3A_442 = tpu.memref_slice %arg2[%mul3A_4, %dma_wait3A_441] : memref<128x128xi32, #tpu.memory_space<hbm>> -> memref<4x128xi32, #tpu.memory_space<hbm>>
      %dma_wait3A_443 = arith.constant 0 : i32
      %dma_wait3A_444 = tpu.memref_slice %arg2[%mul3A_4, %dma_wait3A_443] : memref<128x128xi32, #tpu.memory_space<hbm>> -> memref<4x128xi32, #tpu.memory_space<hbm>>
      tpu.wait_dma2 semaphore(%run_scoped3A : memref<!tpu.dma_semaphore, #tpu.memory_space<semaphore_mem>>) src(%dma_wait3A_444 : memref<4x128xi32, #tpu.memory_space<hbm>>) dst(%arg10 : memref<4x128xi32, #tpu.memory_space<vmem>>)
      tpu.yield
    }) : () -> ()
    %dma_start3A = arith.constant 0 : i32
    %dma_start3A_5 = arith.constant 0 : i32
    %dma_start3A_6 = arith.constant 0 : i32
    %dma_start3A_7 = tpu.memref_slice %arg12[%dma_start3A_5, %dma_start3A_6] : memref<512x128xf32, #tpu.memory_space<vmem>> -> memref<128x128xf32, #tpu.memory_space<vmem>>
    %dma_start3A_8 = arith.constant 0 : i32
    %dma_start3A_9 = tpu.memref_slice %arg10[%dma_start3A, %dma_start3A_8] : memref<4x128xi32, #tpu.memory_space<vmem>> -> memref<1x128xi32, #tpu.memory_space<vmem>>
    %dma_start3A_10 = tpu.memref_squeeze %dma_start3A_9 : memref<1x128xi32, #tpu.memory_space<vmem>> -> memref<128xi32, #tpu.memory_space<vmem>>
    %dma_start3A_11 = arith.constant 0 : i32
    %dma_start3A_12 = arith.constant 0 : i32
    %dma_start3A_13 = tpu.memref_slice %arg4[%dma_start3A_11, %dma_start3A_12] : memref<100000x128xf32, #tpu.memory_space<hbm>> -> memref<100000x128xf32, #tpu.memory_space<hbm>>
    tpu.enqueue_indirect_dma source(%dma_start3A_13 : memref<100000x128xf32, #tpu.memory_space<hbm>>) target(%dma_start3A_7 : memref<128x128xf32, #tpu.memory_space<vmem>>) offsets(%dma_start3A_10 : memref<128xi32, #tpu.memory_space<vmem>>) semaphore(%arg18 : memref<!tpu.dma_semaphore, #tpu.memory_space<semaphore_mem>>)
    %dma_start3A_14 = arith.constant 1 : i32
    %dma_start3A_15 = arith.constant 128 : i32
    %dma_start3A_16 = arith.constant 0 : i32
    %dma_start3A_17 = tpu.memref_slice %arg12[%dma_start3A_15, %dma_start3A_16] : memref<512x128xf32, #tpu.memory_space<vmem>> -> memref<128x128xf32, #tpu.memory_space<vmem>>
    %dma_start3A_18 = arith.constant 0 : i32
    %dma_start3A_19 = tpu.memref_slice %arg10[%dma_start3A_14, %dma_start3A_18] : memref<4x128xi32, #tpu.memory_space<vmem>> -> memref<1x128xi32, #tpu.memory_space<vmem>>
    %dma_start3A_20 = tpu.memref_squeeze %dma_start3A_19 : memref<1x128xi32, #tpu.memory_space<vmem>> -> memref<128xi32, #tpu.memory_space<vmem>>
    %dma_start3A_21 = arith.constant 0 : i32
    %dma_start3A_22 = arith.constant 0 : i32
    %dma_start3A_23 = tpu.memref_slice %arg4[%dma_start3A_21, %dma_start3A_22] : memref<100000x128xf32, #tpu.memory_space<hbm>> -> memref<100000x128xf32, #tpu.memory_space<hbm>>
    tpu.enqueue_indirect_dma source(%dma_start3A_23 : memref<100000x128xf32, #tpu.memory_space<hbm>>) target(%dma_start3A_17 : memref<128x128xf32, #tpu.memory_space<vmem>>) offsets(%dma_start3A_20 : memref<128xi32, #tpu.memory_space<vmem>>) semaphore(%arg18 : memref<!tpu.dma_semaphore, #tpu.memory_space<semaphore_mem>>)
    %dma_start3A_24 = arith.constant 2 : i32
    %dma_start3A_25 = arith.constant 256 : i32
    %dma_start3A_26 = arith.constant 0 : i32
    %dma_start3A_27 = tpu.memref_slice %arg12[%dma_start3A_25, %dma_start3A_26] : memref<512x128xf32, #tpu.memory_space<vmem>> -> memref<128x128xf32, #tpu.memory_space<vmem>>
    %dma_start3A_28 = arith.constant 0 : i32
    %dma_start3A_29 = tpu.memref_slice %arg10[%dma_start3A_24, %dma_start3A_28] : memref<4x128xi32, #tpu.memory_space<vmem>> -> memref<1x128xi32, #tpu.memory_space<vmem>>
    %dma_start3A_30 = tpu.memref_squeeze %dma_start3A_29 : memref<1x128xi32, #tpu.memory_space<vmem>> -> memref<128xi32, #tpu.memory_space<vmem>>
    %dma_start3A_31 = arith.constant 0 : i32
    %dma_start3A_32 = arith.constant 0 : i32
    %dma_start3A_33 = tpu.memref_slice %arg4[%dma_start3A_31, %dma_start3A_32] : memref<100000x128xf32, #tpu.memory_space<hbm>> -> memref<100000x128xf32, #tpu.memory_space<hbm>>
    tpu.enqueue_indirect_dma source(%dma_start3A_33 : memref<100000x128xf32, #tpu.memory_space<hbm>>) target(%dma_start3A_27 : memref<128x128xf32, #tpu.memory_space<vmem>>) offsets(%dma_start3A_30 : memref<128xi32, #tpu.memory_space<vmem>>) semaphore(%arg18 : memref<!tpu.dma_semaphore, #tpu.memory_space<semaphore_mem>>)
    %dma_start3A_34 = arith.constant 3 : i32
    %dma_start3A_35 = arith.constant 384 : i32
    %dma_start3A_36 = arith.constant 0 : i32
    %dma_start3A_37 = tpu.memref_slice %arg12[%dma_start3A_35, %dma_start3A_36] : memref<512x128xf32, #tpu.memory_space<vmem>> -> memref<128x128xf32, #tpu.memory_space<vmem>>
    %dma_start3A_38 = arith.constant 0 : i32
    %dma_start3A_39 = tpu.memref_slice %arg10[%dma_start3A_34, %dma_start3A_38] : memref<4x128xi32, #tpu.memory_space<vmem>> -> memref<1x128xi32, #tpu.memory_space<vmem>>
    %dma_start3A_40 = tpu.memref_squeeze %dma_start3A_39 : memref<1x128xi32, #tpu.memory_space<vmem>> -> memref<128xi32, #tpu.memory_space<vmem>>
    %dma_start3A_41 = arith.constant 0 : i32
    %dma_start3A_42 = arith.constant 0 : i32
    %dma_start3A_43 = tpu.memref_slice %arg4[%dma_start3A_41, %dma_start3A_42] : memref<100000x128xf32, #tpu.memory_space<hbm>> -> memref<100000x128xf32, #tpu.memory_space<hbm>>
    tpu.enqueue_indirect_dma source(%dma_start3A_43 : memref<100000x128xf32, #tpu.memory_space<hbm>>) target(%dma_start3A_37 : memref<128x128xf32, #tpu.memory_space<vmem>>) offsets(%dma_start3A_40 : memref<128xi32, #tpu.memory_space<vmem>>) semaphore(%arg18 : memref<!tpu.dma_semaphore, #tpu.memory_space<semaphore_mem>>)
    "tpu.region"() ({
      %run_scoped3A = tpu.sem_alloc : memref<!tpu.dma_semaphore, #tpu.memory_space<semaphore_mem>>
      tpu.enqueue_dma source(%arg3 : memref<1x16xf32, #tpu.memory_space<hbm>>) target(%arg11 : memref<1x16xf32, #tpu.memory_space<vmem>>) target_semaphore(%run_scoped3A : memref<!tpu.dma_semaphore, #tpu.memory_space<semaphore_mem>>)
      tpu.wait_dma2 semaphore(%run_scoped3A : memref<!tpu.dma_semaphore, #tpu.memory_space<semaphore_mem>>) src(%arg3 : memref<1x16xf32, #tpu.memory_space<hbm>>) dst(%arg11 : memref<1x16xf32, #tpu.memory_space<vmem>>)
      tpu.yield
    }) : () -> ()
    %get3A = arith.constant 0 : i32
    %get3A_44 = arith.index_cast %get3A : i32 to index
    %get3A_45 = arith.constant 0 : index
    %get3A_46 = tpu.vector_load %arg11[%get3A_44, %get3A_45] {strides = array<i32>} : memref<1x16xf32, #tpu.memory_space<vmem>>, vector<16xf32>,
    %iota3A = tpu.iota {dimensions = array<i32: 0>} : vector<16xi32>
    %eq3A = arith.constant 0 : i32
    %eq3A_47 = vector.broadcast %eq3A : i32 to vector<16xi32>
    %eq3A_48 = arith.cmpi eq, %iota3A, %eq3A_47 : vector<16xi32>
    %jit3A = arith.constant 0.000000e+00 : f32
    %broadcast_in_dim3A = vector.broadcast %jit3A : f32 to vector<16xf32>
    %select_n3A = arith.select %eq3A_48, %get3A_46, %broadcast_in_dim3A : vector<16xi1>, vector<16xf32>
    %reduce_sum3A = arith.constant true
    %reduce_sum3A_49 = vector.broadcast %reduce_sum3A : i1 to vector<16xi1>
    %reduce_sum3A_50 = tpu.scan <sum>, %select_n3A masked %reduce_sum3A_49 : vector<16xf32>, vector<16xi1> -> vector<16xf32>
    %reduce_sum3A_51 = vector.extract %reduce_sum3A_50[15] : f32 from vector<16xf32>
    %broadcast_in_dim3A_52 = vector.broadcast %reduce_sum3A_51 : f32 to vector<16xf32>
    %scan3A = arith.constant 0 : i32
    %scan3A_53 = arith.constant 0 : i32
    %scan3A_54 = arith.constant 32 : i32
    %scan3A_55 = arith.addi %scan3A_53, %scan3A_54 : i32
    %scan3A_56 = arith.constant 1 : i32
    %scan3A_57 = scf.for %scan3A_437 = %scan3A_53 to %scan3A_55 step %scan3A_56 iter_args(%scan3A_438 = %scan3A) -> (i32)  : i32 {
      %mul3A_439 = arith.constant 16 : i32
      %mul3A_440 = arith.muli %scan3A_437, %mul3A_439 : i32
      %swap3A = arith.constant 0 : i32
      %swap3A_441 = arith.index_cast %swap3A : i32 to index
      %swap3A_442 = arith.index_cast %mul3A_440 : i32 to index
      %swap3A_443 = tpu.vector_load %arg13[%swap3A_441, %swap3A_442] {strides = array<i32>} : memref<16x512xf32, #tpu.memory_space<vmem>>, vector<16xf32>,
      tpu.vector_store %arg13[%swap3A_441, %swap3A_442], %broadcast_in_dim3A_52 {strides = array<i32>} : memref<16x512xf32, #tpu.memory_space<vmem>>, vector<16xf32>,
      %scan3A_444 = arith.constant 0 : i32
      scf.yield %scan3A_444 : i32
    }
    %scan3A_58 = arith.constant 32 : i32
    %eq3A_59 = arith.constant 1 : i32
    %eq3A_60 = vector.broadcast %eq3A_59 : i32 to vector<16xi32>
    %eq3A_61 = arith.cmpi eq, %iota3A, %eq3A_60 : vector<16xi32>
    %jit3A_62 = arith.constant 0.000000e+00 : f32
    %broadcast_in_dim3A_63 = vector.broadcast %jit3A_62 : f32 to vector<16xf32>
    %select_n3A_64 = arith.select %eq3A_61, %get3A_46, %broadcast_in_dim3A_63 : vector<16xi1>, vector<16xf32>
    %reduce_sum3A_65 = arith.constant true
    %reduce_sum3A_66 = vector.broadcast %reduce_sum3A_65 : i1 to vector<16xi1>
    %reduce_sum3A_67 = tpu.scan <sum>, %select_n3A_64 masked %reduce_sum3A_66 : vector<16xf32>, vector<16xi1> -> vector<16xf32>
    %reduce_sum3A_68 = vector.extract %reduce_sum3A_67[15] : f32 from vector<16xf32>
    %broadcast_in_dim3A_69 = vector.broadcast %reduce_sum3A_68 : f32 to vector<16xf32>
    %scan3A_70 = arith.constant 0 : i32
    %scan3A_71 = arith.constant 0 : i32
    %scan3A_72 = arith.constant 32 : i32
    %scan3A_73 = arith.addi %scan3A_71, %scan3A_72 : i32
    %scan3A_74 = arith.constant 1 : i32
    %scan3A_75 = scf.for %scan3A_437 = %scan3A_71 to %scan3A_73 step %scan3A_74 iter_args(%scan3A_438 = %scan3A_70) -> (i32)  : i32 {
      %mul3A_439 = arith.constant 16 : i32
      %mul3A_440 = arith.muli %scan3A_437, %mul3A_439 : i32
      %swap3A = arith.constant 1 : i32
      %swap3A_441 = arith.index_cast %swap3A : i32 to index
      %swap3A_442 = arith.index_cast %mul3A_440 : i32 to index
      %swap3A_443 = tpu.vector_load %arg13[%swap3A_441, %swap3A_442] {strides = array<i32>} : memref<16x512xf32, #tpu.memory_space<vmem>>, vector<16xf32>,
      tpu.vector_store %arg13[%swap3A_441, %swap3A_442], %broadcast_in_dim3A_69 {strides = array<i32>} : memref<16x512xf32, #tpu.memory_space<vmem>>, vector<16xf32>,
      %scan3A_444 = arith.constant 0 : i32
      scf.yield %scan3A_444 : i32
    }
    %scan3A_76 = arith.constant 32 : i32
    %eq3A_77 = arith.constant 2 : i32
    %eq3A_78 = vector.broadcast %eq3A_77 : i32 to vector<16xi32>
    %eq3A_79 = arith.cmpi eq, %iota3A, %eq3A_78 : vector<16xi32>
    %jit3A_80 = arith.constant 0.000000e+00 : f32
    %broadcast_in_dim3A_81 = vector.broadcast %jit3A_80 : f32 to vector<16xf32>
    %select_n3A_82 = arith.select %eq3A_79, %get3A_46, %broadcast_in_dim3A_81 : vector<16xi1>, vector<16xf32>
    %reduce_sum3A_83 = arith.constant true
    %reduce_sum3A_84 = vector.broadcast %reduce_sum3A_83 : i1 to vector<16xi1>
    %reduce_sum3A_85 = tpu.scan <sum>, %select_n3A_82 masked %reduce_sum3A_84 : vector<16xf32>, vector<16xi1> -> vector<16xf32>
    %reduce_sum3A_86 = vector.extract %reduce_sum3A_85[15] : f32 from vector<16xf32>
    %broadcast_in_dim3A_87 = vector.broadcast %reduce_sum3A_86 : f32 to vector<16xf32>
    %scan3A_88 = arith.constant 0 : i32
    %scan3A_89 = arith.constant 0 : i32
    %scan3A_90 = arith.constant 32 : i32
    %scan3A_91 = arith.addi %scan3A_89, %scan3A_90 : i32
    %scan3A_92 = arith.constant 1 : i32
    %scan3A_93 = scf.for %scan3A_437 = %scan3A_89 to %scan3A_91 step %scan3A_92 iter_args(%scan3A_438 = %scan3A_88) -> (i32)  : i32 {
      %mul3A_439 = arith.constant 16 : i32
      %mul3A_440 = arith.muli %scan3A_437, %mul3A_439 : i32
      %swap3A = arith.constant 2 : i32
      %swap3A_441 = arith.index_cast %swap3A : i32 to index
      %swap3A_442 = arith.index_cast %mul3A_440 : i32 to index
      %swap3A_443 = tpu.vector_load %arg13[%swap3A_441, %swap3A_442] {strides = array<i32>} : memref<16x512xf32, #tpu.memory_space<vmem>>, vector<16xf32>,
      tpu.vector_store %arg13[%swap3A_441, %swap3A_442], %broadcast_in_dim3A_87 {strides = array<i32>} : memref<16x512xf32, #tpu.memory_space<vmem>>, vector<16xf32>,
      %scan3A_444 = arith.constant 0 : i32
      scf.yield %scan3A_444 : i32
    }
    %scan3A_94 = arith.constant 32 : i32
    %eq3A_95 = arith.constant 3 : i32
    %eq3A_96 = vector.broadcast %eq3A_95 : i32 to vector<16xi32>
    %eq3A_97 = arith.cmpi eq, %iota3A, %eq3A_96 : vector<16xi32>
    %jit3A_98 = arith.constant 0.000000e+00 : f32
    %broadcast_in_dim3A_99 = vector.broadcast %jit3A_98 : f32 to vector<16xf32>
    %select_n3A_100 = arith.select %eq3A_97, %get3A_46, %broadcast_in_dim3A_99 : vector<16xi1>, vector<16xf32>
    %reduce_sum3A_101 = arith.constant true
    %reduce_sum3A_102 = vector.broadcast %reduce_sum3A_101 : i1 to vector<16xi1>
    %reduce_sum3A_103 = tpu.scan <sum>, %select_n3A_100 masked %reduce_sum3A_102 : vector<16xf32>, vector<16xi1> -> vector<16xf32>
    %reduce_sum3A_104 = vector.extract %reduce_sum3A_103[15] : f32 from vector<16xf32>
    %broadcast_in_dim3A_105 = vector.broadcast %reduce_sum3A_104 : f32 to vector<16xf32>
    %scan3A_106 = arith.constant 0 : i32
    %scan3A_107 = arith.constant 0 : i32
    %scan3A_108 = arith.constant 32 : i32
    %scan3A_109 = arith.addi %scan3A_107, %scan3A_108 : i32
    %scan3A_110 = arith.constant 1 : i32
    %scan3A_111 = scf.for %scan3A_437 = %scan3A_107 to %scan3A_109 step %scan3A_110 iter_args(%scan3A_438 = %scan3A_106) -> (i32)  : i32 {
      %mul3A_439 = arith.constant 16 : i32
      %mul3A_440 = arith.muli %scan3A_437, %mul3A_439 : i32
      %swap3A = arith.constant 3 : i32
      %swap3A_441 = arith.index_cast %swap3A : i32 to index
      %swap3A_442 = arith.index_cast %mul3A_440 : i32 to index
      %swap3A_443 = tpu.vector_load %arg13[%swap3A_441, %swap3A_442] {strides = array<i32>} : memref<16x512xf32, #tpu.memory_space<vmem>>, vector<16xf32>,
      tpu.vector_store %arg13[%swap3A_441, %swap3A_442], %broadcast_in_dim3A_105 {strides = array<i32>} : memref<16x512xf32, #tpu.memory_space<vmem>>, vector<16xf32>,
      %scan3A_444 = arith.constant 0 : i32
      scf.yield %scan3A_444 : i32
    }
    %scan3A_112 = arith.constant 32 : i32
    %eq3A_113 = arith.constant 4 : i32
    %eq3A_114 = vector.broadcast %eq3A_113 : i32 to vector<16xi32>
    %eq3A_115 = arith.cmpi eq, %iota3A, %eq3A_114 : vector<16xi32>
    %jit3A_116 = arith.constant 0.000000e+00 : f32
    %broadcast_in_dim3A_117 = vector.broadcast %jit3A_116 : f32 to vector<16xf32>
    %select_n3A_118 = arith.select %eq3A_115, %get3A_46, %broadcast_in_dim3A_117 : vector<16xi1>, vector<16xf32>
    %reduce_sum3A_119 = arith.constant true
    %reduce_sum3A_120 = vector.broadcast %reduce_sum3A_119 : i1 to vector<16xi1>
    %reduce_sum3A_121 = tpu.scan <sum>, %select_n3A_118 masked %reduce_sum3A_120 : vector<16xf32>, vector<16xi1> -> vector<16xf32>
    %reduce_sum3A_122 = vector.extract %reduce_sum3A_121[15] : f32 from vector<16xf32>
    %broadcast_in_dim3A_123 = vector.broadcast %reduce_sum3A_122 : f32 to vector<16xf32>
    %scan3A_124 = arith.constant 0 : i32
    %scan3A_125 = arith.constant 0 : i32
    %scan3A_126 = arith.constant 32 : i32
    %scan3A_127 = arith.addi %scan3A_125, %scan3A_126 : i32
    %scan3A_128 = arith.constant 1 : i32
    %scan3A_129 = scf.for %scan3A_437 = %scan3A_125 to %scan3A_127 step %scan3A_128 iter_args(%scan3A_438 = %scan3A_124) -> (i32)  : i32 {
      %mul3A_439 = arith.constant 16 : i32
      %mul3A_440 = arith.muli %scan3A_437, %mul3A_439 : i32
      %swap3A = arith.constant 4 : i32
      %swap3A_441 = arith.index_cast %swap3A : i32 to index
      %swap3A_442 = arith.index_cast %mul3A_440 : i32 to index
      %swap3A_443 = tpu.vector_load %arg13[%swap3A_441, %swap3A_442] {strides = array<i32>} : memref<16x512xf32, #tpu.memory_space<vmem>>, vector<16xf32>,
      tpu.vector_store %arg13[%swap3A_441, %swap3A_442], %broadcast_in_dim3A_123 {strides = array<i32>} : memref<16x512xf32, #tpu.memory_space<vmem>>, vector<16xf32>,
      %scan3A_444 = arith.constant 0 : i32
      scf.yield %scan3A_444 : i32
    }
    %scan3A_130 = arith.constant 32 : i32
    %eq3A_131 = arith.constant 5 : i32
    %eq3A_132 = vector.broadcast %eq3A_131 : i32 to vector<16xi32>
    %eq3A_133 = arith.cmpi eq, %iota3A, %eq3A_132 : vector<16xi32>
    %jit3A_134 = arith.constant 0.000000e+00 : f32
    %broadcast_in_dim3A_135 = vector.broadcast %jit3A_134 : f32 to vector<16xf32>
    %select_n3A_136 = arith.select %eq3A_133, %get3A_46, %broadcast_in_dim3A_135 : vector<16xi1>, vector<16xf32>
    %reduce_sum3A_137 = arith.constant true
    %reduce_sum3A_138 = vector.broadcast %reduce_sum3A_137 : i1 to vector<16xi1>
    %reduce_sum3A_139 = tpu.scan <sum>, %select_n3A_136 masked %reduce_sum3A_138 : vector<16xf32>, vector<16xi1> -> vector<16xf32>
    %reduce_sum3A_140 = vector.extract %reduce_sum3A_139[15] : f32 from vector<16xf32>
    %broadcast_in_dim3A_141 = vector.broadcast %reduce_sum3A_140 : f32 to vector<16xf32>
    %scan3A_142 = arith.constant 0 : i32
    %scan3A_143 = arith.constant 0 : i32
    %scan3A_144 = arith.constant 32 : i32
    %scan3A_145 = arith.addi %scan3A_143, %scan3A_144 : i32
    %scan3A_146 = arith.constant 1 : i32
    %scan3A_147 = scf.for %scan3A_437 = %scan3A_143 to %scan3A_145 step %scan3A_146 iter_args(%scan3A_438 = %scan3A_142) -> (i32)  : i32 {
      %mul3A_439 = arith.constant 16 : i32
      %mul3A_440 = arith.muli %scan3A_437, %mul3A_439 : i32
      %swap3A = arith.constant 5 : i32
      %swap3A_441 = arith.index_cast %swap3A : i32 to index
      %swap3A_442 = arith.index_cast %mul3A_440 : i32 to index
      %swap3A_443 = tpu.vector_load %arg13[%swap3A_441, %swap3A_442] {strides = array<i32>} : memref<16x512xf32, #tpu.memory_space<vmem>>, vector<16xf32>,
      tpu.vector_store %arg13[%swap3A_441, %swap3A_442], %broadcast_in_dim3A_141 {strides = array<i32>} : memref<16x512xf32, #tpu.memory_space<vmem>>, vector<16xf32>,
      %scan3A_444 = arith.constant 0 : i32
      scf.yield %scan3A_444 : i32
    }
    %scan3A_148 = arith.constant 32 : i32
    %eq3A_149 = arith.constant 6 : i32
    %eq3A_150 = vector.broadcast %eq3A_149 : i32 to vector<16xi32>
    %eq3A_151 = arith.cmpi eq, %iota3A, %eq3A_150 : vector<16xi32>
    %jit3A_152 = arith.constant 0.000000e+00 : f32
    %broadcast_in_dim3A_153 = vector.broadcast %jit3A_152 : f32 to vector<16xf32>
    %select_n3A_154 = arith.select %eq3A_151, %get3A_46, %broadcast_in_dim3A_153 : vector<16xi1>, vector<16xf32>
    %reduce_sum3A_155 = arith.constant true
    %reduce_sum3A_156 = vector.broadcast %reduce_sum3A_155 : i1 to vector<16xi1>
    %reduce_sum3A_157 = tpu.scan <sum>, %select_n3A_154 masked %reduce_sum3A_156 : vector<16xf32>, vector<16xi1> -> vector<16xf32>
    %reduce_sum3A_158 = vector.extract %reduce_sum3A_157[15] : f32 from vector<16xf32>
    %broadcast_in_dim3A_159 = vector.broadcast %reduce_sum3A_158 : f32 to vector<16xf32>
    %scan3A_160 = arith.constant 0 : i32
    %scan3A_161 = arith.constant 0 : i32
    %scan3A_162 = arith.constant 32 : i32
    %scan3A_163 = arith.addi %scan3A_161, %scan3A_162 : i32
    %scan3A_164 = arith.constant 1 : i32
    %scan3A_165 = scf.for %scan3A_437 = %scan3A_161 to %scan3A_163 step %scan3A_164 iter_args(%scan3A_438 = %scan3A_160) -> (i32)  : i32 {
      %mul3A_439 = arith.constant 16 : i32
      %mul3A_440 = arith.muli %scan3A_437, %mul3A_439 : i32
      %swap3A = arith.constant 6 : i32
      %swap3A_441 = arith.index_cast %swap3A : i32 to index
      %swap3A_442 = arith.index_cast %mul3A_440 : i32 to index
      %swap3A_443 = tpu.vector_load %arg13[%swap3A_441, %swap3A_442] {strides = array<i32>} : memref<16x512xf32, #tpu.memory_space<vmem>>, vector<16xf32>,
      tpu.vector_store %arg13[%swap3A_441, %swap3A_442], %broadcast_in_dim3A_159 {strides = array<i32>} : memref<16x512xf32, #tpu.memory_space<vmem>>, vector<16xf32>,
      %scan3A_444 = arith.constant 0 : i32
      scf.yield %scan3A_444 : i32
    }
    %scan3A_166 = arith.constant 32 : i32
    %eq3A_167 = arith.constant 7 : i32
    %eq3A_168 = vector.broadcast %eq3A_167 : i32 to vector<16xi32>
    %eq3A_169 = arith.cmpi eq, %iota3A, %eq3A_168 : vector<16xi32>
    %jit3A_170 = arith.constant 0.000000e+00 : f32
    %broadcast_in_dim3A_171 = vector.broadcast %jit3A_170 : f32 to vector<16xf32>
    %select_n3A_172 = arith.select %eq3A_169, %get3A_46, %broadcast_in_dim3A_171 : vector<16xi1>, vector<16xf32>
    %reduce_sum3A_173 = arith.constant true
    %reduce_sum3A_174 = vector.broadcast %reduce_sum3A_173 : i1 to vector<16xi1>
    %reduce_sum3A_175 = tpu.scan <sum>, %select_n3A_172 masked %reduce_sum3A_174 : vector<16xf32>, vector<16xi1> -> vector<16xf32>
    %reduce_sum3A_176 = vector.extract %reduce_sum3A_175[15] : f32 from vector<16xf32>
    %broadcast_in_dim3A_177 = vector.broadcast %reduce_sum3A_176 : f32 to vector<16xf32>
    %scan3A_178 = arith.constant 0 : i32
    %scan3A_179 = arith.constant 0 : i32
    %scan3A_180 = arith.constant 32 : i32
    %scan3A_181 = arith.addi %scan3A_179, %scan3A_180 : i32
    %scan3A_182 = arith.constant 1 : i32
    %scan3A_183 = scf.for %scan3A_437 = %scan3A_179 to %scan3A_181 step %scan3A_182 iter_args(%scan3A_438 = %scan3A_178) -> (i32)  : i32 {
      %mul3A_439 = arith.constant 16 : i32
      %mul3A_440 = arith.muli %scan3A_437, %mul3A_439 : i32
      %swap3A = arith.constant 7 : i32
      %swap3A_441 = arith.index_cast %swap3A : i32 to index
      %swap3A_442 = arith.index_cast %mul3A_440 : i32 to index
      %swap3A_443 = tpu.vector_load %arg13[%swap3A_441, %swap3A_442] {strides = array<i32>} : memref<16x512xf32, #tpu.memory_space<vmem>>, vector<16xf32>,
      tpu.vector_store %arg13[%swap3A_441, %swap3A_442], %broadcast_in_dim3A_177 {strides = array<i32>} : memref<16x512xf32, #tpu.memory_space<vmem>>, vector<16xf32>,
      %scan3A_444 = arith.constant 0 : i32
      scf.yield %scan3A_444 : i32
    }
    %scan3A_184 = arith.constant 32 : i32
    %eq3A_185 = arith.constant 8 : i32
    %eq3A_186 = vector.broadcast %eq3A_185 : i32 to vector<16xi32>
    %eq3A_187 = arith.cmpi eq, %iota3A, %eq3A_186 : vector<16xi32>
    %jit3A_188 = arith.constant 0.000000e+00 : f32
    %broadcast_in_dim3A_189 = vector.broadcast %jit3A_188 : f32 to vector<16xf32>
    %select_n3A_190 = arith.select %eq3A_187, %get3A_46, %broadcast_in_dim3A_189 : vector<16xi1>, vector<16xf32>
    %reduce_sum3A_191 = arith.constant true
    %reduce_sum3A_192 = vector.broadcast %reduce_sum3A_191 : i1 to vector<16xi1>
    %reduce_sum3A_193 = tpu.scan <sum>, %select_n3A_190 masked %reduce_sum3A_192 : vector<16xf32>, vector<16xi1> -> vector<16xf32>
    %reduce_sum3A_194 = vector.extract %reduce_sum3A_193[15] : f32 from vector<16xf32>
    %broadcast_in_dim3A_195 = vector.broadcast %reduce_sum3A_194 : f32 to vector<16xf32>
    %scan3A_196 = arith.constant 0 : i32
    %scan3A_197 = arith.constant 0 : i32
    %scan3A_198 = arith.constant 32 : i32
    %scan3A_199 = arith.addi %scan3A_197, %scan3A_198 : i32
    %scan3A_200 = arith.constant 1 : i32
    %scan3A_201 = scf.for %scan3A_437 = %scan3A_197 to %scan3A_199 step %scan3A_200 iter_args(%scan3A_438 = %scan3A_196) -> (i32)  : i32 {
      %mul3A_439 = arith.constant 16 : i32
      %mul3A_440 = arith.muli %scan3A_437, %mul3A_439 : i32
      %swap3A = arith.constant 8 : i32
      %swap3A_441 = arith.index_cast %swap3A : i32 to index
      %swap3A_442 = arith.index_cast %mul3A_440 : i32 to index
      %swap3A_443 = tpu.vector_load %arg13[%swap3A_441, %swap3A_442] {strides = array<i32>} : memref<16x512xf32, #tpu.memory_space<vmem>>, vector<16xf32>,
      tpu.vector_store %arg13[%swap3A_441, %swap3A_442], %broadcast_in_dim3A_195 {strides = array<i32>} : memref<16x512xf32, #tpu.memory_space<vmem>>, vector<16xf32>,
      %scan3A_444 = arith.constant 0 : i32
      scf.yield %scan3A_444 : i32
    }
    %scan3A_202 = arith.constant 32 : i32
    %eq3A_203 = arith.constant 9 : i32
    %eq3A_204 = vector.broadcast %eq3A_203 : i32 to vector<16xi32>
    %eq3A_205 = arith.cmpi eq, %iota3A, %eq3A_204 : vector<16xi32>
    %jit3A_206 = arith.constant 0.000000e+00 : f32
    %broadcast_in_dim3A_207 = vector.broadcast %jit3A_206 : f32 to vector<16xf32>
    %select_n3A_208 = arith.select %eq3A_205, %get3A_46, %broadcast_in_dim3A_207 : vector<16xi1>, vector<16xf32>
    %reduce_sum3A_209 = arith.constant true
    %reduce_sum3A_210 = vector.broadcast %reduce_sum3A_209 : i1 to vector<16xi1>
    %reduce_sum3A_211 = tpu.scan <sum>, %select_n3A_208 masked %reduce_sum3A_210 : vector<16xf32>, vector<16xi1> -> vector<16xf32>
    %reduce_sum3A_212 = vector.extract %reduce_sum3A_211[15] : f32 from vector<16xf32>
    %broadcast_in_dim3A_213 = vector.broadcast %reduce_sum3A_212 : f32 to vector<16xf32>
    %scan3A_214 = arith.constant 0 : i32
    %scan3A_215 = arith.constant 0 : i32
    %scan3A_216 = arith.constant 32 : i32
    %scan3A_217 = arith.addi %scan3A_215, %scan3A_216 : i32
    %scan3A_218 = arith.constant 1 : i32
    %scan3A_219 = scf.for %scan3A_437 = %scan3A_215 to %scan3A_217 step %scan3A_218 iter_args(%scan3A_438 = %scan3A_214) -> (i32)  : i32 {
      %mul3A_439 = arith.constant 16 : i32
      %mul3A_440 = arith.muli %scan3A_437, %mul3A_439 : i32
      %swap3A = arith.constant 9 : i32
      %swap3A_441 = arith.index_cast %swap3A : i32 to index
      %swap3A_442 = arith.index_cast %mul3A_440 : i32 to index
      %swap3A_443 = tpu.vector_load %arg13[%swap3A_441, %swap3A_442] {strides = array<i32>} : memref<16x512xf32, #tpu.memory_space<vmem>>, vector<16xf32>,
      tpu.vector_store %arg13[%swap3A_441, %swap3A_442], %broadcast_in_dim3A_213 {strides = array<i32>} : memref<16x512xf32, #tpu.memory_space<vmem>>, vector<16xf32>,
      %scan3A_444 = arith.constant 0 : i32
      scf.yield %scan3A_444 : i32
    }
    %scan3A_220 = arith.constant 32 : i32
    %eq3A_221 = arith.constant 10 : i32
    %eq3A_222 = vector.broadcast %eq3A_221 : i32 to vector<16xi32>
    %eq3A_223 = arith.cmpi eq, %iota3A, %eq3A_222 : vector<16xi32>
    %jit3A_224 = arith.constant 0.000000e+00 : f32
    %broadcast_in_dim3A_225 = vector.broadcast %jit3A_224 : f32 to vector<16xf32>
    %select_n3A_226 = arith.select %eq3A_223, %get3A_46, %broadcast_in_dim3A_225 : vector<16xi1>, vector<16xf32>
    %reduce_sum3A_227 = arith.constant true
    %reduce_sum3A_228 = vector.broadcast %reduce_sum3A_227 : i1 to vector<16xi1>
    %reduce_sum3A_229 = tpu.scan <sum>, %select_n3A_226 masked %reduce_sum3A_228 : vector<16xf32>, vector<16xi1> -> vector<16xf32>
    %reduce_sum3A_230 = vector.extract %reduce_sum3A_229[15] : f32 from vector<16xf32>
    %broadcast_in_dim3A_231 = vector.broadcast %reduce_sum3A_230 : f32 to vector<16xf32>
    %scan3A_232 = arith.constant 0 : i32
    %scan3A_233 = arith.constant 0 : i32
    %scan3A_234 = arith.constant 32 : i32
    %scan3A_235 = arith.addi %scan3A_233, %scan3A_234 : i32
    %scan3A_236 = arith.constant 1 : i32
    %scan3A_237 = scf.for %scan3A_437 = %scan3A_233 to %scan3A_235 step %scan3A_236 iter_args(%scan3A_438 = %scan3A_232) -> (i32)  : i32 {
      %mul3A_439 = arith.constant 16 : i32
      %mul3A_440 = arith.muli %scan3A_437, %mul3A_439 : i32
      %swap3A = arith.constant 10 : i32
      %swap3A_441 = arith.index_cast %swap3A : i32 to index
      %swap3A_442 = arith.index_cast %mul3A_440 : i32 to index
      %swap3A_443 = tpu.vector_load %arg13[%swap3A_441, %swap3A_442] {strides = array<i32>} : memref<16x512xf32, #tpu.memory_space<vmem>>, vector<16xf32>,
      tpu.vector_store %arg13[%swap3A_441, %swap3A_442], %broadcast_in_dim3A_231 {strides = array<i32>} : memref<16x512xf32, #tpu.memory_space<vmem>>, vector<16xf32>,
      %scan3A_444 = arith.constant 0 : i32
      scf.yield %scan3A_444 : i32
    }
    %scan3A_238 = arith.constant 32 : i32
    %eq3A_239 = arith.constant 11 : i32
    %eq3A_240 = vector.broadcast %eq3A_239 : i32 to vector<16xi32>
    %eq3A_241 = arith.cmpi eq, %iota3A, %eq3A_240 : vector<16xi32>
    %jit3A_242 = arith.constant 0.000000e+00 : f32
    %broadcast_in_dim3A_243 = vector.broadcast %jit3A_242 : f32 to vector<16xf32>
    %select_n3A_244 = arith.select %eq3A_241, %get3A_46, %broadcast_in_dim3A_243 : vector<16xi1>, vector<16xf32>
    %reduce_sum3A_245 = arith.constant true
    %reduce_sum3A_246 = vector.broadcast %reduce_sum3A_245 : i1 to vector<16xi1>
    %reduce_sum3A_247 = tpu.scan <sum>, %select_n3A_244 masked %reduce_sum3A_246 : vector<16xf32>, vector<16xi1> -> vector<16xf32>
    %reduce_sum3A_248 = vector.extract %reduce_sum3A_247[15] : f32 from vector<16xf32>
    %broadcast_in_dim3A_249 = vector.broadcast %reduce_sum3A_248 : f32 to vector<16xf32>
    %scan3A_250 = arith.constant 0 : i32
    %scan3A_251 = arith.constant 0 : i32
    %scan3A_252 = arith.constant 32 : i32
    %scan3A_253 = arith.addi %scan3A_251, %scan3A_252 : i32
    %scan3A_254 = arith.constant 1 : i32
    %scan3A_255 = scf.for %scan3A_437 = %scan3A_251 to %scan3A_253 step %scan3A_254 iter_args(%scan3A_438 = %scan3A_250) -> (i32)  : i32 {
      %mul3A_439 = arith.constant 16 : i32
      %mul3A_440 = arith.muli %scan3A_437, %mul3A_439 : i32
      %swap3A = arith.constant 11 : i32
      %swap3A_441 = arith.index_cast %swap3A : i32 to index
      %swap3A_442 = arith.index_cast %mul3A_440 : i32 to index
      %swap3A_443 = tpu.vector_load %arg13[%swap3A_441, %swap3A_442] {strides = array<i32>} : memref<16x512xf32, #tpu.memory_space<vmem>>, vector<16xf32>,
      tpu.vector_store %arg13[%swap3A_441, %swap3A_442], %broadcast_in_dim3A_249 {strides = array<i32>} : memref<16x512xf32, #tpu.memory_space<vmem>>, vector<16xf32>,
      %scan3A_444 = arith.constant 0 : i32
      scf.yield %scan3A_444 : i32
    }
    %scan3A_256 = arith.constant 32 : i32
    %eq3A_257 = arith.constant 12 : i32
    %eq3A_258 = vector.broadcast %eq3A_257 : i32 to vector<16xi32>
    %eq3A_259 = arith.cmpi eq, %iota3A, %eq3A_258 : vector<16xi32>
    %jit3A_260 = arith.constant 0.000000e+00 : f32
    %broadcast_in_dim3A_261 = vector.broadcast %jit3A_260 : f32 to vector<16xf32>
    %select_n3A_262 = arith.select %eq3A_259, %get3A_46, %broadcast_in_dim3A_261 : vector<16xi1>, vector<16xf32>
    %reduce_sum3A_263 = arith.constant true
    %reduce_sum3A_264 = vector.broadcast %reduce_sum3A_263 : i1 to vector<16xi1>
    %reduce_sum3A_265 = tpu.scan <sum>, %select_n3A_262 masked %reduce_sum3A_264 : vector<16xf32>, vector<16xi1> -> vector<16xf32>
    %reduce_sum3A_266 = vector.extract %reduce_sum3A_265[15] : f32 from vector<16xf32>
    %broadcast_in_dim3A_267 = vector.broadcast %reduce_sum3A_266 : f32 to vector<16xf32>
    %scan3A_268 = arith.constant 0 : i32
    %scan3A_269 = arith.constant 0 : i32
    %scan3A_270 = arith.constant 32 : i32
    %scan3A_271 = arith.addi %scan3A_269, %scan3A_270 : i32
    %scan3A_272 = arith.constant 1 : i32
    %scan3A_273 = scf.for %scan3A_437 = %scan3A_269 to %scan3A_271 step %scan3A_272 iter_args(%scan3A_438 = %scan3A_268) -> (i32)  : i32 {
      %mul3A_439 = arith.constant 16 : i32
      %mul3A_440 = arith.muli %scan3A_437, %mul3A_439 : i32
      %swap3A = arith.constant 12 : i32
      %swap3A_441 = arith.index_cast %swap3A : i32 to index
      %swap3A_442 = arith.index_cast %mul3A_440 : i32 to index
      %swap3A_443 = tpu.vector_load %arg13[%swap3A_441, %swap3A_442] {strides = array<i32>} : memref<16x512xf32, #tpu.memory_space<vmem>>, vector<16xf32>,
      tpu.vector_store %arg13[%swap3A_441, %swap3A_442], %broadcast_in_dim3A_267 {strides = array<i32>} : memref<16x512xf32, #tpu.memory_space<vmem>>, vector<16xf32>,
      %scan3A_444 = arith.constant 0 : i32
      scf.yield %scan3A_444 : i32
    }
    %scan3A_274 = arith.constant 32 : i32
    %eq3A_275 = arith.constant 13 : i32
    %eq3A_276 = vector.broadcast %eq3A_275 : i32 to vector<16xi32>
    %eq3A_277 = arith.cmpi eq, %iota3A, %eq3A_276 : vector<16xi32>
    %jit3A_278 = arith.constant 0.000000e+00 : f32
    %broadcast_in_dim3A_279 = vector.broadcast %jit3A_278 : f32 to vector<16xf32>
    %select_n3A_280 = arith.select %eq3A_277, %get3A_46, %broadcast_in_dim3A_279 : vector<16xi1>, vector<16xf32>
    %reduce_sum3A_281 = arith.constant true
    %reduce_sum3A_282 = vector.broadcast %reduce_sum3A_281 : i1 to vector<16xi1>
    %reduce_sum3A_283 = tpu.scan <sum>, %select_n3A_280 masked %reduce_sum3A_282 : vector<16xf32>, vector<16xi1> -> vector<16xf32>
    %reduce_sum3A_284 = vector.extract %reduce_sum3A_283[15] : f32 from vector<16xf32>
    %broadcast_in_dim3A_285 = vector.broadcast %reduce_sum3A_284 : f32 to vector<16xf32>
    %scan3A_286 = arith.constant 0 : i32
    %scan3A_287 = arith.constant 0 : i32
    %scan3A_288 = arith.constant 32 : i32
    %scan3A_289 = arith.addi %scan3A_287, %scan3A_288 : i32
    %scan3A_290 = arith.constant 1 : i32
    %scan3A_291 = scf.for %scan3A_437 = %scan3A_287 to %scan3A_289 step %scan3A_290 iter_args(%scan3A_438 = %scan3A_286) -> (i32)  : i32 {
      %mul3A_439 = arith.constant 16 : i32
      %mul3A_440 = arith.muli %scan3A_437, %mul3A_439 : i32
      %swap3A = arith.constant 13 : i32
      %swap3A_441 = arith.index_cast %swap3A : i32 to index
      %swap3A_442 = arith.index_cast %mul3A_440 : i32 to index
      %swap3A_443 = tpu.vector_load %arg13[%swap3A_441, %swap3A_442] {strides = array<i32>} : memref<16x512xf32, #tpu.memory_space<vmem>>, vector<16xf32>,
      tpu.vector_store %arg13[%swap3A_441, %swap3A_442], %broadcast_in_dim3A_285 {strides = array<i32>} : memref<16x512xf32, #tpu.memory_space<vmem>>, vector<16xf32>,
      %scan3A_444 = arith.constant 0 : i32
      scf.yield %scan3A_444 : i32
    }
    %scan3A_292 = arith.constant 32 : i32
    %eq3A_293 = arith.constant 14 : i32
    %eq3A_294 = vector.broadcast %eq3A_293 : i32 to vector<16xi32>
    %eq3A_295 = arith.cmpi eq, %iota3A, %eq3A_294 : vector<16xi32>
    %jit3A_296 = arith.constant 0.000000e+00 : f32
    %broadcast_in_dim3A_297 = vector.broadcast %jit3A_296 : f32 to vector<16xf32>
    %select_n3A_298 = arith.select %eq3A_295, %get3A_46, %broadcast_in_dim3A_297 : vector<16xi1>, vector<16xf32>
    %reduce_sum3A_299 = arith.constant true
    %reduce_sum3A_300 = vector.broadcast %reduce_sum3A_299 : i1 to vector<16xi1>
    %reduce_sum3A_301 = tpu.scan <sum>, %select_n3A_298 masked %reduce_sum3A_300 : vector<16xf32>, vector<16xi1> -> vector<16xf32>
    %reduce_sum3A_302 = vector.extract %reduce_sum3A_301[15] : f32 from vector<16xf32>
    %broadcast_in_dim3A_303 = vector.broadcast %reduce_sum3A_302 : f32 to vector<16xf32>
    %scan3A_304 = arith.constant 0 : i32
    %scan3A_305 = arith.constant 0 : i32
    %scan3A_306 = arith.constant 32 : i32
    %scan3A_307 = arith.addi %scan3A_305, %scan3A_306 : i32
    %scan3A_308 = arith.constant 1 : i32
    %scan3A_309 = scf.for %scan3A_437 = %scan3A_305 to %scan3A_307 step %scan3A_308 iter_args(%scan3A_438 = %scan3A_304) -> (i32)  : i32 {
      %mul3A_439 = arith.constant 16 : i32
      %mul3A_440 = arith.muli %scan3A_437, %mul3A_439 : i32
      %swap3A = arith.constant 14 : i32
      %swap3A_441 = arith.index_cast %swap3A : i32 to index
      %swap3A_442 = arith.index_cast %mul3A_440 : i32 to index
      %swap3A_443 = tpu.vector_load %arg13[%swap3A_441, %swap3A_442] {strides = array<i32>} : memref<16x512xf32, #tpu.memory_space<vmem>>, vector<16xf32>,
      tpu.vector_store %arg13[%swap3A_441, %swap3A_442], %broadcast_in_dim3A_303 {strides = array<i32>} : memref<16x512xf32, #tpu.memory_space<vmem>>, vector<16xf32>,
      %scan3A_444 = arith.constant 0 : i32
      scf.yield %scan3A_444 : i32
    }
    %scan3A_310 = arith.constant 32 : i32
    %eq3A_311 = arith.constant 15 : i32
    %eq3A_312 = vector.broadcast %eq3A_311 : i32 to vector<16xi32>
    %eq3A_313 = arith.cmpi eq, %iota3A, %eq3A_312 : vector<16xi32>
    %jit3A_314 = arith.constant 0.000000e+00 : f32
    %broadcast_in_dim3A_315 = vector.broadcast %jit3A_314 : f32 to vector<16xf32>
    %select_n3A_316 = arith.select %eq3A_313, %get3A_46, %broadcast_in_dim3A_315 : vector<16xi1>, vector<16xf32>
    %reduce_sum3A_317 = arith.constant true
    %reduce_sum3A_318 = vector.broadcast %reduce_sum3A_317 : i1 to vector<16xi1>
    %reduce_sum3A_319 = tpu.scan <sum>, %select_n3A_316 masked %reduce_sum3A_318 : vector<16xf32>, vector<16xi1> -> vector<16xf32>
    %reduce_sum3A_320 = vector.extract %reduce_sum3A_319[15] : f32 from vector<16xf32>
    %broadcast_in_dim3A_321 = vector.broadcast %reduce_sum3A_320 : f32 to vector<16xf32>
    %scan3A_322 = arith.constant 0 : i32
    %scan3A_323 = arith.constant 0 : i32
    %scan3A_324 = arith.constant 32 : i32
    %scan3A_325 = arith.addi %scan3A_323, %scan3A_324 : i32
    %scan3A_326 = arith.constant 1 : i32
    %scan3A_327 = scf.for %scan3A_437 = %scan3A_323 to %scan3A_325 step %scan3A_326 iter_args(%scan3A_438 = %scan3A_322) -> (i32)  : i32 {
      %mul3A_439 = arith.constant 16 : i32
      %mul3A_440 = arith.muli %scan3A_437, %mul3A_439 : i32
      %swap3A = arith.constant 15 : i32
      %swap3A_441 = arith.index_cast %swap3A : i32 to index
      %swap3A_442 = arith.index_cast %mul3A_440 : i32 to index
      %swap3A_443 = tpu.vector_load %arg13[%swap3A_441, %swap3A_442] {strides = array<i32>} : memref<16x512xf32, #tpu.memory_space<vmem>>, vector<16xf32>,
      tpu.vector_store %arg13[%swap3A_441, %swap3A_442], %broadcast_in_dim3A_321 {strides = array<i32>} : memref<16x512xf32, #tpu.memory_space<vmem>>, vector<16xf32>,
      %scan3A_444 = arith.constant 0 : i32
      scf.yield %scan3A_444 : i32
    }
    %scan3A_328 = arith.constant 32 : i32
    %dma_start3A_329 = arith.constant 0 : i32
    %dma_start3A_330 = tpu.memref_slice %arg5[%dma_start3A_329, %mul3A_2] : memref<16x16384xf32, #tpu.memory_space<hbm>> -> memref<16x512xf32, #tpu.memory_space<hbm>>
    %dma_start3A_331 = arith.constant 0 : i32
    %dma_start3A_332 = tpu.memref_slice %arg5[%dma_start3A_331, %mul3A_2] : memref<16x16384xf32, #tpu.memory_space<hbm>> -> memref<16x512xf32, #tpu.memory_space<hbm>>
    tpu.enqueue_dma source(%arg13 : memref<16x512xf32, #tpu.memory_space<vmem>>) target(%dma_start3A_332 : memref<16x512xf32, #tpu.memory_space<hbm>>) target_semaphore(%arg19 : memref<!tpu.dma_semaphore, #tpu.memory_space<semaphore_mem>>)
    %dma_wait3A = arith.constant 0 : i32
    %dma_wait3A_333 = arith.constant 0 : i32
    %dma_wait3A_334 = arith.constant 0 : i32
    %dma_wait3A_335 = tpu.memref_slice %arg12[%dma_wait3A_333, %dma_wait3A_334] : memref<512x128xf32, #tpu.memory_space<vmem>> -> memref<128x128xf32, #tpu.memory_space<vmem>>
    %dma_wait3A_336 = arith.constant 0 : i32
    %dma_wait3A_337 = tpu.memref_slice %arg10[%dma_wait3A, %dma_wait3A_336] : memref<4x128xi32, #tpu.memory_space<vmem>> -> memref<1x128xi32, #tpu.memory_space<vmem>>
    %dma_wait3A_338 = tpu.memref_squeeze %dma_wait3A_337 : memref<1x128xi32, #tpu.memory_space<vmem>> -> memref<128xi32, #tpu.memory_space<vmem>>
    %dma_wait3A_339 = arith.constant 0 : i32
    %dma_wait3A_340 = arith.constant 0 : i32
    %dma_wait3A_341 = tpu.memref_slice %arg4[%dma_wait3A_339, %dma_wait3A_340] : memref<100000x128xf32, #tpu.memory_space<hbm>> -> memref<100000x128xf32, #tpu.memory_space<hbm>>
    tpu.wait_indirect_dma semaphore(%arg18 : memref<!tpu.dma_semaphore, #tpu.memory_space<semaphore_mem>>) src(%dma_wait3A_341 : memref<100000x128xf32, #tpu.memory_space<hbm>>) dst(%dma_wait3A_335 : memref<128x128xf32, #tpu.memory_space<vmem>>)
    %dma_wait3A_342 = arith.constant 1 : i32
    %dma_wait3A_343 = arith.constant 128 : i32
    %dma_wait3A_344 = arith.constant 0 : i32
    %dma_wait3A_345 = tpu.memref_slice %arg12[%dma_wait3A_343, %dma_wait3A_344] : memref<512x128xf32, #tpu.memory_space<vmem>> -> memref<128x128xf32, #tpu.memory_space<vmem>>
    %dma_wait3A_346 = arith.constant 0 : i32
    %dma_wait3A_347 = tpu.memref_slice %arg10[%dma_wait3A_342, %dma_wait3A_346] : memref<4x128xi32, #tpu.memory_space<vmem>> -> memref<1x128xi32, #tpu.memory_space<vmem>>
    %dma_wait3A_348 = tpu.memref_squeeze %dma_wait3A_347 : memref<1x128xi32, #tpu.memory_space<vmem>> -> memref<128xi32, #tpu.memory_space<vmem>>
    %dma_wait3A_349 = arith.constant 0 : i32
    %dma_wait3A_350 = arith.constant 0 : i32
    %dma_wait3A_351 = tpu.memref_slice %arg4[%dma_wait3A_349, %dma_wait3A_350] : memref<100000x128xf32, #tpu.memory_space<hbm>> -> memref<100000x128xf32, #tpu.memory_space<hbm>>
    tpu.wait_indirect_dma semaphore(%arg18 : memref<!tpu.dma_semaphore, #tpu.memory_space<semaphore_mem>>) src(%dma_wait3A_351 : memref<100000x128xf32, #tpu.memory_space<hbm>>) dst(%dma_wait3A_345 : memref<128x128xf32, #tpu.memory_space<vmem>>)
    %dma_wait3A_352 = arith.constant 2 : i32
    %dma_wait3A_353 = arith.constant 256 : i32
    %dma_wait3A_354 = arith.constant 0 : i32
    %dma_wait3A_355 = tpu.memref_slice %arg12[%dma_wait3A_353, %dma_wait3A_354] : memref<512x128xf32, #tpu.memory_space<vmem>> -> memref<128x128xf32, #tpu.memory_space<vmem>>
    %dma_wait3A_356 = arith.constant 0 : i32
    %dma_wait3A_357 = tpu.memref_slice %arg10[%dma_wait3A_352, %dma_wait3A_356] : memref<4x128xi32, #tpu.memory_space<vmem>> -> memref<1x128xi32, #tpu.memory_space<vmem>>
    %dma_wait3A_358 = tpu.memref_squeeze %dma_wait3A_357 : memref<1x128xi32, #tpu.memory_space<vmem>> -> memref<128xi32, #tpu.memory_space<vmem>>
    %dma_wait3A_359 = arith.constant 0 : i32
    %dma_wait3A_360 = arith.constant 0 : i32
    %dma_wait3A_361 = tpu.memref_slice %arg4[%dma_wait3A_359, %dma_wait3A_360] : memref<100000x128xf32, #tpu.memory_space<hbm>> -> memref<100000x128xf32, #tpu.memory_space<hbm>>
    tpu.wait_indirect_dma semaphore(%arg18 : memref<!tpu.dma_semaphore, #tpu.memory_space<semaphore_mem>>) src(%dma_wait3A_361 : memref<100000x128xf32, #tpu.memory_space<hbm>>) dst(%dma_wait3A_355 : memref<128x128xf32, #tpu.memory_space<vmem>>)
    %dma_wait3A_362 = arith.constant 3 : i32
    %dma_wait3A_363 = arith.constant 384 : i32
    %dma_wait3A_364 = arith.constant 0 : i32
    %dma_wait3A_365 = tpu.memref_slice %arg12[%dma_wait3A_363, %dma_wait3A_364] : memref<512x128xf32, #tpu.memory_space<vmem>> -> memref<128x128xf32, #tpu.memory_space<vmem>>
    %dma_wait3A_366 = arith.constant 0 : i32
    %dma_wait3A_367 = tpu.memref_slice %arg10[%dma_wait3A_362, %dma_wait3A_366] : memref<4x128xi32, #tpu.memory_space<vmem>> -> memref<1x128xi32, #tpu.memory_space<vmem>>
    %dma_wait3A_368 = tpu.memref_squeeze %dma_wait3A_367 : memref<1x128xi32, #tpu.memory_space<vmem>> -> memref<128xi32, #tpu.memory_space<vmem>>
    %dma_wait3A_369 = arith.constant 0 : i32
    %dma_wait3A_370 = arith.constant 0 : i32
    %dma_wait3A_371 = tpu.memref_slice %arg4[%dma_wait3A_369, %dma_wait3A_370] : memref<100000x128xf32, #tpu.memory_space<hbm>> -> memref<100000x128xf32, #tpu.memory_space<hbm>>
    tpu.wait_indirect_dma semaphore(%arg18 : memref<!tpu.dma_semaphore, #tpu.memory_space<semaphore_mem>>) src(%dma_wait3A_371 : memref<100000x128xf32, #tpu.memory_space<hbm>>) dst(%dma_wait3A_365 : memref<128x128xf32, #tpu.memory_space<vmem>>)
    %iota3A_372 = tpu.iota {dimensions = array<i32: 0>} : vector<16xi32>
    %scan3A_373 = arith.constant 0 : i32
    %scan3A_374 = arith.constant 0 : i32
    %scan3A_375 = arith.constant 32 : i32
    %scan3A_376 = arith.addi %scan3A_374, %scan3A_375 : i32
    %scan3A_377 = arith.constant 1 : i32
    %scan3A_378 = scf.for %scan3A_437 = %scan3A_374 to %scan3A_376 step %scan3A_377 iter_args(%scan3A_438 = %scan3A_373) -> (i32)  : i32 {
      %mul3A_439 = arith.constant 16 : i32
      %mul3A_440 = arith.muli %scan3A_437, %mul3A_439 : i32
      %add3A_441 = vector.broadcast %mul3A_440 : i32 to vector<16xi32>
      %add3A_442 = arith.addi %add3A_441, %iota3A_372 : vector<16xi32>
      %broadcast_in_dim3A_443 = arith.constant 0 : i32
      %broadcast_in_dim3A_444 = vector.broadcast %broadcast_in_dim3A_443 : i32 to vector<16xi32>
      %gather3A = tpu.vector_load_idx %arg12[%add3A_442, %broadcast_in_dim3A_444] : memref<512x128xf32, #tpu.memory_space<vmem>>[vector<16xi32>, vector<16xi32>], vector<16xf32>,
      %mul3A_445 = arith.constant 16 : i32
      %mul3A_446 = arith.muli %scan3A_437, %mul3A_445 : i32
      %swap3A = arith.constant 0 : i32
      %swap3A_447 = arith.index_cast %swap3A : i32 to index
      %swap3A_448 = arith.index_cast %mul3A_446 : i32 to index
      %swap3A_449 = tpu.vector_load %arg14[%swap3A_447, %swap3A_448] {strides = array<i32>} : memref<8x512xf32, #tpu.memory_space<vmem>>, vector<16xf32>,
      tpu.vector_store %arg14[%swap3A_447, %swap3A_448], %gather3A {strides = array<i32>} : memref<8x512xf32, #tpu.memory_space<vmem>>, vector<16xf32>,
      %broadcast_in_dim3A_450 = arith.constant 1 : i32
      %broadcast_in_dim3A_451 = vector.broadcast %broadcast_in_dim3A_450 : i32 to vector<16xi32>
      %gather3A_452 = tpu.vector_load_idx %arg12[%add3A_442, %broadcast_in_dim3A_451] : memref<512x128xf32, #tpu.memory_space<vmem>>[vector<16xi32>, vector<16xi32>], vector<16xf32>,
      %mul3A_453 = arith.constant 16 : i32
      %mul3A_454 = arith.muli %scan3A_437, %mul3A_453 : i32
      %swap3A_455 = arith.constant 1 : i32
      %swap3A_456 = arith.index_cast %swap3A_455 : i32 to index
      %swap3A_457 = arith.index_cast %mul3A_454 : i32 to index
      %swap3A_458 = tpu.vector_load %arg14[%swap3A_456, %swap3A_457] {strides = array<i32>} : memref<8x512xf32, #tpu.memory_space<vmem>>, vector<16xf32>,
      tpu.vector_store %arg14[%swap3A_456, %swap3A_457], %gather3A_452 {strides = array<i32>} : memref<8x512xf32, #tpu.memory_space<vmem>>, vector<16xf32>,
      %broadcast_in_dim3A_459 = arith.constant 2 : i32
      %broadcast_in_dim3A_460 = vector.broadcast %broadcast_in_dim3A_459 : i32 to vector<16xi32>
      %gather3A_461 = tpu.vector_load_idx %arg12[%add3A_442, %broadcast_in_dim3A_460] : memref<512x128xf32, #tpu.memory_space<vmem>>[vector<16xi32>, vector<16xi32>], vector<16xf32>,
      %mul3A_462 = arith.constant 16 : i32
      %mul3A_463 = arith.muli %scan3A_437, %mul3A_462 : i32
      %swap3A_464 = arith.constant 2 : i32
      %swap3A_465 = arith.index_cast %swap3A_464 : i32 to index
      %swap3A_466 = arith.index_cast %mul3A_463 : i32 to index
      %swap3A_467 = tpu.vector_load %arg14[%swap3A_465, %swap3A_466] {strides = array<i32>} : memref<8x512xf32, #tpu.memory_space<vmem>>, vector<16xf32>,
      tpu.vector_store %arg14[%swap3A_465, %swap3A_466], %gather3A_461 {strides = array<i32>} : memref<8x512xf32, #tpu.memory_space<vmem>>, vector<16xf32>,
      %scan3A_468 = arith.constant 0 : i32
      scf.yield %scan3A_468 : i32
    }
    %scan3A_379 = arith.constant 32 : i32
    %dma_start3A_380 = arith.constant 0 : i32
    %dma_start3A_381 = tpu.memref_slice %arg6[%dma_start3A_380, %mul3A_2] : memref<8x16384xf32, #tpu.memory_space<hbm>> -> memref<8x512xf32, #tpu.memory_space<hbm>>
    %dma_start3A_382 = arith.constant 0 : i32
    %dma_start3A_383 = tpu.memref_slice %arg6[%dma_start3A_382, %mul3A_2] : memref<8x16384xf32, #tpu.memory_space<hbm>> -> memref<8x512xf32, #tpu.memory_space<hbm>>
    tpu.enqueue_dma source(%arg14 : memref<8x512xf32, #tpu.memory_space<vmem>>) target(%dma_start3A_383 : memref<8x512xf32, #tpu.memory_space<hbm>>) target_semaphore(%arg19 : memref<!tpu.dma_semaphore, #tpu.memory_space<semaphore_mem>>)
    %scan3A_384 = arith.constant 0 : i32
    %scan3A_385 = arith.constant 0 : i32
    %scan3A_386 = arith.constant 32 : i32
    %scan3A_387 = arith.addi %scan3A_385, %scan3A_386 : i32
    %scan3A_388 = arith.constant 1 : i32
    %scan3A_389 = scf.for %scan3A_437 = %scan3A_385 to %scan3A_387 step %scan3A_388 iter_args(%scan3A_438 = %scan3A_384) -> (i32)  : i32 {
      %mul3A_439 = arith.constant 16 : i32
      %mul3A_440 = arith.muli %scan3A_437, %mul3A_439 : i32
      %add3A_441 = vector.broadcast %mul3A_440 : i32 to vector<16xi32>
      %add3A_442 = arith.addi %add3A_441, %iota3A_372 : vector<16xi32>
      %broadcast_in_dim3A_443 = arith.constant 3 : i32
      %broadcast_in_dim3A_444 = vector.broadcast %broadcast_in_dim3A_443 : i32 to vector<16xi32>
      %gather3A = tpu.vector_load_idx %arg12[%add3A_442, %broadcast_in_dim3A_444] : memref<512x128xf32, #tpu.memory_space<vmem>>[vector<16xi32>, vector<16xi32>], vector<16xf32>,
      %mul3A_445 = arith.constant 16 : i32
      %mul3A_446 = arith.muli %scan3A_437, %mul3A_445 : i32
      %swap3A = arith.constant 0 : i32
      %swap3A_447 = arith.index_cast %swap3A : i32 to index
      %swap3A_448 = arith.index_cast %mul3A_446 : i32 to index
      %swap3A_449 = tpu.vector_load %arg16[%swap3A_447, %swap3A_448] {strides = array<i32>} : memref<8x512xf32, #tpu.memory_space<vmem>>, vector<16xf32>,
      tpu.vector_store %arg16[%swap3A_447, %swap3A_448], %gather3A {strides = array<i32>} : memref<8x512xf32, #tpu.memory_space<vmem>>, vector<16xf32>,
      %broadcast_in_dim3A_450 = arith.constant 4 : i32
      %broadcast_in_dim3A_451 = vector.broadcast %broadcast_in_dim3A_450 : i32 to vector<16xi32>
      %gather3A_452 = tpu.vector_load_idx %arg12[%add3A_442, %broadcast_in_dim3A_451] : memref<512x128xf32, #tpu.memory_space<vmem>>[vector<16xi32>, vector<16xi32>], vector<16xf32>,
      %mul3A_453 = arith.constant 16 : i32
      %mul3A_454 = arith.muli %scan3A_437, %mul3A_453 : i32
      %swap3A_455 = arith.constant 1 : i32
      %swap3A_456 = arith.index_cast %swap3A_455 : i32 to index
      %swap3A_457 = arith.index_cast %mul3A_454 : i32 to index
      %swap3A_458 = tpu.vector_load %arg16[%swap3A_456, %swap3A_457] {strides = array<i32>} : memref<8x512xf32, #tpu.memory_space<vmem>>, vector<16xf32>,
      tpu.vector_store %arg16[%swap3A_456, %swap3A_457], %gather3A_452 {strides = array<i32>} : memref<8x512xf32, #tpu.memory_space<vmem>>, vector<16xf32>,
      %broadcast_in_dim3A_459 = arith.constant 5 : i32
      %broadcast_in_dim3A_460 = vector.broadcast %broadcast_in_dim3A_459 : i32 to vector<16xi32>
      %gather3A_461 = tpu.vector_load_idx %arg12[%add3A_442, %broadcast_in_dim3A_460] : memref<512x128xf32, #tpu.memory_space<vmem>>[vector<16xi32>, vector<16xi32>], vector<16xf32>,
      %mul3A_462 = arith.constant 16 : i32
      %mul3A_463 = arith.muli %scan3A_437, %mul3A_462 : i32
      %swap3A_464 = arith.constant 2 : i32
      %swap3A_465 = arith.index_cast %swap3A_464 : i32 to index
      %swap3A_466 = arith.index_cast %mul3A_463 : i32 to index
      %swap3A_467 = tpu.vector_load %arg16[%swap3A_465, %swap3A_466] {strides = array<i32>} : memref<8x512xf32, #tpu.memory_space<vmem>>, vector<16xf32>,
      tpu.vector_store %arg16[%swap3A_465, %swap3A_466], %gather3A_461 {strides = array<i32>} : memref<8x512xf32, #tpu.memory_space<vmem>>, vector<16xf32>,
      %scan3A_468 = arith.constant 0 : i32
      scf.yield %scan3A_468 : i32
    }
    %scan3A_390 = arith.constant 32 : i32
    %dma_start3A_391 = arith.constant 0 : i32
    %dma_start3A_392 = tpu.memref_slice %arg8[%dma_start3A_391, %mul3A_2] : memref<8x16384xf32, #tpu.memory_space<hbm>> -> memref<8x512xf32, #tpu.memory_space<hbm>>
    %dma_start3A_393 = arith.constant 0 : i32
    %dma_start3A_394 = tpu.memref_slice %arg8[%dma_start3A_393, %mul3A_2] : memref<8x16384xf32, #tpu.memory_space<hbm>> -> memref<8x512xf32, #tpu.memory_space<hbm>>
    tpu.enqueue_dma source(%arg16 : memref<8x512xf32, #tpu.memory_space<vmem>>) target(%dma_start3A_394 : memref<8x512xf32, #tpu.memory_space<hbm>>) target_semaphore(%arg19 : memref<!tpu.dma_semaphore, #tpu.memory_space<semaphore_mem>>)
    %scan3A_395 = arith.constant 0 : i32
    %scan3A_396 = arith.constant 0 : i32
    %scan3A_397 = arith.constant 32 : i32
    %scan3A_398 = arith.addi %scan3A_396, %scan3A_397 : i32
    %scan3A_399 = arith.constant 1 : i32
    %scan3A_400 = scf.for %scan3A_437 = %scan3A_396 to %scan3A_398 step %scan3A_399 iter_args(%scan3A_438 = %scan3A_395) -> (i32)  : i32 {
      %mul3A_439 = arith.constant 16 : i32
      %mul3A_440 = arith.muli %scan3A_437, %mul3A_439 : i32
      %add3A_441 = vector.broadcast %mul3A_440 : i32 to vector<16xi32>
      %add3A_442 = arith.addi %add3A_441, %iota3A_372 : vector<16xi32>
      %broadcast_in_dim3A_443 = arith.constant 6 : i32
      %broadcast_in_dim3A_444 = vector.broadcast %broadcast_in_dim3A_443 : i32 to vector<16xi32>
      %gather3A = tpu.vector_load_idx %arg12[%add3A_442, %broadcast_in_dim3A_444] : memref<512x128xf32, #tpu.memory_space<vmem>>[vector<16xi32>, vector<16xi32>], vector<16xf32>,
      %mul3A_445 = arith.constant 16 : i32
      %mul3A_446 = arith.muli %scan3A_437, %mul3A_445 : i32
      %swap3A = arith.constant 0 : i32
      %swap3A_447 = arith.index_cast %swap3A : i32 to index
      %swap3A_448 = arith.index_cast %mul3A_446 : i32 to index
      %swap3A_449 = tpu.vector_load %arg17[%swap3A_447, %swap3A_448] {strides = array<i32>} : memref<16x512xf32, #tpu.memory_space<vmem>>, vector<16xf32>,
      tpu.vector_store %arg17[%swap3A_447, %swap3A_448], %gather3A {strides = array<i32>} : memref<16x512xf32, #tpu.memory_space<vmem>>, vector<16xf32>,
      %broadcast_in_dim3A_450 = arith.constant 7 : i32
      %broadcast_in_dim3A_451 = vector.broadcast %broadcast_in_dim3A_450 : i32 to vector<16xi32>
      %gather3A_452 = tpu.vector_load_idx %arg12[%add3A_442, %broadcast_in_dim3A_451] : memref<512x128xf32, #tpu.memory_space<vmem>>[vector<16xi32>, vector<16xi32>], vector<16xf32>,
      %mul3A_453 = arith.constant 16 : i32
      %mul3A_454 = arith.muli %scan3A_437, %mul3A_453 : i32
      %swap3A_455 = arith.constant 1 : i32
      %swap3A_456 = arith.index_cast %swap3A_455 : i32 to index
      %swap3A_457 = arith.index_cast %mul3A_454 : i32 to index
      %swap3A_458 = tpu.vector_load %arg17[%swap3A_456, %swap3A_457] {strides = array<i32>} : memref<16x512xf32, #tpu.memory_space<vmem>>, vector<16xf32>,
      tpu.vector_store %arg17[%swap3A_456, %swap3A_457], %gather3A_452 {strides = array<i32>} : memref<16x512xf32, #tpu.memory_space<vmem>>, vector<16xf32>,
      %broadcast_in_dim3A_459 = arith.constant 8 : i32
      %broadcast_in_dim3A_460 = vector.broadcast %broadcast_in_dim3A_459 : i32 to vector<16xi32>
      %gather3A_461 = tpu.vector_load_idx %arg12[%add3A_442, %broadcast_in_dim3A_460] : memref<512x128xf32, #tpu.memory_space<vmem>>[vector<16xi32>, vector<16xi32>], vector<16xf32>,
      %mul3A_462 = arith.constant 16 : i32
      %mul3A_463 = arith.muli %scan3A_437, %mul3A_462 : i32
      %swap3A_464 = arith.constant 2 : i32
      %swap3A_465 = arith.index_cast %swap3A_464 : i32 to index
      %swap3A_466 = arith.index_cast %mul3A_463 : i32 to index
      %swap3A_467 = tpu.vector_load %arg17[%swap3A_465, %swap3A_466] {strides = array<i32>} : memref<16x512xf32, #tpu.memory_space<vmem>>, vector<16xf32>,
      tpu.vector_store %arg17[%swap3A_465, %swap3A_466], %gather3A_461 {strides = array<i32>} : memref<16x512xf32, #tpu.memory_space<vmem>>, vector<16xf32>,
      %broadcast_in_dim3A_468 = arith.constant 9 : i32
      %broadcast_in_dim3A_469 = vector.broadcast %broadcast_in_dim3A_468 : i32 to vector<16xi32>
      %gather3A_470 = tpu.vector_load_idx %arg12[%add3A_442, %broadcast_in_dim3A_469] : memref<512x128xf32, #tpu.memory_space<vmem>>[vector<16xi32>, vector<16xi32>], vector<16xf32>,
      %mul3A_471 = arith.constant 16 : i32
      %mul3A_472 = arith.muli %scan3A_437, %mul3A_471 : i32
      %swap3A_473 = arith.constant 3 : i32
      %swap3A_474 = arith.index_cast %swap3A_473 : i32 to index
      %swap3A_475 = arith.index_cast %mul3A_472 : i32 to index
      %swap3A_476 = tpu.vector_load %arg17[%swap3A_474, %swap3A_475] {strides = array<i32>} : memref<16x512xf32, #tpu.memory_space<vmem>>, vector<16xf32>,
      tpu.vector_store %arg17[%swap3A_474, %swap3A_475], %gather3A_470 {strides = array<i32>} : memref<16x512xf32, #tpu.memory_space<vmem>>, vector<16xf32>,
      %broadcast_in_dim3A_477 = arith.constant 10 : i32
      %broadcast_in_dim3A_478 = vector.broadcast %broadcast_in_dim3A_477 : i32 to vector<16xi32>
      %gather3A_479 = tpu.vector_load_idx %arg12[%add3A_442, %broadcast_in_dim3A_478] : memref<512x128xf32, #tpu.memory_space<vmem>>[vector<16xi32>, vector<16xi32>], vector<16xf32>,
      %mul3A_480 = arith.constant 16 : i32
      %mul3A_481 = arith.muli %scan3A_437, %mul3A_480 : i32
      %swap3A_482 = arith.constant 4 : i32
      %swap3A_483 = arith.index_cast %swap3A_482 : i32 to index
      %swap3A_484 = arith.index_cast %mul3A_481 : i32 to index
      %swap3A_485 = tpu.vector_load %arg17[%swap3A_483, %swap3A_484] {strides = array<i32>} : memref<16x512xf32, #tpu.memory_space<vmem>>, vector<16xf32>,
      tpu.vector_store %arg17[%swap3A_483, %swap3A_484], %gather3A_479 {strides = array<i32>} : memref<16x512xf32, #tpu.memory_space<vmem>>, vector<16xf32>,
      %broadcast_in_dim3A_486 = arith.constant 11 : i32
      %broadcast_in_dim3A_487 = vector.broadcast %broadcast_in_dim3A_486 : i32 to vector<16xi32>
      %gather3A_488 = tpu.vector_load_idx %arg12[%add3A_442, %broadcast_in_dim3A_487] : memref<512x128xf32, #tpu.memory_space<vmem>>[vector<16xi32>, vector<16xi32>], vector<16xf32>,
      %mul3A_489 = arith.constant 16 : i32
      %mul3A_490 = arith.muli %scan3A_437, %mul3A_489 : i32
      %swap3A_491 = arith.constant 5 : i32
      %swap3A_492 = arith.index_cast %swap3A_491 : i32 to index
      %swap3A_493 = arith.index_cast %mul3A_490 : i32 to index
      %swap3A_494 = tpu.vector_load %arg17[%swap3A_492, %swap3A_493] {strides = array<i32>} : memref<16x512xf32, #tpu.memory_space<vmem>>, vector<16xf32>,
      tpu.vector_store %arg17[%swap3A_492, %swap3A_493], %gather3A_488 {strides = array<i32>} : memref<16x512xf32, #tpu.memory_space<vmem>>, vector<16xf32>,
      %broadcast_in_dim3A_495 = arith.constant 12 : i32
      %broadcast_in_dim3A_496 = vector.broadcast %broadcast_in_dim3A_495 : i32 to vector<16xi32>
      %gather3A_497 = tpu.vector_load_idx %arg12[%add3A_442, %broadcast_in_dim3A_496] : memref<512x128xf32, #tpu.memory_space<vmem>>[vector<16xi32>, vector<16xi32>], vector<16xf32>,
      %mul3A_498 = arith.constant 16 : i32
      %mul3A_499 = arith.muli %scan3A_437, %mul3A_498 : i32
      %swap3A_500 = arith.constant 6 : i32
      %swap3A_501 = arith.index_cast %swap3A_500 : i32 to index
      %swap3A_502 = arith.index_cast %mul3A_499 : i32 to index
      %swap3A_503 = tpu.vector_load %arg17[%swap3A_501, %swap3A_502] {strides = array<i32>} : memref<16x512xf32, #tpu.memory_space<vmem>>, vector<16xf32>,
      tpu.vector_store %arg17[%swap3A_501, %swap3A_502], %gather3A_497 {strides = array<i32>} : memref<16x512xf32, #tpu.memory_space<vmem>>, vector<16xf32>,
      %broadcast_in_dim3A_504 = arith.constant 13 : i32
      %broadcast_in_dim3A_505 = vector.broadcast %broadcast_in_dim3A_504 : i32 to vector<16xi32>
      %gather3A_506 = tpu.vector_load_idx %arg12[%add3A_442, %broadcast_in_dim3A_505] : memref<512x128xf32, #tpu.memory_space<vmem>>[vector<16xi32>, vector<16xi32>], vector<16xf32>,
      %mul3A_507 = arith.constant 16 : i32
      %mul3A_508 = arith.muli %scan3A_437, %mul3A_507 : i32
      %swap3A_509 = arith.constant 7 : i32
      %swap3A_510 = arith.index_cast %swap3A_509 : i32 to index
      %swap3A_511 = arith.index_cast %mul3A_508 : i32 to index
      %swap3A_512 = tpu.vector_load %arg17[%swap3A_510, %swap3A_511] {strides = array<i32>} : memref<16x512xf32, #tpu.memory_space<vmem>>, vector<16xf32>,
      tpu.vector_store %arg17[%swap3A_510, %swap3A_511], %gather3A_506 {strides = array<i32>} : memref<16x512xf32, #tpu.memory_space<vmem>>, vector<16xf32>,
      %broadcast_in_dim3A_513 = arith.constant 14 : i32
      %broadcast_in_dim3A_514 = vector.broadcast %broadcast_in_dim3A_513 : i32 to vector<16xi32>
      %gather3A_515 = tpu.vector_load_idx %arg12[%add3A_442, %broadcast_in_dim3A_514] : memref<512x128xf32, #tpu.memory_space<vmem>>[vector<16xi32>, vector<16xi32>], vector<16xf32>,
      %mul3A_516 = arith.constant 16 : i32
      %mul3A_517 = arith.muli %scan3A_437, %mul3A_516 : i32
      %swap3A_518 = arith.constant 8 : i32
      %swap3A_519 = arith.index_cast %swap3A_518 : i32 to index
      %swap3A_520 = arith.index_cast %mul3A_517 : i32 to index
      %swap3A_521 = tpu.vector_load %arg17[%swap3A_519, %swap3A_520] {strides = array<i32>} : memref<16x512xf32, #tpu.memory_space<vmem>>, vector<16xf32>,
      tpu.vector_store %arg17[%swap3A_519, %swap3A_520], %gather3A_515 {strides = array<i32>} : memref<16x512xf32, #tpu.memory_space<vmem>>, vector<16xf32>,
      %broadcast_in_dim3A_522 = arith.constant 15 : i32
      %broadcast_in_dim3A_523 = vector.broadcast %broadcast_in_dim3A_522 : i32 to vector<16xi32>
      %gather3A_524 = tpu.vector_load_idx %arg12[%add3A_442, %broadcast_in_dim3A_523] : memref<512x128xf32, #tpu.memory_space<vmem>>[vector<16xi32>, vector<16xi32>], vector<16xf32>,
      %mul3A_525 = arith.constant 16 : i32
      %mul3A_526 = arith.muli %scan3A_437, %mul3A_525 : i32
      %swap3A_527 = arith.constant 9 : i32
      %swap3A_528 = arith.index_cast %swap3A_527 : i32 to index
      %swap3A_529 = arith.index_cast %mul3A_526 : i32 to index
      %swap3A_530 = tpu.vector_load %arg17[%swap3A_528, %swap3A_529] {strides = array<i32>} : memref<16x512xf32, #tpu.memory_space<vmem>>, vector<16xf32>,
      tpu.vector_store %arg17[%swap3A_528, %swap3A_529], %gather3A_524 {strides = array<i32>} : memref<16x512xf32, #tpu.memory_space<vmem>>, vector<16xf32>,
      %scan3A_531 = arith.constant 0 : i32
      scf.yield %scan3A_531 : i32
    }
    %scan3A_401 = arith.constant 32 : i32
    %dma_start3A_402 = arith.constant 0 : i32
    %dma_start3A_403 = tpu.memref_slice %arg9[%dma_start3A_402, %mul3A_2] : memref<16x16384xf32, #tpu.memory_space<hbm>> -> memref<16x512xf32, #tpu.memory_space<hbm>>
    %dma_start3A_404 = arith.constant 0 : i32
    %dma_start3A_405 = tpu.memref_slice %arg9[%dma_start3A_404, %mul3A_2] : memref<16x16384xf32, #tpu.memory_space<hbm>> -> memref<16x512xf32, #tpu.memory_space<hbm>>
    tpu.enqueue_dma source(%arg17 : memref<16x512xf32, #tpu.memory_space<vmem>>) target(%dma_start3A_405 : memref<16x512xf32, #tpu.memory_space<hbm>>) target_semaphore(%arg19 : memref<!tpu.dma_semaphore, #tpu.memory_space<semaphore_mem>>)
    %scan3A_406 = arith.constant 0 : i32
    %scan3A_407 = arith.constant 0 : i32
    %scan3A_408 = arith.constant 32 : i32
    %scan3A_409 = arith.addi %scan3A_407, %scan3A_408 : i32
    %scan3A_410 = arith.constant 1 : i32
    %scan3A_411 = scf.for %scan3A_437 = %scan3A_407 to %scan3A_409 step %scan3A_410 iter_args(%scan3A_438 = %scan3A_406) -> (i32)  : i32 {
      %mul3A_439 = arith.constant 16 : i32
      %mul3A_440 = arith.muli %scan3A_437, %mul3A_439 : i32
      %add3A_441 = vector.broadcast %mul3A_440 : i32 to vector<16xi32>
      %add3A_442 = arith.addi %add3A_441, %iota3A_372 : vector<16xi32>
      %broadcast_in_dim3A_443 = arith.constant 16 : i32
      %broadcast_in_dim3A_444 = vector.broadcast %broadcast_in_dim3A_443 : i32 to vector<16xi32>
      %gather3A = tpu.vector_load_idx %arg12[%add3A_442, %broadcast_in_dim3A_444] : memref<512x128xf32, #tpu.memory_space<vmem>>[vector<16xi32>, vector<16xi32>], vector<16xf32>,
      %mul3A_445 = arith.constant 16 : i32
      %mul3A_446 = arith.muli %scan3A_437, %mul3A_445 : i32
      %swap3A = arith.constant 0 : i32
      %swap3A_447 = arith.index_cast %swap3A : i32 to index
      %swap3A_448 = arith.index_cast %mul3A_446 : i32 to index
      %swap3A_449 = tpu.vector_load %arg15[%swap3A_447, %swap3A_448] {strides = array<i32>} : memref<64x512xf32, #tpu.memory_space<vmem>>, vector<16xf32>,
      tpu.vector_store %arg15[%swap3A_447, %swap3A_448], %gather3A {strides = array<i32>} : memref<64x512xf32, #tpu.memory_space<vmem>>, vector<16xf32>,
      %broadcast_in_dim3A_450 = arith.constant 17 : i32
      %broadcast_in_dim3A_451 = vector.broadcast %broadcast_in_dim3A_450 : i32 to vector<16xi32>
      %gather3A_452 = tpu.vector_load_idx %arg12[%add3A_442, %broadcast_in_dim3A_451] : memref<512x128xf32, #tpu.memory_space<vmem>>[vector<16xi32>, vector<16xi32>], vector<16xf32>,
      %mul3A_453 = arith.constant 16 : i32
      %mul3A_454 = arith.muli %scan3A_437, %mul3A_453 : i32
      %swap3A_455 = arith.constant 1 : i32
      %swap3A_456 = arith.index_cast %swap3A_455 : i32 to index
      %swap3A_457 = arith.index_cast %mul3A_454 : i32 to index
      %swap3A_458 = tpu.vector_load %arg15[%swap3A_456, %swap3A_457] {strides = array<i32>} : memref<64x512xf32, #tpu.memory_space<vmem>>, vector<16xf32>,
      tpu.vector_store %arg15[%swap3A_456, %swap3A_457], %gather3A_452 {strides = array<i32>} : memref<64x512xf32, #tpu.memory_space<vmem>>, vector<16xf32>,
      %broadcast_in_dim3A_459 = arith.constant 18 : i32
      %broadcast_in_dim3A_460 = vector.broadcast %broadcast_in_dim3A_459 : i32 to vector<16xi32>
      %gather3A_461 = tpu.vector_load_idx %arg12[%add3A_442, %broadcast_in_dim3A_460] : memref<512x128xf32, #tpu.memory_space<vmem>>[vector<16xi32>, vector<16xi32>], vector<16xf32>,
      %mul3A_462 = arith.constant 16 : i32
      %mul3A_463 = arith.muli %scan3A_437, %mul3A_462 : i32
      %swap3A_464 = arith.constant 2 : i32
      %swap3A_465 = arith.index_cast %swap3A_464 : i32 to index
      %swap3A_466 = arith.index_cast %mul3A_463 : i32 to index
      %swap3A_467 = tpu.vector_load %arg15[%swap3A_465, %swap3A_466] {strides = array<i32>} : memref<64x512xf32, #tpu.memory_space<vmem>>, vector<16xf32>,
      tpu.vector_store %arg15[%swap3A_465, %swap3A_466], %gather3A_461 {strides = array<i32>} : memref<64x512xf32, #tpu.memory_space<vmem>>, vector<16xf32>,
      %broadcast_in_dim3A_468 = arith.constant 19 : i32
      %broadcast_in_dim3A_469 = vector.broadcast %broadcast_in_dim3A_468 : i32 to vector<16xi32>
      %gather3A_470 = tpu.vector_load_idx %arg12[%add3A_442, %broadcast_in_dim3A_469] : memref<512x128xf32, #tpu.memory_space<vmem>>[vector<16xi32>, vector<16xi32>], vector<16xf32>,
      %mul3A_471 = arith.constant 16 : i32
      %mul3A_472 = arith.muli %scan3A_437, %mul3A_471 : i32
      %swap3A_473 = arith.constant 3 : i32
      %swap3A_474 = arith.index_cast %swap3A_473 : i32 to index
      %swap3A_475 = arith.index_cast %mul3A_472 : i32 to index
      %swap3A_476 = tpu.vector_load %arg15[%swap3A_474, %swap3A_475] {strides = array<i32>} : memref<64x512xf32, #tpu.memory_space<vmem>>, vector<16xf32>,
      tpu.vector_store %arg15[%swap3A_474, %swap3A_475], %gather3A_470 {strides = array<i32>} : memref<64x512xf32, #tpu.memory_space<vmem>>, vector<16xf32>,
      %broadcast_in_dim3A_477 = arith.constant 20 : i32
      %broadcast_in_dim3A_478 = vector.broadcast %broadcast_in_dim3A_477 : i32 to vector<16xi32>
      %gather3A_479 = tpu.vector_load_idx %arg12[%add3A_442, %broadcast_in_dim3A_478] : memref<512x128xf32, #tpu.memory_space<vmem>>[vector<16xi32>, vector<16xi32>], vector<16xf32>,
      %mul3A_480 = arith.constant 16 : i32
      %mul3A_481 = arith.muli %scan3A_437, %mul3A_480 : i32
      %swap3A_482 = arith.constant 4 : i32
      %swap3A_483 = arith.index_cast %swap3A_482 : i32 to index
      %swap3A_484 = arith.index_cast %mul3A_481 : i32 to index
      %swap3A_485 = tpu.vector_load %arg15[%swap3A_483, %swap3A_484] {strides = array<i32>} : memref<64x512xf32, #tpu.memory_space<vmem>>, vector<16xf32>,
      tpu.vector_store %arg15[%swap3A_483, %swap3A_484], %gather3A_479 {strides = array<i32>} : memref<64x512xf32, #tpu.memory_space<vmem>>, vector<16xf32>,
      %broadcast_in_dim3A_486 = arith.constant 21 : i32
      %broadcast_in_dim3A_487 = vector.broadcast %broadcast_in_dim3A_486 : i32 to vector<16xi32>
      %gather3A_488 = tpu.vector_load_idx %arg12[%add3A_442, %broadcast_in_dim3A_487] : memref<512x128xf32, #tpu.memory_space<vmem>>[vector<16xi32>, vector<16xi32>], vector<16xf32>,
      %mul3A_489 = arith.constant 16 : i32
      %mul3A_490 = arith.muli %scan3A_437, %mul3A_489 : i32
      %swap3A_491 = arith.constant 5 : i32
      %swap3A_492 = arith.index_cast %swap3A_491 : i32 to index
      %swap3A_493 = arith.index_cast %mul3A_490 : i32 to index
      %swap3A_494 = tpu.vector_load %arg15[%swap3A_492, %swap3A_493] {strides = array<i32>} : memref<64x512xf32, #tpu.memory_space<vmem>>, vector<16xf32>,
      tpu.vector_store %arg15[%swap3A_492, %swap3A_493], %gather3A_488 {strides = array<i32>} : memref<64x512xf32, #tpu.memory_space<vmem>>, vector<16xf32>,
      %broadcast_in_dim3A_495 = arith.constant 22 : i32
      %broadcast_in_dim3A_496 = vector.broadcast %broadcast_in_dim3A_495 : i32 to vector<16xi32>
      %gather3A_497 = tpu.vector_load_idx %arg12[%add3A_442, %broadcast_in_dim3A_496] : memref<512x128xf32, #tpu.memory_space<vmem>>[vector<16xi32>, vector<16xi32>], vector<16xf32>,
      %mul3A_498 = arith.constant 16 : i32
      %mul3A_499 = arith.muli %scan3A_437, %mul3A_498 : i32
      %swap3A_500 = arith.constant 6 : i32
      %swap3A_501 = arith.index_cast %swap3A_500 : i32 to index
      %swap3A_502 = arith.index_cast %mul3A_499 : i32 to index
      %swap3A_503 = tpu.vector_load %arg15[%swap3A_501, %swap3A_502] {strides = array<i32>} : memref<64x512xf32, #tpu.memory_space<vmem>>, vector<16xf32>,
      tpu.vector_store %arg15[%swap3A_501, %swap3A_502], %gather3A_497 {strides = array<i32>} : memref<64x512xf32, #tpu.memory_space<vmem>>, vector<16xf32>,
      %broadcast_in_dim3A_504 = arith.constant 23 : i32
      %broadcast_in_dim3A_505 = vector.broadcast %broadcast_in_dim3A_504 : i32 to vector<16xi32>
      %gather3A_506 = tpu.vector_load_idx %arg12[%add3A_442, %broadcast_in_dim3A_505] : memref<512x128xf32, #tpu.memory_space<vmem>>[vector<16xi32>, vector<16xi32>], vector<16xf32>,
      %mul3A_507 = arith.constant 16 : i32
      %mul3A_508 = arith.muli %scan3A_437, %mul3A_507 : i32
      %swap3A_509 = arith.constant 7 : i32
      %swap3A_510 = arith.index_cast %swap3A_509 : i32 to index
      %swap3A_511 = arith.index_cast %mul3A_508 : i32 to index
      %swap3A_512 = tpu.vector_load %arg15[%swap3A_510, %swap3A_511] {strides = array<i32>} : memref<64x512xf32, #tpu.memory_space<vmem>>, vector<16xf32>,
      tpu.vector_store %arg15[%swap3A_510, %swap3A_511], %gather3A_506 {strides = array<i32>} : memref<64x512xf32, #tpu.memory_space<vmem>>, vector<16xf32>,
      %broadcast_in_dim3A_513 = arith.constant 24 : i32
      %broadcast_in_dim3A_514 = vector.broadcast %broadcast_in_dim3A_513 : i32 to vector<16xi32>
      %gather3A_515 = tpu.vector_load_idx %arg12[%add3A_442, %broadcast_in_dim3A_514] : memref<512x128xf32, #tpu.memory_space<vmem>>[vector<16xi32>, vector<16xi32>], vector<16xf32>,
      %mul3A_516 = arith.constant 16 : i32
      %mul3A_517 = arith.muli %scan3A_437, %mul3A_516 : i32
      %swap3A_518 = arith.constant 8 : i32
      %swap3A_519 = arith.index_cast %swap3A_518 : i32 to index
      %swap3A_520 = arith.index_cast %mul3A_517 : i32 to index
      %swap3A_521 = tpu.vector_load %arg15[%swap3A_519, %swap3A_520] {strides = array<i32>} : memref<64x512xf32, #tpu.memory_space<vmem>>, vector<16xf32>,
      tpu.vector_store %arg15[%swap3A_519, %swap3A_520], %gather3A_515 {strides = array<i32>} : memref<64x512xf32, #tpu.memory_space<vmem>>, vector<16xf32>,
      %broadcast_in_dim3A_522 = arith.constant 25 : i32
      %broadcast_in_dim3A_523 = vector.broadcast %broadcast_in_dim3A_522 : i32 to vector<16xi32>
      %gather3A_524 = tpu.vector_load_idx %arg12[%add3A_442, %broadcast_in_dim3A_523] : memref<512x128xf32, #tpu.memory_space<vmem>>[vector<16xi32>, vector<16xi32>], vector<16xf32>,
      %mul3A_525 = arith.constant 16 : i32
      %mul3A_526 = arith.muli %scan3A_437, %mul3A_525 : i32
      %swap3A_527 = arith.constant 9 : i32
      %swap3A_528 = arith.index_cast %swap3A_527 : i32 to index
      %swap3A_529 = arith.index_cast %mul3A_526 : i32 to index
      %swap3A_530 = tpu.vector_load %arg15[%swap3A_528, %swap3A_529] {strides = array<i32>} : memref<64x512xf32, #tpu.memory_space<vmem>>, vector<16xf32>,
      tpu.vector_store %arg15[%swap3A_528, %swap3A_529], %gather3A_524 {strides = array<i32>} : memref<64x512xf32, #tpu.memory_space<vmem>>, vector<16xf32>,
      %broadcast_in_dim3A_531 = arith.constant 26 : i32
      %broadcast_in_dim3A_532 = vector.broadcast %broadcast_in_dim3A_531 : i32 to vector<16xi32>
      %gather3A_533 = tpu.vector_load_idx %arg12[%add3A_442, %broadcast_in_dim3A_532] : memref<512x128xf32, #tpu.memory_space<vmem>>[vector<16xi32>, vector<16xi32>], vector<16xf32>,
      %mul3A_534 = arith.constant 16 : i32
      %mul3A_535 = arith.muli %scan3A_437, %mul3A_534 : i32
      %swap3A_536 = arith.constant 10 : i32
      %swap3A_537 = arith.index_cast %swap3A_536 : i32 to index
      %swap3A_538 = arith.index_cast %mul3A_535 : i32 to index
      %swap3A_539 = tpu.vector_load %arg15[%swap3A_537, %swap3A_538] {strides = array<i32>} : memref<64x512xf32, #tpu.memory_space<vmem>>, vector<16xf32>,
      tpu.vector_store %arg15[%swap3A_537, %swap3A_538], %gather3A_533 {strides = array<i32>} : memref<64x512xf32, #tpu.memory_space<vmem>>, vector<16xf32>,
      %broadcast_in_dim3A_540 = arith.constant 27 : i32
      %broadcast_in_dim3A_541 = vector.broadcast %broadcast_in_dim3A_540 : i32 to vector<16xi32>
      %gather3A_542 = tpu.vector_load_idx %arg12[%add3A_442, %broadcast_in_dim3A_541] : memref<512x128xf32, #tpu.memory_space<vmem>>[vector<16xi32>, vector<16xi32>], vector<16xf32>,
      %mul3A_543 = arith.constant 16 : i32
      %mul3A_544 = arith.muli %scan3A_437, %mul3A_543 : i32
      %swap3A_545 = arith.constant 11 : i32
      %swap3A_546 = arith.index_cast %swap3A_545 : i32 to index
      %swap3A_547 = arith.index_cast %mul3A_544 : i32 to index
      %swap3A_548 = tpu.vector_load %arg15[%swap3A_546, %swap3A_547] {strides = array<i32>} : memref<64x512xf32, #tpu.memory_space<vmem>>, vector<16xf32>,
      tpu.vector_store %arg15[%swap3A_546, %swap3A_547], %gather3A_542 {strides = array<i32>} : memref<64x512xf32, #tpu.memory_space<vmem>>, vector<16xf32>,
      %broadcast_in_dim3A_549 = arith.constant 28 : i32
      %broadcast_in_dim3A_550 = vector.broadcast %broadcast_in_dim3A_549 : i32 to vector<16xi32>
      %gather3A_551 = tpu.vector_load_idx %arg12[%add3A_442, %broadcast_in_dim3A_550] : memref<512x128xf32, #tpu.memory_space<vmem>>[vector<16xi32>, vector<16xi32>], vector<16xf32>,
      %mul3A_552 = arith.constant 16 : i32
      %mul3A_553 = arith.muli %scan3A_437, %mul3A_552 : i32
      %swap3A_554 = arith.constant 12 : i32
      %swap3A_555 = arith.index_cast %swap3A_554 : i32 to index
      %swap3A_556 = arith.index_cast %mul3A_553 : i32 to index
      %swap3A_557 = tpu.vector_load %arg15[%swap3A_555, %swap3A_556] {strides = array<i32>} : memref<64x512xf32, #tpu.memory_space<vmem>>, vector<16xf32>,
      tpu.vector_store %arg15[%swap3A_555, %swap3A_556], %gather3A_551 {strides = array<i32>} : memref<64x512xf32, #tpu.memory_space<vmem>>, vector<16xf32>,
      %broadcast_in_dim3A_558 = arith.constant 29 : i32
      %broadcast_in_dim3A_559 = vector.broadcast %broadcast_in_dim3A_558 : i32 to vector<16xi32>
      %gather3A_560 = tpu.vector_load_idx %arg12[%add3A_442, %broadcast_in_dim3A_559] : memref<512x128xf32, #tpu.memory_space<vmem>>[vector<16xi32>, vector<16xi32>], vector<16xf32>,
      %mul3A_561 = arith.constant 16 : i32
      %mul3A_562 = arith.muli %scan3A_437, %mul3A_561 : i32
      %swap3A_563 = arith.constant 13 : i32
      %swap3A_564 = arith.index_cast %swap3A_563 : i32 to index
      %swap3A_565 = arith.index_cast %mul3A_562 : i32 to index
      %swap3A_566 = tpu.vector_load %arg15[%swap3A_564, %swap3A_565] {strides = array<i32>} : memref<64x512xf32, #tpu.memory_space<vmem>>, vector<16xf32>,
      tpu.vector_store %arg15[%swap3A_564, %swap3A_565], %gather3A_560 {strides = array<i32>} : memref<64x512xf32, #tpu.memory_space<vmem>>, vector<16xf32>,
      %broadcast_in_dim3A_567 = arith.constant 30 : i32
      %broadcast_in_dim3A_568 = vector.broadcast %broadcast_in_dim3A_567 : i32 to vector<16xi32>
      %gather3A_569 = tpu.vector_load_idx %arg12[%add3A_442, %broadcast_in_dim3A_568] : memref<512x128xf32, #tpu.memory_space<vmem>>[vector<16xi32>, vector<16xi32>], vector<16xf32>,
      %mul3A_570 = arith.constant 16 : i32
      %mul3A_571 = arith.muli %scan3A_437, %mul3A_570 : i32
      %swap3A_572 = arith.constant 14 : i32
      %swap3A_573 = arith.index_cast %swap3A_572 : i32 to index
      %swap3A_574 = arith.index_cast %mul3A_571 : i32 to index
      %swap3A_575 = tpu.vector_load %arg15[%swap3A_573, %swap3A_574] {strides = array<i32>} : memref<64x512xf32, #tpu.memory_space<vmem>>, vector<16xf32>,
      tpu.vector_store %arg15[%swap3A_573, %swap3A_574], %gather3A_569 {strides = array<i32>} : memref<64x512xf32, #tpu.memory_space<vmem>>, vector<16xf32>,
      %broadcast_in_dim3A_576 = arith.constant 31 : i32
      %broadcast_in_dim3A_577 = vector.broadcast %broadcast_in_dim3A_576 : i32 to vector<16xi32>
      %gather3A_578 = tpu.vector_load_idx %arg12[%add3A_442, %broadcast_in_dim3A_577] : memref<512x128xf32, #tpu.memory_space<vmem>>[vector<16xi32>, vector<16xi32>], vector<16xf32>,
      %mul3A_579 = arith.constant 16 : i32
      %mul3A_580 = arith.muli %scan3A_437, %mul3A_579 : i32
      %swap3A_581 = arith.constant 15 : i32
      %swap3A_582 = arith.index_cast %swap3A_581 : i32 to index
      %swap3A_583 = arith.index_cast %mul3A_580 : i32 to index
      %swap3A_584 = tpu.vector_load %arg15[%swap3A_582, %swap3A_583] {strides = array<i32>} : memref<64x512xf32, #tpu.memory_space<vmem>>, vector<16xf32>,
      tpu.vector_store %arg15[%swap3A_582, %swap3A_583], %gather3A_578 {strides = array<i32>} : memref<64x512xf32, #tpu.memory_space<vmem>>, vector<16xf32>,
      %broadcast_in_dim3A_585 = arith.constant 32 : i32
      %broadcast_in_dim3A_586 = vector.broadcast %broadcast_in_dim3A_585 : i32 to vector<16xi32>
      %gather3A_587 = tpu.vector_load_idx %arg12[%add3A_442, %broadcast_in_dim3A_586] : memref<512x128xf32, #tpu.memory_space<vmem>>[vector<16xi32>, vector<16xi32>], vector<16xf32>,
      %mul3A_588 = arith.constant 16 : i32
      %mul3A_589 = arith.muli %scan3A_437, %mul3A_588 : i32
      %swap3A_590 = arith.constant 16 : i32
      %swap3A_591 = arith.index_cast %swap3A_590 : i32 to index
      %swap3A_592 = arith.index_cast %mul3A_589 : i32 to index
      %swap3A_593 = tpu.vector_load %arg15[%swap3A_591, %swap3A_592] {strides = array<i32>} : memref<64x512xf32, #tpu.memory_space<vmem>>, vector<16xf32>,
      tpu.vector_store %arg15[%swap3A_591, %swap3A_592], %gather3A_587 {strides = array<i32>} : memref<64x512xf32, #tpu.memory_space<vmem>>, vector<16xf32>,
      %broadcast_in_dim3A_594 = arith.constant 33 : i32
      %broadcast_in_dim3A_595 = vector.broadcast %broadcast_in_dim3A_594 : i32 to vector<16xi32>
      %gather3A_596 = tpu.vector_load_idx %arg12[%add3A_442, %broadcast_in_dim3A_595] : memref<512x128xf32, #tpu.memory_space<vmem>>[vector<16xi32>, vector<16xi32>], vector<16xf32>,
      %mul3A_597 = arith.constant 16 : i32
      %mul3A_598 = arith.muli %scan3A_437, %mul3A_597 : i32
      %swap3A_599 = arith.constant 17 : i32
      %swap3A_600 = arith.index_cast %swap3A_599 : i32 to index
      %swap3A_601 = arith.index_cast %mul3A_598 : i32 to index
      %swap3A_602 = tpu.vector_load %arg15[%swap3A_600, %swap3A_601] {strides = array<i32>} : memref<64x512xf32, #tpu.memory_space<vmem>>, vector<16xf32>,
      tpu.vector_store %arg15[%swap3A_600, %swap3A_601], %gather3A_596 {strides = array<i32>} : memref<64x512xf32, #tpu.memory_space<vmem>>, vector<16xf32>,
      %broadcast_in_dim3A_603 = arith.constant 34 : i32
      %broadcast_in_dim3A_604 = vector.broadcast %broadcast_in_dim3A_603 : i32 to vector<16xi32>
      %gather3A_605 = tpu.vector_load_idx %arg12[%add3A_442, %broadcast_in_dim3A_604] : memref<512x128xf32, #tpu.memory_space<vmem>>[vector<16xi32>, vector<16xi32>], vector<16xf32>,
      %mul3A_606 = arith.constant 16 : i32
      %mul3A_607 = arith.muli %scan3A_437, %mul3A_606 : i32
      %swap3A_608 = arith.constant 18 : i32
      %swap3A_609 = arith.index_cast %swap3A_608 : i32 to index
      %swap3A_610 = arith.index_cast %mul3A_607 : i32 to index
      %swap3A_611 = tpu.vector_load %arg15[%swap3A_609, %swap3A_610] {strides = array<i32>} : memref<64x512xf32, #tpu.memory_space<vmem>>, vector<16xf32>,
      tpu.vector_store %arg15[%swap3A_609, %swap3A_610], %gather3A_605 {strides = array<i32>} : memref<64x512xf32, #tpu.memory_space<vmem>>, vector<16xf32>,
      %broadcast_in_dim3A_612 = arith.constant 35 : i32
      %broadcast_in_dim3A_613 = vector.broadcast %broadcast_in_dim3A_612 : i32 to vector<16xi32>
      %gather3A_614 = tpu.vector_load_idx %arg12[%add3A_442, %broadcast_in_dim3A_613] : memref<512x128xf32, #tpu.memory_space<vmem>>[vector<16xi32>, vector<16xi32>], vector<16xf32>,
      %mul3A_615 = arith.constant 16 : i32
      %mul3A_616 = arith.muli %scan3A_437, %mul3A_615 : i32
      %swap3A_617 = arith.constant 19 : i32
      %swap3A_618 = arith.index_cast %swap3A_617 : i32 to index
      %swap3A_619 = arith.index_cast %mul3A_616 : i32 to index
      %swap3A_620 = tpu.vector_load %arg15[%swap3A_618, %swap3A_619] {strides = array<i32>} : memref<64x512xf32, #tpu.memory_space<vmem>>, vector<16xf32>,
      tpu.vector_store %arg15[%swap3A_618, %swap3A_619], %gather3A_614 {strides = array<i32>} : memref<64x512xf32, #tpu.memory_space<vmem>>, vector<16xf32>,
      %broadcast_in_dim3A_621 = arith.constant 36 : i32
      %broadcast_in_dim3A_622 = vector.broadcast %broadcast_in_dim3A_621 : i32 to vector<16xi32>
      %gather3A_623 = tpu.vector_load_idx %arg12[%add3A_442, %broadcast_in_dim3A_622] : memref<512x128xf32, #tpu.memory_space<vmem>>[vector<16xi32>, vector<16xi32>], vector<16xf32>,
      %mul3A_624 = arith.constant 16 : i32
      %mul3A_625 = arith.muli %scan3A_437, %mul3A_624 : i32
      %swap3A_626 = arith.constant 20 : i32
      %swap3A_627 = arith.index_cast %swap3A_626 : i32 to index
      %swap3A_628 = arith.index_cast %mul3A_625 : i32 to index
      %swap3A_629 = tpu.vector_load %arg15[%swap3A_627, %swap3A_628] {strides = array<i32>} : memref<64x512xf32, #tpu.memory_space<vmem>>, vector<16xf32>,
      tpu.vector_store %arg15[%swap3A_627, %swap3A_628], %gather3A_623 {strides = array<i32>} : memref<64x512xf32, #tpu.memory_space<vmem>>, vector<16xf32>,
      %broadcast_in_dim3A_630 = arith.constant 37 : i32
      %broadcast_in_dim3A_631 = vector.broadcast %broadcast_in_dim3A_630 : i32 to vector<16xi32>
      %gather3A_632 = tpu.vector_load_idx %arg12[%add3A_442, %broadcast_in_dim3A_631] : memref<512x128xf32, #tpu.memory_space<vmem>>[vector<16xi32>, vector<16xi32>], vector<16xf32>,
      %mul3A_633 = arith.constant 16 : i32
      %mul3A_634 = arith.muli %scan3A_437, %mul3A_633 : i32
      %swap3A_635 = arith.constant 21 : i32
      %swap3A_636 = arith.index_cast %swap3A_635 : i32 to index
      %swap3A_637 = arith.index_cast %mul3A_634 : i32 to index
      %swap3A_638 = tpu.vector_load %arg15[%swap3A_636, %swap3A_637] {strides = array<i32>} : memref<64x512xf32, #tpu.memory_space<vmem>>, vector<16xf32>,
      tpu.vector_store %arg15[%swap3A_636, %swap3A_637], %gather3A_632 {strides = array<i32>} : memref<64x512xf32, #tpu.memory_space<vmem>>, vector<16xf32>,
      %broadcast_in_dim3A_639 = arith.constant 38 : i32
      %broadcast_in_dim3A_640 = vector.broadcast %broadcast_in_dim3A_639 : i32 to vector<16xi32>
      %gather3A_641 = tpu.vector_load_idx %arg12[%add3A_442, %broadcast_in_dim3A_640] : memref<512x128xf32, #tpu.memory_space<vmem>>[vector<16xi32>, vector<16xi32>], vector<16xf32>,
      %mul3A_642 = arith.constant 16 : i32
      %mul3A_643 = arith.muli %scan3A_437, %mul3A_642 : i32
      %swap3A_644 = arith.constant 22 : i32
      %swap3A_645 = arith.index_cast %swap3A_644 : i32 to index
      %swap3A_646 = arith.index_cast %mul3A_643 : i32 to index
      %swap3A_647 = tpu.vector_load %arg15[%swap3A_645, %swap3A_646] {strides = array<i32>} : memref<64x512xf32, #tpu.memory_space<vmem>>, vector<16xf32>,
      tpu.vector_store %arg15[%swap3A_645, %swap3A_646], %gather3A_641 {strides = array<i32>} : memref<64x512xf32, #tpu.memory_space<vmem>>, vector<16xf32>,
      %broadcast_in_dim3A_648 = arith.constant 39 : i32
      %broadcast_in_dim3A_649 = vector.broadcast %broadcast_in_dim3A_648 : i32 to vector<16xi32>
      %gather3A_650 = tpu.vector_load_idx %arg12[%add3A_442, %broadcast_in_dim3A_649] : memref<512x128xf32, #tpu.memory_space<vmem>>[vector<16xi32>, vector<16xi32>], vector<16xf32>,
      %mul3A_651 = arith.constant 16 : i32
      %mul3A_652 = arith.muli %scan3A_437, %mul3A_651 : i32
      %swap3A_653 = arith.constant 23 : i32
      %swap3A_654 = arith.index_cast %swap3A_653 : i32 to index
      %swap3A_655 = arith.index_cast %mul3A_652 : i32 to index
      %swap3A_656 = tpu.vector_load %arg15[%swap3A_654, %swap3A_655] {strides = array<i32>} : memref<64x512xf32, #tpu.memory_space<vmem>>, vector<16xf32>,
      tpu.vector_store %arg15[%swap3A_654, %swap3A_655], %gather3A_650 {strides = array<i32>} : memref<64x512xf32, #tpu.memory_space<vmem>>, vector<16xf32>,
      %broadcast_in_dim3A_657 = arith.constant 40 : i32
      %broadcast_in_dim3A_658 = vector.broadcast %broadcast_in_dim3A_657 : i32 to vector<16xi32>
      %gather3A_659 = tpu.vector_load_idx %arg12[%add3A_442, %broadcast_in_dim3A_658] : memref<512x128xf32, #tpu.memory_space<vmem>>[vector<16xi32>, vector<16xi32>], vector<16xf32>,
      %mul3A_660 = arith.constant 16 : i32
      %mul3A_661 = arith.muli %scan3A_437, %mul3A_660 : i32
      %swap3A_662 = arith.constant 24 : i32
      %swap3A_663 = arith.index_cast %swap3A_662 : i32 to index
      %swap3A_664 = arith.index_cast %mul3A_661 : i32 to index
      %swap3A_665 = tpu.vector_load %arg15[%swap3A_663, %swap3A_664] {strides = array<i32>} : memref<64x512xf32, #tpu.memory_space<vmem>>, vector<16xf32>,
      tpu.vector_store %arg15[%swap3A_663, %swap3A_664], %gather3A_659 {strides = array<i32>} : memref<64x512xf32, #tpu.memory_space<vmem>>, vector<16xf32>,
      %broadcast_in_dim3A_666 = arith.constant 41 : i32
      %broadcast_in_dim3A_667 = vector.broadcast %broadcast_in_dim3A_666 : i32 to vector<16xi32>
      %gather3A_668 = tpu.vector_load_idx %arg12[%add3A_442, %broadcast_in_dim3A_667] : memref<512x128xf32, #tpu.memory_space<vmem>>[vector<16xi32>, vector<16xi32>], vector<16xf32>,
      %mul3A_669 = arith.constant 16 : i32
      %mul3A_670 = arith.muli %scan3A_437, %mul3A_669 : i32
      %swap3A_671 = arith.constant 25 : i32
      %swap3A_672 = arith.index_cast %swap3A_671 : i32 to index
      %swap3A_673 = arith.index_cast %mul3A_670 : i32 to index
      %swap3A_674 = tpu.vector_load %arg15[%swap3A_672, %swap3A_673] {strides = array<i32>} : memref<64x512xf32, #tpu.memory_space<vmem>>, vector<16xf32>,
      tpu.vector_store %arg15[%swap3A_672, %swap3A_673], %gather3A_668 {strides = array<i32>} : memref<64x512xf32, #tpu.memory_space<vmem>>, vector<16xf32>,
      %broadcast_in_dim3A_675 = arith.constant 42 : i32
      %broadcast_in_dim3A_676 = vector.broadcast %broadcast_in_dim3A_675 : i32 to vector<16xi32>
      %gather3A_677 = tpu.vector_load_idx %arg12[%add3A_442, %broadcast_in_dim3A_676] : memref<512x128xf32, #tpu.memory_space<vmem>>[vector<16xi32>, vector<16xi32>], vector<16xf32>,
      %mul3A_678 = arith.constant 16 : i32
      %mul3A_679 = arith.muli %scan3A_437, %mul3A_678 : i32
      %swap3A_680 = arith.constant 26 : i32
      %swap3A_681 = arith.index_cast %swap3A_680 : i32 to index
      %swap3A_682 = arith.index_cast %mul3A_679 : i32 to index
      %swap3A_683 = tpu.vector_load %arg15[%swap3A_681, %swap3A_682] {strides = array<i32>} : memref<64x512xf32, #tpu.memory_space<vmem>>, vector<16xf32>,
      tpu.vector_store %arg15[%swap3A_681, %swap3A_682], %gather3A_677 {strides = array<i32>} : memref<64x512xf32, #tpu.memory_space<vmem>>, vector<16xf32>,
      %broadcast_in_dim3A_684 = arith.constant 43 : i32
      %broadcast_in_dim3A_685 = vector.broadcast %broadcast_in_dim3A_684 : i32 to vector<16xi32>
      %gather3A_686 = tpu.vector_load_idx %arg12[%add3A_442, %broadcast_in_dim3A_685] : memref<512x128xf32, #tpu.memory_space<vmem>>[vector<16xi32>, vector<16xi32>], vector<16xf32>,
      %mul3A_687 = arith.constant 16 : i32
      %mul3A_688 = arith.muli %scan3A_437, %mul3A_687 : i32
      %swap3A_689 = arith.constant 27 : i32
      %swap3A_690 = arith.index_cast %swap3A_689 : i32 to index
      %swap3A_691 = arith.index_cast %mul3A_688 : i32 to index
      %swap3A_692 = tpu.vector_load %arg15[%swap3A_690, %swap3A_691] {strides = array<i32>} : memref<64x512xf32, #tpu.memory_space<vmem>>, vector<16xf32>,
      tpu.vector_store %arg15[%swap3A_690, %swap3A_691], %gather3A_686 {strides = array<i32>} : memref<64x512xf32, #tpu.memory_space<vmem>>, vector<16xf32>,
      %broadcast_in_dim3A_693 = arith.constant 44 : i32
      %broadcast_in_dim3A_694 = vector.broadcast %broadcast_in_dim3A_693 : i32 to vector<16xi32>
      %gather3A_695 = tpu.vector_load_idx %arg12[%add3A_442, %broadcast_in_dim3A_694] : memref<512x128xf32, #tpu.memory_space<vmem>>[vector<16xi32>, vector<16xi32>], vector<16xf32>,
      %mul3A_696 = arith.constant 16 : i32
      %mul3A_697 = arith.muli %scan3A_437, %mul3A_696 : i32
      %swap3A_698 = arith.constant 28 : i32
      %swap3A_699 = arith.index_cast %swap3A_698 : i32 to index
      %swap3A_700 = arith.index_cast %mul3A_697 : i32 to index
      %swap3A_701 = tpu.vector_load %arg15[%swap3A_699, %swap3A_700] {strides = array<i32>} : memref<64x512xf32, #tpu.memory_space<vmem>>, vector<16xf32>,
      tpu.vector_store %arg15[%swap3A_699, %swap3A_700], %gather3A_695 {strides = array<i32>} : memref<64x512xf32, #tpu.memory_space<vmem>>, vector<16xf32>,
      %broadcast_in_dim3A_702 = arith.constant 45 : i32
      %broadcast_in_dim3A_703 = vector.broadcast %broadcast_in_dim3A_702 : i32 to vector<16xi32>
      %gather3A_704 = tpu.vector_load_idx %arg12[%add3A_442, %broadcast_in_dim3A_703] : memref<512x128xf32, #tpu.memory_space<vmem>>[vector<16xi32>, vector<16xi32>], vector<16xf32>,
      %mul3A_705 = arith.constant 16 : i32
      %mul3A_706 = arith.muli %scan3A_437, %mul3A_705 : i32
      %swap3A_707 = arith.constant 29 : i32
      %swap3A_708 = arith.index_cast %swap3A_707 : i32 to index
      %swap3A_709 = arith.index_cast %mul3A_706 : i32 to index
      %swap3A_710 = tpu.vector_load %arg15[%swap3A_708, %swap3A_709] {strides = array<i32>} : memref<64x512xf32, #tpu.memory_space<vmem>>, vector<16xf32>,
      tpu.vector_store %arg15[%swap3A_708, %swap3A_709], %gather3A_704 {strides = array<i32>} : memref<64x512xf32, #tpu.memory_space<vmem>>, vector<16xf32>,
      %broadcast_in_dim3A_711 = arith.constant 46 : i32
      %broadcast_in_dim3A_712 = vector.broadcast %broadcast_in_dim3A_711 : i32 to vector<16xi32>
      %gather3A_713 = tpu.vector_load_idx %arg12[%add3A_442, %broadcast_in_dim3A_712] : memref<512x128xf32, #tpu.memory_space<vmem>>[vector<16xi32>, vector<16xi32>], vector<16xf32>,
      %mul3A_714 = arith.constant 16 : i32
      %mul3A_715 = arith.muli %scan3A_437, %mul3A_714 : i32
      %swap3A_716 = arith.constant 30 : i32
      %swap3A_717 = arith.index_cast %swap3A_716 : i32 to index
      %swap3A_718 = arith.index_cast %mul3A_715 : i32 to index
      %swap3A_719 = tpu.vector_load %arg15[%swap3A_717, %swap3A_718] {strides = array<i32>} : memref<64x512xf32, #tpu.memory_space<vmem>>, vector<16xf32>,
      tpu.vector_store %arg15[%swap3A_717, %swap3A_718], %gather3A_713 {strides = array<i32>} : memref<64x512xf32, #tpu.memory_space<vmem>>, vector<16xf32>,
      %broadcast_in_dim3A_720 = arith.constant 47 : i32
      %broadcast_in_dim3A_721 = vector.broadcast %broadcast_in_dim3A_720 : i32 to vector<16xi32>
      %gather3A_722 = tpu.vector_load_idx %arg12[%add3A_442, %broadcast_in_dim3A_721] : memref<512x128xf32, #tpu.memory_space<vmem>>[vector<16xi32>, vector<16xi32>], vector<16xf32>,
      %mul3A_723 = arith.constant 16 : i32
      %mul3A_724 = arith.muli %scan3A_437, %mul3A_723 : i32
      %swap3A_725 = arith.constant 31 : i32
      %swap3A_726 = arith.index_cast %swap3A_725 : i32 to index
      %swap3A_727 = arith.index_cast %mul3A_724 : i32 to index
      %swap3A_728 = tpu.vector_load %arg15[%swap3A_726, %swap3A_727] {strides = array<i32>} : memref<64x512xf32, #tpu.memory_space<vmem>>, vector<16xf32>,
      tpu.vector_store %arg15[%swap3A_726, %swap3A_727], %gather3A_722 {strides = array<i32>} : memref<64x512xf32, #tpu.memory_space<vmem>>, vector<16xf32>,
      %broadcast_in_dim3A_729 = arith.constant 48 : i32
      %broadcast_in_dim3A_730 = vector.broadcast %broadcast_in_dim3A_729 : i32 to vector<16xi32>
      %gather3A_731 = tpu.vector_load_idx %arg12[%add3A_442, %broadcast_in_dim3A_730] : memref<512x128xf32, #tpu.memory_space<vmem>>[vector<16xi32>, vector<16xi32>], vector<16xf32>,
      %mul3A_732 = arith.constant 16 : i32
      %mul3A_733 = arith.muli %scan3A_437, %mul3A_732 : i32
      %swap3A_734 = arith.constant 32 : i32
      %swap3A_735 = arith.index_cast %swap3A_734 : i32 to index
      %swap3A_736 = arith.index_cast %mul3A_733 : i32 to index
      %swap3A_737 = tpu.vector_load %arg15[%swap3A_735, %swap3A_736] {strides = array<i32>} : memref<64x512xf32, #tpu.memory_space<vmem>>, vector<16xf32>,
      tpu.vector_store %arg15[%swap3A_735, %swap3A_736], %gather3A_731 {strides = array<i32>} : memref<64x512xf32, #tpu.memory_space<vmem>>, vector<16xf32>,
      %broadcast_in_dim3A_738 = arith.constant 49 : i32
      %broadcast_in_dim3A_739 = vector.broadcast %broadcast_in_dim3A_738 : i32 to vector<16xi32>
      %gather3A_740 = tpu.vector_load_idx %arg12[%add3A_442, %broadcast_in_dim3A_739] : memref<512x128xf32, #tpu.memory_space<vmem>>[vector<16xi32>, vector<16xi32>], vector<16xf32>,
      %mul3A_741 = arith.constant 16 : i32
      %mul3A_742 = arith.muli %scan3A_437, %mul3A_741 : i32
      %swap3A_743 = arith.constant 33 : i32
      %swap3A_744 = arith.index_cast %swap3A_743 : i32 to index
      %swap3A_745 = arith.index_cast %mul3A_742 : i32 to index
      %swap3A_746 = tpu.vector_load %arg15[%swap3A_744, %swap3A_745] {strides = array<i32>} : memref<64x512xf32, #tpu.memory_space<vmem>>, vector<16xf32>,
      tpu.vector_store %arg15[%swap3A_744, %swap3A_745], %gather3A_740 {strides = array<i32>} : memref<64x512xf32, #tpu.memory_space<vmem>>, vector<16xf32>,
      %broadcast_in_dim3A_747 = arith.constant 50 : i32
      %broadcast_in_dim3A_748 = vector.broadcast %broadcast_in_dim3A_747 : i32 to vector<16xi32>
      %gather3A_749 = tpu.vector_load_idx %arg12[%add3A_442, %broadcast_in_dim3A_748] : memref<512x128xf32, #tpu.memory_space<vmem>>[vector<16xi32>, vector<16xi32>], vector<16xf32>,
      %mul3A_750 = arith.constant 16 : i32
      %mul3A_751 = arith.muli %scan3A_437, %mul3A_750 : i32
      %swap3A_752 = arith.constant 34 : i32
      %swap3A_753 = arith.index_cast %swap3A_752 : i32 to index
      %swap3A_754 = arith.index_cast %mul3A_751 : i32 to index
      %swap3A_755 = tpu.vector_load %arg15[%swap3A_753, %swap3A_754] {strides = array<i32>} : memref<64x512xf32, #tpu.memory_space<vmem>>, vector<16xf32>,
      tpu.vector_store %arg15[%swap3A_753, %swap3A_754], %gather3A_749 {strides = array<i32>} : memref<64x512xf32, #tpu.memory_space<vmem>>, vector<16xf32>,
      %broadcast_in_dim3A_756 = arith.constant 51 : i32
      %broadcast_in_dim3A_757 = vector.broadcast %broadcast_in_dim3A_756 : i32 to vector<16xi32>
      %gather3A_758 = tpu.vector_load_idx %arg12[%add3A_442, %broadcast_in_dim3A_757] : memref<512x128xf32, #tpu.memory_space<vmem>>[vector<16xi32>, vector<16xi32>], vector<16xf32>,
      %mul3A_759 = arith.constant 16 : i32
      %mul3A_760 = arith.muli %scan3A_437, %mul3A_759 : i32
      %swap3A_761 = arith.constant 35 : i32
      %swap3A_762 = arith.index_cast %swap3A_761 : i32 to index
      %swap3A_763 = arith.index_cast %mul3A_760 : i32 to index
      %swap3A_764 = tpu.vector_load %arg15[%swap3A_762, %swap3A_763] {strides = array<i32>} : memref<64x512xf32, #tpu.memory_space<vmem>>, vector<16xf32>,
      tpu.vector_store %arg15[%swap3A_762, %swap3A_763], %gather3A_758 {strides = array<i32>} : memref<64x512xf32, #tpu.memory_space<vmem>>, vector<16xf32>,
      %broadcast_in_dim3A_765 = arith.constant 52 : i32
      %broadcast_in_dim3A_766 = vector.broadcast %broadcast_in_dim3A_765 : i32 to vector<16xi32>
      %gather3A_767 = tpu.vector_load_idx %arg12[%add3A_442, %broadcast_in_dim3A_766] : memref<512x128xf32, #tpu.memory_space<vmem>>[vector<16xi32>, vector<16xi32>], vector<16xf32>,
      %mul3A_768 = arith.constant 16 : i32
      %mul3A_769 = arith.muli %scan3A_437, %mul3A_768 : i32
      %swap3A_770 = arith.constant 36 : i32
      %swap3A_771 = arith.index_cast %swap3A_770 : i32 to index
      %swap3A_772 = arith.index_cast %mul3A_769 : i32 to index
      %swap3A_773 = tpu.vector_load %arg15[%swap3A_771, %swap3A_772] {strides = array<i32>} : memref<64x512xf32, #tpu.memory_space<vmem>>, vector<16xf32>,
      tpu.vector_store %arg15[%swap3A_771, %swap3A_772], %gather3A_767 {strides = array<i32>} : memref<64x512xf32, #tpu.memory_space<vmem>>, vector<16xf32>,
      %broadcast_in_dim3A_774 = arith.constant 53 : i32
      %broadcast_in_dim3A_775 = vector.broadcast %broadcast_in_dim3A_774 : i32 to vector<16xi32>
      %gather3A_776 = tpu.vector_load_idx %arg12[%add3A_442, %broadcast_in_dim3A_775] : memref<512x128xf32, #tpu.memory_space<vmem>>[vector<16xi32>, vector<16xi32>], vector<16xf32>,
      %mul3A_777 = arith.constant 16 : i32
      %mul3A_778 = arith.muli %scan3A_437, %mul3A_777 : i32
      %swap3A_779 = arith.constant 37 : i32
      %swap3A_780 = arith.index_cast %swap3A_779 : i32 to index
      %swap3A_781 = arith.index_cast %mul3A_778 : i32 to index
      %swap3A_782 = tpu.vector_load %arg15[%swap3A_780, %swap3A_781] {strides = array<i32>} : memref<64x512xf32, #tpu.memory_space<vmem>>, vector<16xf32>,
      tpu.vector_store %arg15[%swap3A_780, %swap3A_781], %gather3A_776 {strides = array<i32>} : memref<64x512xf32, #tpu.memory_space<vmem>>, vector<16xf32>,
      %broadcast_in_dim3A_783 = arith.constant 54 : i32
      %broadcast_in_dim3A_784 = vector.broadcast %broadcast_in_dim3A_783 : i32 to vector<16xi32>
      %gather3A_785 = tpu.vector_load_idx %arg12[%add3A_442, %broadcast_in_dim3A_784] : memref<512x128xf32, #tpu.memory_space<vmem>>[vector<16xi32>, vector<16xi32>], vector<16xf32>,
      %mul3A_786 = arith.constant 16 : i32
      %mul3A_787 = arith.muli %scan3A_437, %mul3A_786 : i32
      %swap3A_788 = arith.constant 38 : i32
      %swap3A_789 = arith.index_cast %swap3A_788 : i32 to index
      %swap3A_790 = arith.index_cast %mul3A_787 : i32 to index
      %swap3A_791 = tpu.vector_load %arg15[%swap3A_789, %swap3A_790] {strides = array<i32>} : memref<64x512xf32, #tpu.memory_space<vmem>>, vector<16xf32>,
      tpu.vector_store %arg15[%swap3A_789, %swap3A_790], %gather3A_785 {strides = array<i32>} : memref<64x512xf32, #tpu.memory_space<vmem>>, vector<16xf32>,
      %broadcast_in_dim3A_792 = arith.constant 55 : i32
      %broadcast_in_dim3A_793 = vector.broadcast %broadcast_in_dim3A_792 : i32 to vector<16xi32>
      %gather3A_794 = tpu.vector_load_idx %arg12[%add3A_442, %broadcast_in_dim3A_793] : memref<512x128xf32, #tpu.memory_space<vmem>>[vector<16xi32>, vector<16xi32>], vector<16xf32>,
      %mul3A_795 = arith.constant 16 : i32
      %mul3A_796 = arith.muli %scan3A_437, %mul3A_795 : i32
      %swap3A_797 = arith.constant 39 : i32
      %swap3A_798 = arith.index_cast %swap3A_797 : i32 to index
      %swap3A_799 = arith.index_cast %mul3A_796 : i32 to index
      %swap3A_800 = tpu.vector_load %arg15[%swap3A_798, %swap3A_799] {strides = array<i32>} : memref<64x512xf32, #tpu.memory_space<vmem>>, vector<16xf32>,
      tpu.vector_store %arg15[%swap3A_798, %swap3A_799], %gather3A_794 {strides = array<i32>} : memref<64x512xf32, #tpu.memory_space<vmem>>, vector<16xf32>,
      %broadcast_in_dim3A_801 = arith.constant 56 : i32
      %broadcast_in_dim3A_802 = vector.broadcast %broadcast_in_dim3A_801 : i32 to vector<16xi32>
      %gather3A_803 = tpu.vector_load_idx %arg12[%add3A_442, %broadcast_in_dim3A_802] : memref<512x128xf32, #tpu.memory_space<vmem>>[vector<16xi32>, vector<16xi32>], vector<16xf32>,
      %mul3A_804 = arith.constant 16 : i32
      %mul3A_805 = arith.muli %scan3A_437, %mul3A_804 : i32
      %swap3A_806 = arith.constant 40 : i32
      %swap3A_807 = arith.index_cast %swap3A_806 : i32 to index
      %swap3A_808 = arith.index_cast %mul3A_805 : i32 to index
      %swap3A_809 = tpu.vector_load %arg15[%swap3A_807, %swap3A_808] {strides = array<i32>} : memref<64x512xf32, #tpu.memory_space<vmem>>, vector<16xf32>,
      tpu.vector_store %arg15[%swap3A_807, %swap3A_808], %gather3A_803 {strides = array<i32>} : memref<64x512xf32, #tpu.memory_space<vmem>>, vector<16xf32>,
      %broadcast_in_dim3A_810 = arith.constant 57 : i32
      %broadcast_in_dim3A_811 = vector.broadcast %broadcast_in_dim3A_810 : i32 to vector<16xi32>
      %gather3A_812 = tpu.vector_load_idx %arg12[%add3A_442, %broadcast_in_dim3A_811] : memref<512x128xf32, #tpu.memory_space<vmem>>[vector<16xi32>, vector<16xi32>], vector<16xf32>,
      %mul3A_813 = arith.constant 16 : i32
      %mul3A_814 = arith.muli %scan3A_437, %mul3A_813 : i32
      %swap3A_815 = arith.constant 41 : i32
      %swap3A_816 = arith.index_cast %swap3A_815 : i32 to index
      %swap3A_817 = arith.index_cast %mul3A_814 : i32 to index
      %swap3A_818 = tpu.vector_load %arg15[%swap3A_816, %swap3A_817] {strides = array<i32>} : memref<64x512xf32, #tpu.memory_space<vmem>>, vector<16xf32>,
      tpu.vector_store %arg15[%swap3A_816, %swap3A_817], %gather3A_812 {strides = array<i32>} : memref<64x512xf32, #tpu.memory_space<vmem>>, vector<16xf32>,
      %broadcast_in_dim3A_819 = arith.constant 58 : i32
      %broadcast_in_dim3A_820 = vector.broadcast %broadcast_in_dim3A_819 : i32 to vector<16xi32>
      %gather3A_821 = tpu.vector_load_idx %arg12[%add3A_442, %broadcast_in_dim3A_820] : memref<512x128xf32, #tpu.memory_space<vmem>>[vector<16xi32>, vector<16xi32>], vector<16xf32>,
      %mul3A_822 = arith.constant 16 : i32
      %mul3A_823 = arith.muli %scan3A_437, %mul3A_822 : i32
      %swap3A_824 = arith.constant 42 : i32
      %swap3A_825 = arith.index_cast %swap3A_824 : i32 to index
      %swap3A_826 = arith.index_cast %mul3A_823 : i32 to index
      %swap3A_827 = tpu.vector_load %arg15[%swap3A_825, %swap3A_826] {strides = array<i32>} : memref<64x512xf32, #tpu.memory_space<vmem>>, vector<16xf32>,
      tpu.vector_store %arg15[%swap3A_825, %swap3A_826], %gather3A_821 {strides = array<i32>} : memref<64x512xf32, #tpu.memory_space<vmem>>, vector<16xf32>,
      %broadcast_in_dim3A_828 = arith.constant 59 : i32
      %broadcast_in_dim3A_829 = vector.broadcast %broadcast_in_dim3A_828 : i32 to vector<16xi32>
      %gather3A_830 = tpu.vector_load_idx %arg12[%add3A_442, %broadcast_in_dim3A_829] : memref<512x128xf32, #tpu.memory_space<vmem>>[vector<16xi32>, vector<16xi32>], vector<16xf32>,
      %mul3A_831 = arith.constant 16 : i32
      %mul3A_832 = arith.muli %scan3A_437, %mul3A_831 : i32
      %swap3A_833 = arith.constant 43 : i32
      %swap3A_834 = arith.index_cast %swap3A_833 : i32 to index
      %swap3A_835 = arith.index_cast %mul3A_832 : i32 to index
      %swap3A_836 = tpu.vector_load %arg15[%swap3A_834, %swap3A_835] {strides = array<i32>} : memref<64x512xf32, #tpu.memory_space<vmem>>, vector<16xf32>,
      tpu.vector_store %arg15[%swap3A_834, %swap3A_835], %gather3A_830 {strides = array<i32>} : memref<64x512xf32, #tpu.memory_space<vmem>>, vector<16xf32>,
      %broadcast_in_dim3A_837 = arith.constant 60 : i32
      %broadcast_in_dim3A_838 = vector.broadcast %broadcast_in_dim3A_837 : i32 to vector<16xi32>
      %gather3A_839 = tpu.vector_load_idx %arg12[%add3A_442, %broadcast_in_dim3A_838] : memref<512x128xf32, #tpu.memory_space<vmem>>[vector<16xi32>, vector<16xi32>], vector<16xf32>,
      %mul3A_840 = arith.constant 16 : i32
      %mul3A_841 = arith.muli %scan3A_437, %mul3A_840 : i32
      %swap3A_842 = arith.constant 44 : i32
      %swap3A_843 = arith.index_cast %swap3A_842 : i32 to index
      %swap3A_844 = arith.index_cast %mul3A_841 : i32 to index
      %swap3A_845 = tpu.vector_load %arg15[%swap3A_843, %swap3A_844] {strides = array<i32>} : memref<64x512xf32, #tpu.memory_space<vmem>>, vector<16xf32>,
      tpu.vector_store %arg15[%swap3A_843, %swap3A_844], %gather3A_839 {strides = array<i32>} : memref<64x512xf32, #tpu.memory_space<vmem>>, vector<16xf32>,
      %broadcast_in_dim3A_846 = arith.constant 61 : i32
      %broadcast_in_dim3A_847 = vector.broadcast %broadcast_in_dim3A_846 : i32 to vector<16xi32>
      %gather3A_848 = tpu.vector_load_idx %arg12[%add3A_442, %broadcast_in_dim3A_847] : memref<512x128xf32, #tpu.memory_space<vmem>>[vector<16xi32>, vector<16xi32>], vector<16xf32>,
      %mul3A_849 = arith.constant 16 : i32
      %mul3A_850 = arith.muli %scan3A_437, %mul3A_849 : i32
      %swap3A_851 = arith.constant 45 : i32
      %swap3A_852 = arith.index_cast %swap3A_851 : i32 to index
      %swap3A_853 = arith.index_cast %mul3A_850 : i32 to index
      %swap3A_854 = tpu.vector_load %arg15[%swap3A_852, %swap3A_853] {strides = array<i32>} : memref<64x512xf32, #tpu.memory_space<vmem>>, vector<16xf32>,
      tpu.vector_store %arg15[%swap3A_852, %swap3A_853], %gather3A_848 {strides = array<i32>} : memref<64x512xf32, #tpu.memory_space<vmem>>, vector<16xf32>,
      %broadcast_in_dim3A_855 = arith.constant 62 : i32
      %broadcast_in_dim3A_856 = vector.broadcast %broadcast_in_dim3A_855 : i32 to vector<16xi32>
      %gather3A_857 = tpu.vector_load_idx %arg12[%add3A_442, %broadcast_in_dim3A_856] : memref<512x128xf32, #tpu.memory_space<vmem>>[vector<16xi32>, vector<16xi32>], vector<16xf32>,
      %mul3A_858 = arith.constant 16 : i32
      %mul3A_859 = arith.muli %scan3A_437, %mul3A_858 : i32
      %swap3A_860 = arith.constant 46 : i32
      %swap3A_861 = arith.index_cast %swap3A_860 : i32 to index
      %swap3A_862 = arith.index_cast %mul3A_859 : i32 to index
      %swap3A_863 = tpu.vector_load %arg15[%swap3A_861, %swap3A_862] {strides = array<i32>} : memref<64x512xf32, #tpu.memory_space<vmem>>, vector<16xf32>,
      tpu.vector_store %arg15[%swap3A_861, %swap3A_862], %gather3A_857 {strides = array<i32>} : memref<64x512xf32, #tpu.memory_space<vmem>>, vector<16xf32>,
      %broadcast_in_dim3A_864 = arith.constant 63 : i32
      %broadcast_in_dim3A_865 = vector.broadcast %broadcast_in_dim3A_864 : i32 to vector<16xi32>
      %gather3A_866 = tpu.vector_load_idx %arg12[%add3A_442, %broadcast_in_dim3A_865] : memref<512x128xf32, #tpu.memory_space<vmem>>[vector<16xi32>, vector<16xi32>], vector<16xf32>,
      %mul3A_867 = arith.constant 16 : i32
      %mul3A_868 = arith.muli %scan3A_437, %mul3A_867 : i32
      %swap3A_869 = arith.constant 47 : i32
      %swap3A_870 = arith.index_cast %swap3A_869 : i32 to index
      %swap3A_871 = arith.index_cast %mul3A_868 : i32 to index
      %swap3A_872 = tpu.vector_load %arg15[%swap3A_870, %swap3A_871] {strides = array<i32>} : memref<64x512xf32, #tpu.memory_space<vmem>>, vector<16xf32>,
      tpu.vector_store %arg15[%swap3A_870, %swap3A_871], %gather3A_866 {strides = array<i32>} : memref<64x512xf32, #tpu.memory_space<vmem>>, vector<16xf32>,
      %broadcast_in_dim3A_873 = arith.constant 64 : i32
      %broadcast_in_dim3A_874 = vector.broadcast %broadcast_in_dim3A_873 : i32 to vector<16xi32>
      %gather3A_875 = tpu.vector_load_idx %arg12[%add3A_442, %broadcast_in_dim3A_874] : memref<512x128xf32, #tpu.memory_space<vmem>>[vector<16xi32>, vector<16xi32>], vector<16xf32>,
      %mul3A_876 = arith.constant 16 : i32
      %mul3A_877 = arith.muli %scan3A_437, %mul3A_876 : i32
      %swap3A_878 = arith.constant 48 : i32
      %swap3A_879 = arith.index_cast %swap3A_878 : i32 to index
      %swap3A_880 = arith.index_cast %mul3A_877 : i32 to index
      %swap3A_881 = tpu.vector_load %arg15[%swap3A_879, %swap3A_880] {strides = array<i32>} : memref<64x512xf32, #tpu.memory_space<vmem>>, vector<16xf32>,
      tpu.vector_store %arg15[%swap3A_879, %swap3A_880], %gather3A_875 {strides = array<i32>} : memref<64x512xf32, #tpu.memory_space<vmem>>, vector<16xf32>,
      %broadcast_in_dim3A_882 = arith.constant 65 : i32
      %broadcast_in_dim3A_883 = vector.broadcast %broadcast_in_dim3A_882 : i32 to vector<16xi32>
      %gather3A_884 = tpu.vector_load_idx %arg12[%add3A_442, %broadcast_in_dim3A_883] : memref<512x128xf32, #tpu.memory_space<vmem>>[vector<16xi32>, vector<16xi32>], vector<16xf32>,
      %mul3A_885 = arith.constant 16 : i32
      %mul3A_886 = arith.muli %scan3A_437, %mul3A_885 : i32
      %swap3A_887 = arith.constant 49 : i32
      %swap3A_888 = arith.index_cast %swap3A_887 : i32 to index
      %swap3A_889 = arith.index_cast %mul3A_886 : i32 to index
      %swap3A_890 = tpu.vector_load %arg15[%swap3A_888, %swap3A_889] {strides = array<i32>} : memref<64x512xf32, #tpu.memory_space<vmem>>, vector<16xf32>,
      tpu.vector_store %arg15[%swap3A_888, %swap3A_889], %gather3A_884 {strides = array<i32>} : memref<64x512xf32, #tpu.memory_space<vmem>>, vector<16xf32>,
      %broadcast_in_dim3A_891 = arith.constant 66 : i32
      %broadcast_in_dim3A_892 = vector.broadcast %broadcast_in_dim3A_891 : i32 to vector<16xi32>
      %gather3A_893 = tpu.vector_load_idx %arg12[%add3A_442, %broadcast_in_dim3A_892] : memref<512x128xf32, #tpu.memory_space<vmem>>[vector<16xi32>, vector<16xi32>], vector<16xf32>,
      %mul3A_894 = arith.constant 16 : i32
      %mul3A_895 = arith.muli %scan3A_437, %mul3A_894 : i32
      %swap3A_896 = arith.constant 50 : i32
      %swap3A_897 = arith.index_cast %swap3A_896 : i32 to index
      %swap3A_898 = arith.index_cast %mul3A_895 : i32 to index
      %swap3A_899 = tpu.vector_load %arg15[%swap3A_897, %swap3A_898] {strides = array<i32>} : memref<64x512xf32, #tpu.memory_space<vmem>>, vector<16xf32>,
      tpu.vector_store %arg15[%swap3A_897, %swap3A_898], %gather3A_893 {strides = array<i32>} : memref<64x512xf32, #tpu.memory_space<vmem>>, vector<16xf32>,
      %broadcast_in_dim3A_900 = arith.constant 67 : i32
      %broadcast_in_dim3A_901 = vector.broadcast %broadcast_in_dim3A_900 : i32 to vector<16xi32>
      %gather3A_902 = tpu.vector_load_idx %arg12[%add3A_442, %broadcast_in_dim3A_901] : memref<512x128xf32, #tpu.memory_space<vmem>>[vector<16xi32>, vector<16xi32>], vector<16xf32>,
      %mul3A_903 = arith.constant 16 : i32
      %mul3A_904 = arith.muli %scan3A_437, %mul3A_903 : i32
      %swap3A_905 = arith.constant 51 : i32
      %swap3A_906 = arith.index_cast %swap3A_905 : i32 to index
      %swap3A_907 = arith.index_cast %mul3A_904 : i32 to index
      %swap3A_908 = tpu.vector_load %arg15[%swap3A_906, %swap3A_907] {strides = array<i32>} : memref<64x512xf32, #tpu.memory_space<vmem>>, vector<16xf32>,
      tpu.vector_store %arg15[%swap3A_906, %swap3A_907], %gather3A_902 {strides = array<i32>} : memref<64x512xf32, #tpu.memory_space<vmem>>, vector<16xf32>,
      %broadcast_in_dim3A_909 = arith.constant 68 : i32
      %broadcast_in_dim3A_910 = vector.broadcast %broadcast_in_dim3A_909 : i32 to vector<16xi32>
      %gather3A_911 = tpu.vector_load_idx %arg12[%add3A_442, %broadcast_in_dim3A_910] : memref<512x128xf32, #tpu.memory_space<vmem>>[vector<16xi32>, vector<16xi32>], vector<16xf32>,
      %mul3A_912 = arith.constant 16 : i32
      %mul3A_913 = arith.muli %scan3A_437, %mul3A_912 : i32
      %swap3A_914 = arith.constant 52 : i32
      %swap3A_915 = arith.index_cast %swap3A_914 : i32 to index
      %swap3A_916 = arith.index_cast %mul3A_913 : i32 to index
      %swap3A_917 = tpu.vector_load %arg15[%swap3A_915, %swap3A_916] {strides = array<i32>} : memref<64x512xf32, #tpu.memory_space<vmem>>, vector<16xf32>,
      tpu.vector_store %arg15[%swap3A_915, %swap3A_916], %gather3A_911 {strides = array<i32>} : memref<64x512xf32, #tpu.memory_space<vmem>>, vector<16xf32>,
      %broadcast_in_dim3A_918 = arith.constant 69 : i32
      %broadcast_in_dim3A_919 = vector.broadcast %broadcast_in_dim3A_918 : i32 to vector<16xi32>
      %gather3A_920 = tpu.vector_load_idx %arg12[%add3A_442, %broadcast_in_dim3A_919] : memref<512x128xf32, #tpu.memory_space<vmem>>[vector<16xi32>, vector<16xi32>], vector<16xf32>,
      %mul3A_921 = arith.constant 16 : i32
      %mul3A_922 = arith.muli %scan3A_437, %mul3A_921 : i32
      %swap3A_923 = arith.constant 53 : i32
      %swap3A_924 = arith.index_cast %swap3A_923 : i32 to index
      %swap3A_925 = arith.index_cast %mul3A_922 : i32 to index
      %swap3A_926 = tpu.vector_load %arg15[%swap3A_924, %swap3A_925] {strides = array<i32>} : memref<64x512xf32, #tpu.memory_space<vmem>>, vector<16xf32>,
      tpu.vector_store %arg15[%swap3A_924, %swap3A_925], %gather3A_920 {strides = array<i32>} : memref<64x512xf32, #tpu.memory_space<vmem>>, vector<16xf32>,
      %broadcast_in_dim3A_927 = arith.constant 70 : i32
      %broadcast_in_dim3A_928 = vector.broadcast %broadcast_in_dim3A_927 : i32 to vector<16xi32>
      %gather3A_929 = tpu.vector_load_idx %arg12[%add3A_442, %broadcast_in_dim3A_928] : memref<512x128xf32, #tpu.memory_space<vmem>>[vector<16xi32>, vector<16xi32>], vector<16xf32>,
      %mul3A_930 = arith.constant 16 : i32
      %mul3A_931 = arith.muli %scan3A_437, %mul3A_930 : i32
      %swap3A_932 = arith.constant 54 : i32
      %swap3A_933 = arith.index_cast %swap3A_932 : i32 to index
      %swap3A_934 = arith.index_cast %mul3A_931 : i32 to index
      %swap3A_935 = tpu.vector_load %arg15[%swap3A_933, %swap3A_934] {strides = array<i32>} : memref<64x512xf32, #tpu.memory_space<vmem>>, vector<16xf32>,
      tpu.vector_store %arg15[%swap3A_933, %swap3A_934], %gather3A_929 {strides = array<i32>} : memref<64x512xf32, #tpu.memory_space<vmem>>, vector<16xf32>,
      %broadcast_in_dim3A_936 = arith.constant 71 : i32
      %broadcast_in_dim3A_937 = vector.broadcast %broadcast_in_dim3A_936 : i32 to vector<16xi32>
      %gather3A_938 = tpu.vector_load_idx %arg12[%add3A_442, %broadcast_in_dim3A_937] : memref<512x128xf32, #tpu.memory_space<vmem>>[vector<16xi32>, vector<16xi32>], vector<16xf32>,
      %mul3A_939 = arith.constant 16 : i32
      %mul3A_940 = arith.muli %scan3A_437, %mul3A_939 : i32
      %swap3A_941 = arith.constant 55 : i32
      %swap3A_942 = arith.index_cast %swap3A_941 : i32 to index
      %swap3A_943 = arith.index_cast %mul3A_940 : i32 to index
      %swap3A_944 = tpu.vector_load %arg15[%swap3A_942, %swap3A_943] {strides = array<i32>} : memref<64x512xf32, #tpu.memory_space<vmem>>, vector<16xf32>,
      tpu.vector_store %arg15[%swap3A_942, %swap3A_943], %gather3A_938 {strides = array<i32>} : memref<64x512xf32, #tpu.memory_space<vmem>>, vector<16xf32>,
      %broadcast_in_dim3A_945 = arith.constant 72 : i32
      %broadcast_in_dim3A_946 = vector.broadcast %broadcast_in_dim3A_945 : i32 to vector<16xi32>
      %gather3A_947 = tpu.vector_load_idx %arg12[%add3A_442, %broadcast_in_dim3A_946] : memref<512x128xf32, #tpu.memory_space<vmem>>[vector<16xi32>, vector<16xi32>], vector<16xf32>,
      %mul3A_948 = arith.constant 16 : i32
      %mul3A_949 = arith.muli %scan3A_437, %mul3A_948 : i32
      %swap3A_950 = arith.constant 56 : i32
      %swap3A_951 = arith.index_cast %swap3A_950 : i32 to index
      %swap3A_952 = arith.index_cast %mul3A_949 : i32 to index
      %swap3A_953 = tpu.vector_load %arg15[%swap3A_951, %swap3A_952] {strides = array<i32>} : memref<64x512xf32, #tpu.memory_space<vmem>>, vector<16xf32>,
      tpu.vector_store %arg15[%swap3A_951, %swap3A_952], %gather3A_947 {strides = array<i32>} : memref<64x512xf32, #tpu.memory_space<vmem>>, vector<16xf32>,
      %broadcast_in_dim3A_954 = arith.constant 73 : i32
      %broadcast_in_dim3A_955 = vector.broadcast %broadcast_in_dim3A_954 : i32 to vector<16xi32>
      %gather3A_956 = tpu.vector_load_idx %arg12[%add3A_442, %broadcast_in_dim3A_955] : memref<512x128xf32, #tpu.memory_space<vmem>>[vector<16xi32>, vector<16xi32>], vector<16xf32>,
      %mul3A_957 = arith.constant 16 : i32
      %mul3A_958 = arith.muli %scan3A_437, %mul3A_957 : i32
      %swap3A_959 = arith.constant 57 : i32
      %swap3A_960 = arith.index_cast %swap3A_959 : i32 to index
      %swap3A_961 = arith.index_cast %mul3A_958 : i32 to index
      %swap3A_962 = tpu.vector_load %arg15[%swap3A_960, %swap3A_961] {strides = array<i32>} : memref<64x512xf32, #tpu.memory_space<vmem>>, vector<16xf32>,
      tpu.vector_store %arg15[%swap3A_960, %swap3A_961], %gather3A_956 {strides = array<i32>} : memref<64x512xf32, #tpu.memory_space<vmem>>, vector<16xf32>,
      %broadcast_in_dim3A_963 = arith.constant 74 : i32
      %broadcast_in_dim3A_964 = vector.broadcast %broadcast_in_dim3A_963 : i32 to vector<16xi32>
      %gather3A_965 = tpu.vector_load_idx %arg12[%add3A_442, %broadcast_in_dim3A_964] : memref<512x128xf32, #tpu.memory_space<vmem>>[vector<16xi32>, vector<16xi32>], vector<16xf32>,
      %mul3A_966 = arith.constant 16 : i32
      %mul3A_967 = arith.muli %scan3A_437, %mul3A_966 : i32
      %swap3A_968 = arith.constant 58 : i32
      %swap3A_969 = arith.index_cast %swap3A_968 : i32 to index
      %swap3A_970 = arith.index_cast %mul3A_967 : i32 to index
      %swap3A_971 = tpu.vector_load %arg15[%swap3A_969, %swap3A_970] {strides = array<i32>} : memref<64x512xf32, #tpu.memory_space<vmem>>, vector<16xf32>,
      tpu.vector_store %arg15[%swap3A_969, %swap3A_970], %gather3A_965 {strides = array<i32>} : memref<64x512xf32, #tpu.memory_space<vmem>>, vector<16xf32>,
      %broadcast_in_dim3A_972 = arith.constant 75 : i32
      %broadcast_in_dim3A_973 = vector.broadcast %broadcast_in_dim3A_972 : i32 to vector<16xi32>
      %gather3A_974 = tpu.vector_load_idx %arg12[%add3A_442, %broadcast_in_dim3A_973] : memref<512x128xf32, #tpu.memory_space<vmem>>[vector<16xi32>, vector<16xi32>], vector<16xf32>,
      %mul3A_975 = arith.constant 16 : i32
      %mul3A_976 = arith.muli %scan3A_437, %mul3A_975 : i32
      %swap3A_977 = arith.constant 59 : i32
      %swap3A_978 = arith.index_cast %swap3A_977 : i32 to index
      %swap3A_979 = arith.index_cast %mul3A_976 : i32 to index
      %swap3A_980 = tpu.vector_load %arg15[%swap3A_978, %swap3A_979] {strides = array<i32>} : memref<64x512xf32, #tpu.memory_space<vmem>>, vector<16xf32>,
      tpu.vector_store %arg15[%swap3A_978, %swap3A_979], %gather3A_974 {strides = array<i32>} : memref<64x512xf32, #tpu.memory_space<vmem>>, vector<16xf32>,
      %broadcast_in_dim3A_981 = arith.constant 76 : i32
      %broadcast_in_dim3A_982 = vector.broadcast %broadcast_in_dim3A_981 : i32 to vector<16xi32>
      %gather3A_983 = tpu.vector_load_idx %arg12[%add3A_442, %broadcast_in_dim3A_982] : memref<512x128xf32, #tpu.memory_space<vmem>>[vector<16xi32>, vector<16xi32>], vector<16xf32>,
      %mul3A_984 = arith.constant 16 : i32
      %mul3A_985 = arith.muli %scan3A_437, %mul3A_984 : i32
      %swap3A_986 = arith.constant 60 : i32
      %swap3A_987 = arith.index_cast %swap3A_986 : i32 to index
      %swap3A_988 = arith.index_cast %mul3A_985 : i32 to index
      %swap3A_989 = tpu.vector_load %arg15[%swap3A_987, %swap3A_988] {strides = array<i32>} : memref<64x512xf32, #tpu.memory_space<vmem>>, vector<16xf32>,
      tpu.vector_store %arg15[%swap3A_987, %swap3A_988], %gather3A_983 {strides = array<i32>} : memref<64x512xf32, #tpu.memory_space<vmem>>, vector<16xf32>,
      %broadcast_in_dim3A_990 = arith.constant 77 : i32
      %broadcast_in_dim3A_991 = vector.broadcast %broadcast_in_dim3A_990 : i32 to vector<16xi32>
      %gather3A_992 = tpu.vector_load_idx %arg12[%add3A_442, %broadcast_in_dim3A_991] : memref<512x128xf32, #tpu.memory_space<vmem>>[vector<16xi32>, vector<16xi32>], vector<16xf32>,
      %mul3A_993 = arith.constant 16 : i32
      %mul3A_994 = arith.muli %scan3A_437, %mul3A_993 : i32
      %swap3A_995 = arith.constant 61 : i32
      %swap3A_996 = arith.index_cast %swap3A_995 : i32 to index
      %swap3A_997 = arith.index_cast %mul3A_994 : i32 to index
      %swap3A_998 = tpu.vector_load %arg15[%swap3A_996, %swap3A_997] {strides = array<i32>} : memref<64x512xf32, #tpu.memory_space<vmem>>, vector<16xf32>,
      tpu.vector_store %arg15[%swap3A_996, %swap3A_997], %gather3A_992 {strides = array<i32>} : memref<64x512xf32, #tpu.memory_space<vmem>>, vector<16xf32>,
      %broadcast_in_dim3A_999 = arith.constant 78 : i32
      %broadcast_in_dim3A_1000 = vector.broadcast %broadcast_in_dim3A_999 : i32 to vector<16xi32>
      %gather3A_1001 = tpu.vector_load_idx %arg12[%add3A_442, %broadcast_in_dim3A_1000] : memref<512x128xf32, #tpu.memory_space<vmem>>[vector<16xi32>, vector<16xi32>], vector<16xf32>,
      %mul3A_1002 = arith.constant 16 : i32
      %mul3A_1003 = arith.muli %scan3A_437, %mul3A_1002 : i32
      %swap3A_1004 = arith.constant 62 : i32
      %swap3A_1005 = arith.index_cast %swap3A_1004 : i32 to index
      %swap3A_1006 = arith.index_cast %mul3A_1003 : i32 to index
      %swap3A_1007 = tpu.vector_load %arg15[%swap3A_1005, %swap3A_1006] {strides = array<i32>} : memref<64x512xf32, #tpu.memory_space<vmem>>, vector<16xf32>,
      tpu.vector_store %arg15[%swap3A_1005, %swap3A_1006], %gather3A_1001 {strides = array<i32>} : memref<64x512xf32, #tpu.memory_space<vmem>>, vector<16xf32>,
      %scan3A_1008 = arith.constant 0 : i32
      scf.yield %scan3A_1008 : i32
    }
    %scan3A_412 = arith.constant 32 : i32
    %dma_start3A_413 = arith.constant 0 : i32
    %dma_start3A_414 = tpu.memref_slice %arg7[%dma_start3A_413, %mul3A_2] : memref<64x16384xf32, #tpu.memory_space<hbm>> -> memref<64x512xf32, #tpu.memory_space<hbm>>
    %dma_start3A_415 = arith.constant 0 : i32
    %dma_start3A_416 = tpu.memref_slice %arg7[%dma_start3A_415, %mul3A_2] : memref<64x16384xf32, #tpu.memory_space<hbm>> -> memref<64x512xf32, #tpu.memory_space<hbm>>
    tpu.enqueue_dma source(%arg15 : memref<64x512xf32, #tpu.memory_space<vmem>>) target(%dma_start3A_416 : memref<64x512xf32, #tpu.memory_space<hbm>>) target_semaphore(%arg19 : memref<!tpu.dma_semaphore, #tpu.memory_space<semaphore_mem>>)
    %dma_wait3A_417 = arith.constant 0 : i32
    %dma_wait3A_418 = tpu.memref_slice %arg5[%dma_wait3A_417, %mul3A_2] : memref<16x16384xf32, #tpu.memory_space<hbm>> -> memref<16x512xf32, #tpu.memory_space<hbm>>
    %dma_wait3A_419 = arith.constant 0 : i32
    %dma_wait3A_420 = tpu.memref_slice %arg5[%dma_wait3A_419, %mul3A_2] : memref<16x16384xf32, #tpu.memory_space<hbm>> -> memref<16x512xf32, #tpu.memory_space<hbm>>
    tpu.wait_dma2 semaphore(%arg19 : memref<!tpu.dma_semaphore, #tpu.memory_space<semaphore_mem>>) src(%arg13 : memref<16x512xf32, #tpu.memory_space<vmem>>) dst(%dma_wait3A_420 : memref<16x512xf32, #tpu.memory_space<hbm>>)
    %dma_wait3A_421 = arith.constant 0 : i32
    %dma_wait3A_422 = tpu.memref_slice %arg6[%dma_wait3A_421, %mul3A_2] : memref<8x16384xf32, #tpu.memory_space<hbm>> -> memref<8x512xf32, #tpu.memory_space<hbm>>
    %dma_wait3A_423 = arith.constant 0 : i32
    %dma_wait3A_424 = tpu.memref_slice %arg6[%dma_wait3A_423, %mul3A_2] : memref<8x16384xf32, #tpu.memory_space<hbm>> -> memref<8x512xf32, #tpu.memory_space<hbm>>
    tpu.wait_dma2 semaphore(%arg19 : memref<!tpu.dma_semaphore, #tpu.memory_space<semaphore_mem>>) src(%arg14 : memref<8x512xf32, #tpu.memory_space<vmem>>) dst(%dma_wait3A_424 : memref<8x512xf32, #tpu.memory_space<hbm>>)
    %dma_wait3A_425 = arith.constant 0 : i32
    %dma_wait3A_426 = tpu.memref_slice %arg8[%dma_wait3A_425, %mul3A_2] : memref<8x16384xf32, #tpu.memory_space<hbm>> -> memref<8x512xf32, #tpu.memory_space<hbm>>
    %dma_wait3A_427 = arith.constant 0 : i32
    %dma_wait3A_428 = tpu.memref_slice %arg8[%dma_wait3A_427, %mul3A_2] : memref<8x16384xf32, #tpu.memory_space<hbm>> -> memref<8x512xf32, #tpu.memory_space<hbm>>
    tpu.wait_dma2 semaphore(%arg19 : memref<!tpu.dma_semaphore, #tpu.memory_space<semaphore_mem>>) src(%arg16 : memref<8x512xf32, #tpu.memory_space<vmem>>) dst(%dma_wait3A_428 : memref<8x512xf32, #tpu.memory_space<hbm>>)
    %dma_wait3A_429 = arith.constant 0 : i32
    %dma_wait3A_430 = tpu.memref_slice %arg9[%dma_wait3A_429, %mul3A_2] : memref<16x16384xf32, #tpu.memory_space<hbm>> -> memref<16x512xf32, #tpu.memory_space<hbm>>
    %dma_wait3A_431 = arith.constant 0 : i32
    %dma_wait3A_432 = tpu.memref_slice %arg9[%dma_wait3A_431, %mul3A_2] : memref<16x16384xf32, #tpu.memory_space<hbm>> -> memref<16x512xf32, #tpu.memory_space<hbm>>
    tpu.wait_dma2 semaphore(%arg19 : memref<!tpu.dma_semaphore, #tpu.memory_space<semaphore_mem>>) src(%arg17 : memref<16x512xf32, #tpu.memory_space<vmem>>) dst(%dma_wait3A_432 : memref<16x512xf32, #tpu.memory_space<hbm>>)
    %dma_wait3A_433 = arith.constant 0 : i32
    %dma_wait3A_434 = tpu.memref_slice %arg7[%dma_wait3A_433, %mul3A_2] : memref<64x16384xf32, #tpu.memory_space<hbm>> -> memref<64x512xf32, #tpu.memory_space<hbm>>
    %dma_wait3A_435 = arith.constant 0 : i32
    %dma_wait3A_436 = tpu.memref_slice %arg7[%dma_wait3A_435, %mul3A_2] : memref<64x16384xf32, #tpu.memory_space<hbm>> -> memref<64x512xf32, #tpu.memory_space<hbm>>
    tpu.wait_dma2 semaphore(%arg19 : memref<!tpu.dma_semaphore, #tpu.memory_space<semaphore_mem>>) src(%arg15 : memref<64x512xf32, #tpu.memory_space<vmem>>) dst(%dma_wait3A_436 : memref<64x512xf32, #tpu.memory_space<hbm>>)
    return
  }
}

</mosaic_0001>

<sc_bundles>
// kernel: kernel.3.cloned.1.call-start
scs
__scs_entry_jumppad:
0x0: {  	(pc) =	sbr.rel $0x88, $3  }
0x1: {  	(tag) =	ssettag $0x0;
	lr =	simm.s32 $0x1  }
0x2: {  	[smem:$0x3F9B] =	sst lr;
	_ =	strace $0xD0000000  }
0x3: {  	_ = 	snop  }
0x4: {  	_ = 	snop  }
0x5: {  	_ = 	snop  }
0x6: {  	_ = 	snop  }
0x7: {  	_ = 	snop  }
__scs_overlays_trampoline_lowered:
0x8: {  	[smem:$0x3FAA] =	sst s0  }
0x9: {  	[smem:$0x3FAB] =	sst s1  }
0xa: {  	[smem:$0x3FAC] =	sst s2  }
0xb: {  	[smem:$0x3FAD] =	sst s3  }
0xc: {  	[smem:$0x3FAE] =	sst s4  }
0xd: {  	[smem:$0x3FAF] =	sst s5  }
0xe: {  	[smem:$0x3FB0] =	sst s6  }
0xf: {  	[smem:$0x3FB1] =	sst s7  }
0x10: {  	[smem:$0x3FB2] =	sst s8  }
0x11: {  	[smem:$0x3FB3] =	sst s9;
	s0 =	simm.s32 @!p0 $0x0  }
0x12: {  	s1 =	sld [smem:$0x3F99];
	s0 =	simm.s32 @p0 $0x1  }
0x13: {  	[smem:$0x3FB4] =	sst s0;
	s0 =	simm.s32 @!p1 $0x0  }
0x14: {  	s2 =	sld [smem:$0x3F98];
	s0 =	simm.s32 @p1 $0x1  }
0x15: {  	[smem:$0x3FB5] =	sst s0;
	s0 =	simm.s32 @!p2 $0x0  }
0x16: {  	s3 =	sld [smem:$0x3FDB];
	s0 =	simm.s32 @p2 $0x1  }
0x17: {  	s4 =	simm.s32 $0x1BF5;
	[smem:$0x3FB7] =	sst s0  }
0x18: {  	s0 =	sld [smem:$0x3F9A];
	_ =	swait.ge [sflag:s4], $0x0  }
0x19: {  	s7 =	sld [smem:$0x3F9B]  }
0x1a: {  	s8 =	sadd.s32 $0xFFFFE003, lr  }
0x1b: {  	s9 =	sadd.s32 $0xFFFFFEF7, lr;
	s5 =	simm.s32 $0xFFFFFFFF;
	p2 =	slt.u32 s8, $0xFFFFF086  }
0x1c: {  	p1 =	slt.u32 s9, $0xF7A;
	s5 =	simm.s32 @!p2 $0x0  }
0x1d: {  	s5 =	simm.s32 @p1 $0x1;
	p0 =	seq.s32 s7, s2  }
0x1e: {  	s7 =	smul.u32 @!p0 $0xF7A, s2;
	p2 =	seq.s32 @!p0 s5, $0x0  }
0x1f: {  	s9 =	smul.u32 $0xF7A, s1;
	s8 =	simm.s32 @!p0 $0x1BF5;
	p2 =	por !p2, p0  }
0x20: {  	[sflag:s8] =	ssyncset.s32 @!p0 $0xFFFFF086;
	s6 =	sadd.s32 @!p0 s3, s7;
	s7 =	simm.s32 @!p0 $0x108  }
0x21: {  	s3 =	sadd.s32 s3, s9;
	s6 =	sadd.s32 @!p0 $0x88, s6;
	s7 =	simm.s32 @p2 $0x1082  }
0x22: {  	[simem:s7], [sflag:s8] =	dma.local @!p0 [hbm:s6], $0xF7A  }
0x23: {  	s9 =	sor.u32 $0xD0000000, s2;
	s6 =	simm.s32 $0x108;
	_ =	swait.ge @!p0 [sflag:s8], $0x0  }
0x24: {  	s3 =	sadd.s32 $0x88, s3;
	s6 =	simm.s32 @!p1 $0x1082;
	[sflag:s4] =	ssyncset.s32 $0xFFFFF086  }
0x25: {  	[simem:s6], [sflag:s4] =	dma.local [hbm:s3], $0xF7A  }
0x26: {  	[smem:$0x3F9B] =	sst s1;
	(tag) =	ssettag s2;
	_ =	strace s9  }
0x27: {  	s1 =	sld [smem:$0x3FAB]  }
0x28: {  	s2 =	sld [smem:$0x3FAC]  }
0x29: {  	s4 =	sld [smem:$0x3FAE]  }
0x2a: {  	p0 =	seq.s32 s5, $0x0;
	s5 =	sld [smem:$0x3FAF]  }
0x2b: {  	s6 =	sld [smem:$0x3FB0]  }
0x2c: {  	s7 =	sld [smem:$0x3FB1]  }
0x2d: {  	s3 =	simm.s32 $0x108;
	s8 =	sld [smem:$0x3FB2]  }
0x2e: {  	s3 =	simm.s32 @!p0 $0x1082;
	s9 =	sld [smem:$0x3FB3]  }
0x2f: {  	lr =	sadd.s32 s0, s3;
	s0 =	sld [smem:$0x3FAA]  }
0x30: {  	s3 =	sld [smem:$0x3FAD]  }
0x31: {  	[smem:$0x3FB6] =	sst s10  }
0x32: {  	s10 =	sld [smem:$0x3FB4];
	_ =	sdelay $0x3  }
0x33: {  	p0 =	seq.s32 s10, $0x1;
	s10 =	sld [smem:$0x3FB6];
	_ =	sdelay $0x3  }
0x34: {  	[smem:$0x3FB6] =	sst s10  }
0x35: {  	s10 =	sld [smem:$0x3FB5];
	_ =	sdelay $0x3  }
0x36: {  	p1 =	seq.s32 s10, $0x1;
	s10 =	sld [smem:$0x3FB6];
	_ =	sdelay $0x3  }
0x37: {  	[smem:$0x3FB6] =	sst s10  }
0x38: {  	s10 =	sld [smem:$0x3FB7]  }
0x39: {  	_ = 	snop;
	(pc) =	sbr.ind lr, $3  }
0x3a: {  	_ = 	snop  }
0x3b: {  	_ = 	snop  }
0x3c: {  	p2 =	seq.s32 s10, $0x1;
	s10 =	sld [smem:$0x3FB6]  }
0x3d: {  	_ =	shalt  }
0x3e: {  	_ =	shalt  }
0x3f: {  	_ =	shalt  }
0x40: {  	_ =	shalt  }
0x41: {  	_ =	shalt  }
0x42: {  	_ =	shalt  }
0x43: {  	_ =	shalt  }
0x44: {  	_ =	shalt  }
0x45: {  	_ =	shalt  }
0x46: {  	_ =	shalt  }
0x47: {  	_ =	shalt  }
0x48: {  	_ =	shalt  }
0x49: {  	_ =	shalt  }
0x4a: {  	_ =	shalt  }
0x4b: {  	_ =	shalt  }
0x4c: {  	_ =	shalt  }
0x4d: {  	_ =	shalt  }
0x4e: {  	_ =	shalt  }
0x4f: {  	_ =	shalt  }
0x50: {  	_ =	shalt  }
0x51: {  	_ =	shalt  }
0x52: {  	_ =	shalt  }
0x53: {  	_ =	shalt  }
0x54: {  	_ =	shalt  }
0x55: {  	_ =	shalt  }
0x56: {  	_ =	shalt  }
0x57: {  	_ =	shalt  }
0x58: {  	_ =	shalt  }
0x59: {  	_ =	shalt  }
0x5a: {  	_ =	shalt  }
0x5b: {  	_ =	shalt  }
0x5c: {  	_ =	shalt  }
0x5d: {  	_ =	shalt  }
0x5e: {  	_ =	shalt  }
0x5f: {  	_ =	shalt  }
0x60: {  	_ =	shalt  }
0x61: {  	_ =	shalt  }
0x62: {  	_ =	shalt  }
0x63: {  	_ =	shalt  }
0x64: {  	_ =	shalt  }
0x65: {  	_ =	shalt  }
0x66: {  	_ =	shalt  }
0x67: {  	_ =	shalt  }
0x68: {  	_ =	shalt  }
0x69: {  	_ =	shalt  }
0x6a: {  	_ =	shalt  }
0x6b: {  	_ =	shalt  }
0x6c: {  	_ =	shalt  }
0x6d: {  	_ =	shalt  }
0x6e: {  	_ =	shalt  }
0x6f: {  	_ =	shalt  }
0x70: {  	_ =	shalt  }
0x71: {  	_ =	shalt  }
0x72: {  	_ =	shalt  }
0x73: {  	_ =	shalt  }
0x74: {  	_ =	shalt  }
0x75: {  	_ =	shalt  }
0x76: {  	_ =	shalt  }
0x77: {  	_ =	shalt  }
0x78: {  	_ =	shalt  }
0x79: {  	_ =	shalt  }
0x7a: {  	_ =	shalt  }
0x7b: {  	_ =	shalt  }
0x7c: {  	_ =	shalt  }
0x7d: {  	_ =	shalt  }
0x7e: {  	_ =	shalt  }
0x7f: {  	_ =	shalt  }
0x80: {  	_ =	shalt  }
0x81: {  	_ =	shalt  }
0x82: {  	_ =	shalt  }
0x83: {  	_ =	shalt  }
0x84: {  	_ =	shalt  }
0x85: {  	_ =	shalt  }
0x86: {  	_ =	shalt  }
0x87: {  	_ =	shalt  }
.Lfunc_end0:
.L_simem_size_0:
called_computation_lowered:
.L_overlay_start_0:
0x88: {  	s2 =	sld [smem:$0x3FD9]  }
0x89: {  	s3 =	sld [smem:$0x3FFE];
	_ =	sdelay $0x1  }
0x8a: {  	s1 =	srdreg.scid  }
0x8b: {  	s0 =	sand.u32 $0x1, s1  }
0x8c: {  	s14 =	sshll.u32 s0, $0xA;
	s2 =	sadd.s32 s3, s2  }
0x8d: {  	s2 =	sadd.s32 s2, s14  }
0x8e: {  	[smem:$0x3FC2] =	sst s2  }
0x8f: {  	_ = 	snop  }
0x90: {  	s2 =	sld [smem:$0x3FD0];
	_ =	sdelay $0x1  }
0x91: {  	s15 =	sld [smem:$0x3FC9]  }
0x92: {  	s5 =	simm.s32 $0xA;
	s6 =	simm.s32 $0x10;
	s4 =	sld [smem:$0x3FC8]  }
0x93: {  	[smem:s6], [sflag:s5] =	dma.local [hbm:s2], $0x1  }
0x94: {  	_ =	swait.eq [sflag:s5], $0x1  }
0x95: {  	[sflag:s5] =	ssyncset.done $0x0  }
0x96: {  	s16 =	sld [smem:$0x12];
	[sflag:s5] =	ssyncadd.s32 $0xFFFFFFFF  }
0x97: {  	s17 =	sld [smem:$0x14];
	(tm) =	ssettm $0x1  }
0x98: {  	s18 =	sld [smem:$0x3FFB];
	_ =	sdelay $0x3  }
0x99: {  	_ =	strace s18  }
0x9a: {  	s6 =	sld [smem:$0x3FFC];
	_ =	sdelay $0x3  }
0x9b: {  	_ =	strace s6  }
0x9c: {  	s6 =	sld [smem:$0x3FFD];
	_ =	sdelay $0x3  }
0x9d: {  	_ =	strace s6  }
0x9e: {  	_ =	strace $0x8FFFFFFF  }
0x9f: {  	s19 =	sld [smem:$0x3FDB];
	_ =	sdelay $0x1  }
0xa0: {  	s7 =	simm.s32 $_scs_section_size  }
0xa1: {  	s8 =	simm.s32 $_size__tile_overlayer_lowered;
	s9 =	simm.s32 $_tile_overlayer_lowered  }
0xa2: {  	s22 =	simm.s32 $0x1BFF;
	s21 =	sshll.u32 s9, $0x1;
	s6 =	sadd.s32 s7, s19  }
0xa3: {  	s10 =	simm.s32 $0x0;
	s20 =	sshll.u32 s8, $0x1;
	s8 =	sadd.s32 s21, s6  }
0xa4: {  	[timem:s10], [sflag:s22] =	dma.local [hbm:s8], s20  }
0xa5: {  	_ =	swait.ge [sflag:s22], s20  }
0xa6: {  	s7 =	ssub.s32 $0x0, s20;
	[sflag:s22] =	ssyncset.done $0x0  }
0xa7: {  	[sflag:s22] =	ssyncadd.s32 s7;
	_ =	sdelay $0x1  }
0xa8: {  	s23 =	simm.s32 $0x1B8B  }
0xa9: {  	_ =	swait.ge [sflag:s23], $0x1  }
0xaa: {  	[sflag:s23] =	ssyncset.done $0x0  }
0xab: {  	s25 =	simm.s32 $0x1B8E;
	s24 =	sld [smem:$0x3FFE];
	[sflag:s23] =	ssyncadd.s32 $0xFFFFFFFF  }
0xac: {  	s26 =	simm.s32 $execute0_lowered;
	[smem:$0x3FD2] =	sst s25  }
0xad: {  	s8 =	sshll.u32 s26, $0x1;
	_ =	strace $0x80000046;
	[dreg:$0x1] =	wrdreg $0xFFFFFFFF  }
0xae: {  	s28 =	simm.s32 $_size_execute0_lowered;
	s6 =	sadd.s32 s6, s8;
	[dreg:$0x0] =	wrdreg $0x0  }
0xaf: {  	s8 =	sshll.u32 s28, $0x1;
	[dreg:$0x2] =	wrdreg s6  }
0xb0: {  	[dreg:$0x3] =	wrdreg s8  }
0xb1: {  	[dreg:$0x4] =	wrdreg $0xC0  }
0xb2: {  	_ =	task [dreg:s10], $0x5FFFF  }
0xb3: {  	[dreg:$0x1] =	wrdreg $0xFFFFFFFF  }
0xb4: {  	[dreg:$0x0] =	wrdreg $0x60  }
0xb5: {  	[dreg:$0x2] =	wrdreg s15  }
0xb6: {  	[dreg:$0x3] =	wrdreg s4  }
0xb7: {  	[dreg:$0x4] =	wrdreg s24  }
0xb8: {  	[dreg:$0x5] =	wrdreg s17  }
0xb9: {  	[dreg:$0x6] =	wrdreg s16  }
0xba: {  	[dreg:$0x7] =	wrdreg $0x9  }
0xbb: {  	_ =	task.clear_ibuf [dreg:s10], $0x8FFFF;
	_ =	strace $0x90000046  }
0xbc: {  	s29 =	simm.s32 $0x9;
	_ =	strace $0x80000048  }
0xbd: {  	_ =	swait.ge [sflag:s29], $0x1  }
0xbe: {  	[sflag:s29] =	ssyncadd.s32 $0xFFFFFFFF  }
0xbf: {  	_ =	strace $0x90000048  }
0xc0: {  	_ =	sfence  }
0xc1: {  	s30 =	sld [smem:$0x0];
	_ =	sdelay $0x2  }
0xc2: {  	s31 =	sshll.u32 s1, $0xD;
	s1 =	sshrl.u32 s1, $0x2  }
0xc3: {  	s3 =	sand.u32 $0x4000, s31;
	s1 =	sadd.s32 s1, s30  }
0xc4: {  	s0 =	sor.u32 s3, s0;
	s1 =	sshll.u32 s1, $0x11  }
0xc5: {  	s0 =	sor.u32 s1, s0  }
0xc6: {  	s0 =	sadd.s32 $0x8F2B, s0  }
0xc7: {  	[sflag:s0] =	ssyncadd.remote.s32 $0x1  }
0xc8: {  	_ =	sfence.sel $0xFFFF  }
0xc9: {  	[dreg:$0x0] =	wrdreg $0xFFFFFFFF;
	(pc) =	sbr.abs _section_cstart, $3  }
0xca: {  	[dreg:$0x1] =	wrdreg $0xFFFFFFFF  }
0xcb: {  	_ =	task.clear_ibuf [dreg:s10], $0x2FFFF;
	_ =	strace $0x9FFFFFFF  }
0xcc: {  	(tm) =	ssettm $0x7FFFFFFF  }
0xcd: {  	_ =	shalt  }
tec
execute0_lowered:
.L_overlay_start_1:
0x0: {  	(tag) =	ssettag $0x1  }
0x1: {  	s0 =	rddreg [dreg:$0x0]  }
0x2: {  	s1 =	rddreg [dreg:$0x2]  }
0x3: {  	s2 =	rddreg [dreg:$0x3]  }
0x4: {  	s10 =	rddreg [dreg:$0x4]  }
0x5: {  	s3 =	simm.s32 $0x0;
	s4 =	srdreg.scid;
	s5 =	stileid.u32  }
0x6: {  	s13 =	simm.s32 $0x80;
	s14 =	simm.s32 $0x210;
	s15 =	simm.s32 $0x4210  }
0x7: {  	s16 =	simm.s32 $0x100;
	s17 =	simm.s32 $0x8210;
	s18 =	simm.s32 $0x180  }
0x8: {  	s19 =	simm.s32 $0xC210;
	s20 =	simm.s32 $0x200;
	s21 =	simm.s32 $0x4000  }
0x9: {  	s22 =	simm.s32 $0x10210;
	s23 =	simm.s32 $0x1;
	s24 =	simm.s32 $0x12210  }
0xa: {  	s25 =	simm.s32 $0x1B210;
	s26 =	simm.s32 $0x1C210;
	s28 =	simm.s32 $0x13210  }
0xb: {  	s29 =	simm.s32 $0x2;
	s30 =	simm.s32 $0x0;
	s4 =	sand.u32 $0x1, s4  }
0xc: {  	vm0 =	vmmov $0x1;
	vm1 =	vcmask $0x308;
	vm2 =	vcmask $0x70C;
	[smem:$0x7FF] =	sst s3;
	s5 =	sshll.u32 s5, $0x7;
	s6 =	sshll.u32 s4, $0x6  }
0xd: {  	vm3 =	vcmask $0xB10;
	vm4 =	vcmask $0xF14;
	vm5 =	vcmask $0x1318;
	_ =	strace $0x80000047;
	s7 =	ssub.s32 $0x2, s4;
	s11 =	sor.u32 s6, s5  }
0xe: {  	vm6 =	vcmask $0x171C;
	vm7 =	vcmask $0x1B20;
	vm8 =	vcmask $0x1F24;
	s4 =	sadd.s32 $0x61D600, s1;
	s31 =	sshrl.u32 s7, $0x1;
	s1 =	sadd.s32 s11, s1  }
0xf: {  	vm9 =	vcmask $0x2328;
	vm10 =	vcmask $0x272C;
	vm11 =	vcmask $0x2B30;
	s12 =	ssub.s32 s7, s31;
	s5 =	sadd.s32 s0, s11;
	s6 =	sadd.s32 s2, s11  }
0x10: {  	vm12 =	vcmask $0x2F34;
	vm13 =	vcmask $0x3338;
	v0 =	vlaneseq.u32;
	s10 =	sadd.s32 s10, s11;
	s7 =	sadd.s32 $0x2E00, s1;
	s8 =	sadd.s32 $0x6E00, s1  }
0x11: {  	vm14 =	vcmask $0x373C;
	vm15 =	vmmov $0x7fff;
	v0 =	vmul.u32 $0x80, v0;
	s9 =	sadd.s32 $0xAE00, s1;
	s11 =	smax.u32 s12, $0x1;
	s12 =	simm.s32 $0x3  }
.LBB2_1:
0x12: {  	[tilespmem:s3], [sflag:$0x3] =	stream.linear.gather [hbm4b:s5+s3], $0x200, $0x38;
	[tilespmem:$0x1E210] =	vst v63  }
0x13: {  	_ =	swait.ge [sflag:s12], $0x200  }
0x14: {  	[sflag:s12] =	ssyncset.done $0x0  }
0x15: {  	[sflag:s12] =	ssyncadd.s32 $0xFFFFFE00  }
0x16: {  	[tilespmem:s14], [sflag:$0x1] =	stream.indirect.gather [hbm4b:s4+s13], $0x80, s3, s13, $0xb8;
	[tilespmem:$0x1E210] =	vst v63  }
0x17: {  	_ = 	snop  }
0x18: {  	[tilespmem:s15], [sflag:$0x1] =	stream.indirect.gather [hbm4b:s4+s13], $0x80, s13, s13, $0xb8;
	[tilespmem:$0x1E210] =	vst v63  }
0x19: {  	_ = 	snop  }
0x1a: {  	[tilespmem:s17], [sflag:$0x1] =	stream.indirect.gather [hbm4b:s4+s13], $0x80, s16, s13, $0xb8;
	[tilespmem:$0x1E210] =	vst v63  }
0x1b: {  	_ = 	snop  }
0x1c: {  	[tilespmem:s19], [sflag:$0x1] =	stream.indirect.gather [hbm4b:s4+s13], $0x80, s18, s13, $0xb8;
	[tilespmem:$0x1E210] =	vst v63  }
0x1d: {  	s0 =	rddreg [dreg:$0x1]  }
0x1e: {  	[tilespmem:s20], [sflag:$0x3] =	stream.linear.gather [hbm4b:s0+s3], $0x10, $0x38;
	[tilespmem:$0x1E210] =	vst v63  }
0x1f: {  	_ =	swait.ge [sflag:s12], $0x10  }
0x20: {  	[sflag:s12] =	ssyncset.done $0x0  }
0x21: {  	[sflag:s12] =	ssyncadd.s32 $0xFFFFFFF0  }
0x22: {  	v1 =	vld [tilespmem:$0x200];
	_ =	sdelay $0x4  }
0x23: {  	v2 =	vnsel vm0, $0x0, v1  }
0x24: {  	(xrf2) =	vadd.scan.msk.f32 $0xffff, v2;
	_ =	sdelay $0x9  }
0x25: {  	v2, _, _ =	vpop (xrf2)  }
0x26: {  	v2 =	vbroadcast v2, $0xF;
	_ =	sdelay $0x1  }
0x27: {  	[tilespmem:$0x10210] =	vst v2  }
0x28: {  	[tilespmem:$0x10220] =	vst v2  }
0x29: {  	[tilespmem:$0x10230] =	vst v2  }
0x2a: {  	[tilespmem:$0x10240] =	vst v2  }
0x2b: {  	[tilespmem:$0x10250] =	vst v2  }
0x2c: {  	[tilespmem:$0x10260] =	vst v2  }
0x2d: {  	[tilespmem:$0x10270] =	vst v2  }
0x2e: {  	[tilespmem:$0x10280] =	vst v2  }
0x2f: {  	[tilespmem:$0x10290] =	vst v2  }
0x30: {  	[tilespmem:$0x102A0] =	vst v2  }
0x31: {  	[tilespmem:$0x102B0] =	vst v2  }
0x32: {  	[tilespmem:$0x102C0] =	vst v2  }
0x33: {  	[tilespmem:$0x102D0] =	vst v2  }
0x34: {  	[tilespmem:$0x102E0] =	vst v2  }
0x35: {  	[tilespmem:$0x102F0] =	vst v2  }
0x36: {  	[tilespmem:$0x10300] =	vst v2  }
0x37: {  	[tilespmem:$0x10310] =	vst v2  }
0x38: {  	[tilespmem:$0x10320] =	vst v2  }
0x39: {  	v3 =	vsel vm1, $0x0, v1;
	[tilespmem:$0x10330] =	vst v2  }
0x3a: {  	(xrf2) =	vadd.scan.msk.f32 $0xffff, v3;
	[tilespmem:$0x10340] =	vst v2  }
0x3b: {  	[tilespmem:$0x10350] =	vst v2  }
0x3c: {  	[tilespmem:$0x10360] =	vst v2  }
0x3d: {  	[tilespmem:$0x10370] =	vst v2  }
0x3e: {  	[tilespmem:$0x10380] =	vst v2  }
0x3f: {  	[tilespmem:$0x10390] =	vst v2  }
0x40: {  	[tilespmem:$0x103A0] =	vst v2  }
0x41: {  	[tilespmem:$0x103B0] =	vst v2  }
0x42: {  	[tilespmem:$0x103C0] =	vst v2  }
0x43: {  	[tilespmem:$0x103D0] =	vst v2  }
0x44: {  	v3, _, _ =	vpop (xrf2);
	[tilespmem:$0x103E0] =	vst v2  }
0x45: {  	v3 =	vbroadcast v3, $0xF;
	[tilespmem:$0x103F0] =	vst v2  }
0x46: {  	[tilespmem:$0x10400] =	vst v2  }
0x47: {  	[tilespmem:$0x10410] =	vst v3  }
0x48: {  	[tilespmem:$0x10420] =	vst v3  }
0x49: {  	[tilespmem:$0x10430] =	vst v3  }
0x4a: {  	[tilespmem:$0x10440] =	vst v3  }
0x4b: {  	[tilespmem:$0x10450] =	vst v3  }
0x4c: {  	[tilespmem:$0x10460] =	vst v3  }
0x4d: {  	[tilespmem:$0x10470] =	vst v3  }
0x4e: {  	[tilespmem:$0x10480] =	vst v3  }
0x4f: {  	[tilespmem:$0x10490] =	vst v3  }
0x50: {  	[tilespmem:$0x104A0] =	vst v3  }
0x51: {  	[tilespmem:$0x104B0] =	vst v3  }
0x52: {  	[tilespmem:$0x104C0] =	vst v3  }
0x53: {  	[tilespmem:$0x104D0] =	vst v3  }
0x54: {  	[tilespmem:$0x104E0] =	vst v3  }
0x55: {  	[tilespmem:$0x104F0] =	vst v3  }
0x56: {  	[tilespmem:$0x10500] =	vst v3  }
0x57: {  	[tilespmem:$0x10510] =	vst v3  }
0x58: {  	[tilespmem:$0x10520] =	vst v3  }
0x59: {  	[tilespmem:$0x10530] =	vst v3  }
0x5a: {  	[tilespmem:$0x10540] =	vst v3  }
0x5b: {  	[tilespmem:$0x10550] =	vst v3  }
0x5c: {  	[tilespmem:$0x10560] =	vst v3  }
0x5d: {  	v2 =	vsel vm2, $0x0, v1;
	[tilespmem:$0x10570] =	vst v3  }
0x5e: {  	(xrf2) =	vadd.scan.msk.f32 $0xffff, v2;
	_ =	sdelay $0x3  }
0x5f: {  	[tilespmem:$0x10580] =	vst v3  }
0x60: {  	[tilespmem:$0x10590] =	vst v3  }
0x61: {  	[tilespmem:$0x105A0] =	vst v3  }
0x62: {  	[tilespmem:$0x105B0] =	vst v3  }
0x63: {  	[tilespmem:$0x105C0] =	vst v3  }
0x64: {  	[tilespmem:$0x105D0] =	vst v3  }
0x65: {  	[tilespmem:$0x105E0] =	vst v3;
	v2, _, _ =	vpop (xrf2)  }
0x66: {  	[tilespmem:$0x105F0] =	vst v3;
	v2 =	vbroadcast v2, $0xF  }
0x67: {  	[tilespmem:$0x10600] =	vst v3  }
0x68: {  	[tilespmem:$0x10610] =	vst v2  }
0x69: {  	[tilespmem:$0x10620] =	vst v2  }
0x6a: {  	[tilespmem:$0x10630] =	vst v2  }
0x6b: {  	[tilespmem:$0x10640] =	vst v2  }
0x6c: {  	[tilespmem:$0x10650] =	vst v2  }
0x6d: {  	[tilespmem:$0x10660] =	vst v2  }
0x6e: {  	[tilespmem:$0x10670] =	vst v2  }
0x6f: {  	[tilespmem:$0x10680] =	vst v2  }
0x70: {  	[tilespmem:$0x10690] =	vst v2  }
0x71: {  	[tilespmem:$0x106A0] =	vst v2  }
0x72: {  	[tilespmem:$0x106B0] =	vst v2  }
0x73: {  	[tilespmem:$0x106C0] =	vst v2  }
0x74: {  	[tilespmem:$0x106D0] =	vst v2  }
0x75: {  	[tilespmem:$0x106E0] =	vst v2  }
0x76: {  	[tilespmem:$0x106F0] =	vst v2  }
0x77: {  	[tilespmem:$0x10700] =	vst v2  }
0x78: {  	[tilespmem:$0x10710] =	vst v2  }
0x79: {  	[tilespmem:$0x10720] =	vst v2  }
0x7a: {  	v3 =	vsel vm3, $0x0, v1;
	[tilespmem:$0x10730] =	vst v2  }
0x7b: {  	(xrf2) =	vadd.scan.msk.f32 $0xffff, v3;
	[tilespmem:$0x10740] =	vst v2  }
0x7c: {  	[tilespmem:$0x10750] =	vst v2  }
0x7d: {  	[tilespmem:$0x10760] =	vst v2  }
0x7e: {  	[tilespmem:$0x10770] =	vst v2  }
0x7f: {  	[tilespmem:$0x10780] =	vst v2  }
0x80: {  	[tilespmem:$0x10790] =	vst v2  }
0x81: {  	[tilespmem:$0x107A0] =	vst v2  }
0x82: {  	[tilespmem:$0x107B0] =	vst v2  }
0x83: {  	[tilespmem:$0x107C0] =	vst v2  }
0x84: {  	[tilespmem:$0x107D0] =	vst v2  }
0x85: {  	v3, _, _ =	vpop (xrf2);
	[tilespmem:$0x107E0] =	vst v2  }
0x86: {  	v3 =	vbroadcast v3, $0xF;
	[tilespmem:$0x107F0] =	vst v2  }
0x87: {  	[tilespmem:$0x10800] =	vst v2  }
0x88: {  	[tilespmem:$0x10810] =	vst v3  }
0x89: {  	[tilespmem:$0x10820] =	vst v3  }
0x8a: {  	[tilespmem:$0x10830] =	vst v3  }
0x8b: {  	[tilespmem:$0x10840] =	vst v3  }
0x8c: {  	[tilespmem:$0x10850] =	vst v3  }
0x8d: {  	[tilespmem:$0x10860] =	vst v3  }
0x8e: {  	[tilespmem:$0x10870] =	vst v3  }
0x8f: {  	[tilespmem:$0x10880] =	vst v3  }
0x90: {  	[tilespmem:$0x10890] =	vst v3  }
0x91: {  	[tilespmem:$0x108A0] =	vst v3  }
0x92: {  	[tilespmem:$0x108B0] =	vst v3  }
0x93: {  	[tilespmem:$0x108C0] =	vst v3  }
0x94: {  	[tilespmem:$0x108D0] =	vst v3  }
0x95: {  	[tilespmem:$0x108E0] =	vst v3  }
0x96: {  	[tilespmem:$0x108F0] =	vst v3  }
0x97: {  	[tilespmem:$0x10900] =	vst v3  }
0x98: {  	[tilespmem:$0x10910] =	vst v3  }
0x99: {  	[tilespmem:$0x10920] =	vst v3  }
0x9a: {  	v2 =	vsel vm4, $0x0, v1;
	[tilespmem:$0x10930] =	vst v3  }
0x9b: {  	[tilespmem:$0x10940] =	vst v3;
	(xrf2) =	vadd.scan.msk.f32 $0xffff, v2  }
0x9c: {  	[tilespmem:$0x10950] =	vst v3  }
0x9d: {  	[tilespmem:$0x10960] =	vst v3  }
0x9e: {  	[tilespmem:$0x10970] =	vst v3  }
0x9f: {  	[tilespmem:$0x10980] =	vst v3  }
0xa0: {  	[tilespmem:$0x10990] =	vst v3  }
0xa1: {  	[tilespmem:$0x109A0] =	vst v3  }
0xa2: {  	[tilespmem:$0x109B0] =	vst v3  }
0xa3: {  	[tilespmem:$0x109C0] =	vst v3  }
0xa4: {  	[tilespmem:$0x109D0] =	vst v3  }
0xa5: {  	[tilespmem:$0x109E0] =	vst v3;
	v2, _, _ =	vpop (xrf2)  }
0xa6: {  	[tilespmem:$0x109F0] =	vst v3;
	v2 =	vbroadcast v2, $0xF  }
0xa7: {  	[tilespmem:$0x10A00] =	vst v3  }
0xa8: {  	[tilespmem:$0x10A10] =	vst v2  }
0xa9: {  	[tilespmem:$0x10A20] =	vst v2  }
0xaa: {  	[tilespmem:$0x10A30] =	vst v2  }
0xab: {  	[tilespmem:$0x10A40] =	vst v2  }
0xac: {  	[tilespmem:$0x10A50] =	vst v2  }
0xad: {  	[tilespmem:$0x10A60] =	vst v2  }
0xae: {  	[tilespmem:$0x10A70] =	vst v2  }
0xaf: {  	[tilespmem:$0x10A80] =	vst v2  }
0xb0: {  	[tilespmem:$0x10A90] =	vst v2  }
0xb1: {  	[tilespmem:$0x10AA0] =	vst v2  }
0xb2: {  	[tilespmem:$0x10AB0] =	vst v2  }
0xb3: {  	[tilespmem:$0x10AC0] =	vst v2  }
0xb4: {  	[tilespmem:$0x10AD0] =	vst v2  }
0xb5: {  	[tilespmem:$0x10AE0] =	vst v2  }
0xb6: {  	[tilespmem:$0x10AF0] =	vst v2  }
0xb7: {  	[tilespmem:$0x10B00] =	vst v2  }
0xb8: {  	[tilespmem:$0x10B10] =	vst v2  }
0xb9: {  	[tilespmem:$0x10B20] =	vst v2  }
0xba: {  	v3 =	vsel vm5, $0x0, v1;
	[tilespmem:$0x10B30] =	vst v2  }
0xbb: {  	(xrf2) =	vadd.scan.msk.f32 $0xffff, v3;
	[tilespmem:$0x10B40] =	vst v2  }
0xbc: {  	[tilespmem:$0x10B50] =	vst v2  }
0xbd: {  	[tilespmem:$0x10B60] =	vst v2  }
0xbe: {  	[tilespmem:$0x10B70] =	vst v2  }
0xbf: {  	[tilespmem:$0x10B80] =	vst v2  }
0xc0: {  	[tilespmem:$0x10B90] =	vst v2  }
0xc1: {  	[tilespmem:$0x10BA0] =	vst v2  }
0xc2: {  	[tilespmem:$0x10BB0] =	vst v2  }
0xc3: {  	[tilespmem:$0x10BC0] =	vst v2  }
0xc4: {  	[tilespmem:$0x10BD0] =	vst v2  }
0xc5: {  	v3, _, _ =	vpop (xrf2);
	[tilespmem:$0x10BE0] =	vst v2  }
0xc6: {  	v3 =	vbroadcast v3, $0xF;
	[tilespmem:$0x10BF0] =	vst v2  }
0xc7: {  	[tilespmem:$0x10C00] =	vst v2  }
0xc8: {  	[tilespmem:$0x10C10] =	vst v3  }
0xc9: {  	[tilespmem:$0x10C20] =	vst v3  }
0xca: {  	[tilespmem:$0x10C30] =	vst v3  }
0xcb: {  	[tilespmem:$0x10C40] =	vst v3  }
0xcc: {  	[tilespmem:$0x10C50] =	vst v3  }
0xcd: {  	[tilespmem:$0x10C60] =	vst v3  }
0xce: {  	[tilespmem:$0x10C70] =	vst v3  }
0xcf: {  	[tilespmem:$0x10C80] =	vst v3  }
0xd0: {  	[tilespmem:$0x10C90] =	vst v3  }
0xd1: {  	[tilespmem:$0x10CA0] =	vst v3  }
0xd2: {  	[tilespmem:$0x10CB0] =	vst v3  }
0xd3: {  	[tilespmem:$0x10CC0] =	vst v3  }
0xd4: {  	[tilespmem:$0x10CD0] =	vst v3  }
0xd5: {  	[tilespmem:$0x10CE0] =	vst v3  }
0xd6: {  	[tilespmem:$0x10CF0] =	vst v3  }
0xd7: {  	[tilespmem:$0x10D00] =	vst v3  }
0xd8: {  	[tilespmem:$0x10D10] =	vst v3  }
0xd9: {  	[tilespmem:$0x10D20] =	vst v3  }
0xda: {  	v2 =	vsel vm6, $0x0, v1;
	[tilespmem:$0x10D30] =	vst v3  }
0xdb: {  	[tilespmem:$0x10D40] =	vst v3;
	(xrf2) =	vadd.scan.msk.f32 $0xffff, v2  }
0xdc: {  	[tilespmem:$0x10D50] =	vst v3  }
0xdd: {  	[tilespmem:$0x10D60] =	vst v3  }
0xde: {  	[tilespmem:$0x10D70] =	vst v3  }
0xdf: {  	[tilespmem:$0x10D80] =	vst v3  }
0xe0: {  	[tilespmem:$0x10D90] =	vst v3  }
0xe1: {  	[tilespmem:$0x10DA0] =	vst v3  }
0xe2: {  	[tilespmem:$0x10DB0] =	vst v3  }
0xe3: {  	[tilespmem:$0x10DC0] =	vst v3  }
0xe4: {  	[tilespmem:$0x10DD0] =	vst v3  }
0xe5: {  	[tilespmem:$0x10DE0] =	vst v3;
	v2, _, _ =	vpop (xrf2)  }
0xe6: {  	[tilespmem:$0x10DF0] =	vst v3;
	v2 =	vbroadcast v2, $0xF  }
0xe7: {  	[tilespmem:$0x10E00] =	vst v3  }
0xe8: {  	[tilespmem:$0x10E10] =	vst v2  }
0xe9: {  	[tilespmem:$0x10E20] =	vst v2  }
0xea: {  	[tilespmem:$0x10E30] =	vst v2  }
0xeb: {  	[tilespmem:$0x10E40] =	vst v2  }
0xec: {  	[tilespmem:$0x10E50] =	vst v2  }
0xed: {  	[tilespmem:$0x10E60] =	vst v2  }
0xee: {  	[tilespmem:$0x10E70] =	vst v2  }
0xef: {  	[tilespmem:$0x10E80] =	vst v2  }
0xf0: {  	[tilespmem:$0x10E90] =	vst v2  }
0xf1: {  	[tilespmem:$0x10EA0] =	vst v2  }
0xf2: {  	[tilespmem:$0x10EB0] =	vst v2  }
0xf3: {  	[tilespmem:$0x10EC0] =	vst v2  }
0xf4: {  	[tilespmem:$0x10ED0] =	vst v2  }
0xf5: {  	[tilespmem:$0x10EE0] =	vst v2  }
0xf6: {  	[tilespmem:$0x10EF0] =	vst v2  }
0xf7: {  	[tilespmem:$0x10F00] =	vst v2  }
0xf8: {  	[tilespmem:$0x10F10] =	vst v2  }
0xf9: {  	[tilespmem:$0x10F20] =	vst v2  }
0xfa: {  	v3 =	vsel vm7, $0x0, v1;
	[tilespmem:$0x10F30] =	vst v2  }
0xfb: {  	(xrf2) =	vadd.scan.msk.f32 $0xffff, v3;
	[tilespmem:$0x10F40] =	vst v2  }
0xfc: {  	[tilespmem:$0x10F50] =	vst v2  }
0xfd: {  	[tilespmem:$0x10F60] =	vst v2  }
0xfe: {  	[tilespmem:$0x10F70] =	vst v2  }
0xff: {  	[tilespmem:$0x10F80] =	vst v2  }
0x100: {  	[tilespmem:$0x10F90] =	vst v2  }
0x101: {  	[tilespmem:$0x10FA0] =	vst v2  }
0x102: {  	[tilespmem:$0x10FB0] =	vst v2  }
0x103: {  	[tilespmem:$0x10FC0] =	vst v2  }
0x104: {  	[tilespmem:$0x10FD0] =	vst v2  }
0x105: {  	v3, _, _ =	vpop (xrf2);
	[tilespmem:$0x10FE0] =	vst v2  }
0x106: {  	v3 =	vbroadcast v3, $0xF;
	[tilespmem:$0x10FF0] =	vst v2  }
0x107: {  	[tilespmem:$0x11000] =	vst v2  }
0x108: {  	[tilespmem:$0x11010] =	vst v3  }
0x109: {  	[tilespmem:$0x11020] =	vst v3  }
0x10a: {  	[tilespmem:$0x11030] =	vst v3  }
0x10b: {  	[tilespmem:$0x11040] =	vst v3  }
0x10c: {  	[tilespmem:$0x11050] =	vst v3  }
0x10d: {  	[tilespmem:$0x11060] =	vst v3  }
0x10e: {  	[tilespmem:$0x11070] =	vst v3  }
0x10f: {  	[tilespmem:$0x11080] =	vst v3  }
0x110: {  	[tilespmem:$0x11090] =	vst v3  }
0x111: {  	[tilespmem:$0x110A0] =	vst v3  }
0x112: {  	[tilespmem:$0x110B0] =	vst v3  }
0x113: {  	[tilespmem:$0x110C0] =	vst v3  }
0x114: {  	[tilespmem:$0x110D0] =	vst v3  }
0x115: {  	[tilespmem:$0x110E0] =	vst v3  }
0x116: {  	[tilespmem:$0x110F0] =	vst v3  }
0x117: {  	[tilespmem:$0x11100] =	vst v3  }
0x118: {  	[tilespmem:$0x11110] =	vst v3  }
0x119: {  	[tilespmem:$0x11120] =	vst v3  }
0x11a: {  	v2 =	vsel vm8, $0x0, v1;
	[tilespmem:$0x11130] =	vst v3  }
0x11b: {  	[tilespmem:$0x11140] =	vst v3;
	(xrf2) =	vadd.scan.msk.f32 $0xffff, v2  }
0x11c: {  	[tilespmem:$0x11150] =	vst v3  }
0x11d: {  	[tilespmem:$0x11160] =	vst v3  }
0x11e: {  	[tilespmem:$0x11170] =	vst v3  }
0x11f: {  	[tilespmem:$0x11180] =	vst v3  }
0x120: {  	[tilespmem:$0x11190] =	vst v3  }
0x121: {  	[tilespmem:$0x111A0] =	vst v3  }
0x122: {  	[tilespmem:$0x111B0] =	vst v3  }
0x123: {  	[tilespmem:$0x111C0] =	vst v3  }
0x124: {  	[tilespmem:$0x111D0] =	vst v3  }
0x125: {  	[tilespmem:$0x111E0] =	vst v3;
	v2, _, _ =	vpop (xrf2)  }
0x126: {  	[tilespmem:$0x111F0] =	vst v3;
	v5 =	vbroadcast v2, $0xF  }
0x127: {  	[tilespmem:$0x11200] =	vst v3  }
0x128: {  	[tilespmem:$0x11210] =	vst v5  }
0x129: {  	[tilespmem:$0x11220] =	vst v5  }
0x12a: {  	[tilespmem:$0x11230] =	vst v5  }
0x12b: {  	[tilespmem:$0x11240] =	vst v5  }
0x12c: {  	[tilespmem:$0x11250] =	vst v5  }
0x12d: {  	[tilespmem:$0x11260] =	vst v5  }
0x12e: {  	[tilespmem:$0x11270] =	vst v5  }
0x12f: {  	[tilespmem:$0x11280] =	vst v5  }
0x130: {  	[tilespmem:$0x11290] =	vst v5  }
0x131: {  	[tilespmem:$0x112A0] =	vst v5  }
0x132: {  	[tilespmem:$0x112B0] =	vst v5  }
0x133: {  	[tilespmem:$0x112C0] =	vst v5  }
0x134: {  	[tilespmem:$0x112D0] =	vst v5  }
0x135: {  	[tilespmem:$0x112E0] =	vst v5  }
0x136: {  	[tilespmem:$0x112F0] =	vst v5  }
0x137: {  	[tilespmem:$0x11300] =	vst v5  }
0x138: {  	[tilespmem:$0x11310] =	vst v5  }
0x139: {  	[tilespmem:$0x11320] =	vst v5  }
0x13a: {  	v2 =	vsel vm9, $0x0, v1;
	[tilespmem:$0x11330] =	vst v5  }
0x13b: {  	(xrf2) =	vadd.scan.msk.f32 $0xffff, v2;
	[tilespmem:$0x11340] =	vst v5  }
0x13c: {  	[tilespmem:$0x11350] =	vst v5  }
0x13d: {  	[tilespmem:$0x11360] =	vst v5  }
0x13e: {  	[tilespmem:$0x11370] =	vst v5  }
0x13f: {  	[tilespmem:$0x11380] =	vst v5  }
0x140: {  	[tilespmem:$0x11390] =	vst v5  }
0x141: {  	[tilespmem:$0x113A0] =	vst v5  }
0x142: {  	[tilespmem:$0x113B0] =	vst v5  }
0x143: {  	[tilespmem:$0x113C0] =	vst v5  }
0x144: {  	[tilespmem:$0x113D0] =	vst v5  }
0x145: {  	[tilespmem:$0x113E0] =	vst v5;
	v3, _, _ =	vpop (xrf2)  }
0x146: {  	[tilespmem:$0x113F0] =	vst v5;
	v3 =	vbroadcast v3, $0xF  }
0x147: {  	[tilespmem:$0x11400] =	vst v5  }
0x148: {  	[tilespmem:$0x11410] =	vst v3  }
0x149: {  	[tilespmem:$0x11420] =	vst v3  }
0x14a: {  	[tilespmem:$0x11430] =	vst v3  }
0x14b: {  	[tilespmem:$0x11440] =	vst v3  }
0x14c: {  	[tilespmem:$0x11450] =	vst v3  }
0x14d: {  	[tilespmem:$0x11460] =	vst v3  }
0x14e: {  	[tilespmem:$0x11470] =	vst v3  }
0x14f: {  	[tilespmem:$0x11480] =	vst v3  }
0x150: {  	[tilespmem:$0x11490] =	vst v3  }
0x151: {  	[tilespmem:$0x114A0] =	vst v3  }
0x152: {  	[tilespmem:$0x114B0] =	vst v3  }
0x153: {  	[tilespmem:$0x114C0] =	vst v3  }
0x154: {  	[tilespmem:$0x114D0] =	vst v3  }
0x155: {  	[tilespmem:$0x114E0] =	vst v3  }
0x156: {  	[tilespmem:$0x114F0] =	vst v3  }
0x157: {  	[tilespmem:$0x11500] =	vst v3  }
0x158: {  	[tilespmem:$0x11510] =	vst v3  }
0x159: {  	[tilespmem:$0x11520] =	vst v3  }
0x15a: {  	v2 =	vsel vm10, $0x0, v1;
	[tilespmem:$0x11530] =	vst v3  }
0x15b: {  	(xrf2) =	vadd.scan.msk.f32 $0xffff, v2;
	[tilespmem:$0x11540] =	vst v3  }
0x15c: {  	[tilespmem:$0x11550] =	vst v3  }
0x15d: {  	[tilespmem:$0x11560] =	vst v3  }
0x15e: {  	[tilespmem:$0x11600] =	vst v3  }
0x15f: {  	v2 =	vsel vm11, $0x0, v1;
	[tilespmem:$0x115F0] =	vst v3  }
0x160: {  	(xrf2) =	vadd.scan.msk.f32 $0xffff, v2;
	v2 =	vsel vm12, $0x0, v1;
	[tilespmem:$0x115E0] =	vst v3  }
0x161: {  	(xrf2) =	vadd.scan.msk.f32 $0xffff, v2;
	v2 =	vsel vm13, $0x0, v1;
	[tilespmem:$0x115D0] =	vst v3  }
0x162: {  	(xrf2) =	vadd.scan.msk.f32 $0xffff, v2;
	v2 =	vsel vm14, $0x0, v1;
	[tilespmem:$0x115C0] =	vst v3  }
0x163: {  	[tilespmem:$0x115B0] =	vst v3  }
0x164: {  	[tilespmem:$0x115A0] =	vst v3  }
0x165: {  	(xrf2) =	vadd.scan.msk.f32 $0xffff, v2;
	v2, _, _ =	vpop (xrf2);
	[tilespmem:$0x11590] =	vst v3  }
0x166: {  	v2 =	vbroadcast v2, $0xF;
	[tilespmem:$0x11580] =	vst v3  }
0x167: {  	[tilespmem:$0x11570] =	vst v3  }
0x168: {  	[tilespmem:$0x11800] =	vst v2  }
0x169: {  	[tilespmem:$0x117F0] =	vst v2  }
0x16a: {  	[tilespmem:$0x117E0] =	vst v2  }
0x16b: {  	[tilespmem:$0x117D0] =	vst v2  }
0x16c: {  	[tilespmem:$0x117C0] =	vst v2  }
0x16d: {  	[tilespmem:$0x117B0] =	vst v2  }
0x16e: {  	[tilespmem:$0x117A0] =	vst v2  }
0x16f: {  	[tilespmem:$0x11790] =	vst v2  }
0x170: {  	[tilespmem:$0x11780] =	vst v2  }
0x171: {  	[tilespmem:$0x11770] =	vst v2  }
0x172: {  	[tilespmem:$0x11760] =	vst v2  }
0x173: {  	[tilespmem:$0x11750] =	vst v2  }
0x174: {  	[tilespmem:$0x11740] =	vst v2  }
0x175: {  	[tilespmem:$0x11730] =	vst v2  }
0x176: {  	[tilespmem:$0x11720] =	vst v2  }
0x177: {  	[tilespmem:$0x11710] =	vst v2  }
0x178: {  	[tilespmem:$0x11700] =	vst v2  }
0x179: {  	[tilespmem:$0x116F0] =	vst v2  }
0x17a: {  	[tilespmem:$0x116E0] =	vst v2  }
0x17b: {  	[tilespmem:$0x116D0] =	vst v2  }
0x17c: {  	[tilespmem:$0x116C0] =	vst v2  }
0x17d: {  	[tilespmem:$0x116B0] =	vst v2  }
0x17e: {  	[tilespmem:$0x116A0] =	vst v2  }
0x17f: {  	[tilespmem:$0x11690] =	vst v2  }
0x180: {  	[tilespmem:$0x11680] =	vst v2  }
0x181: {  	[tilespmem:$0x11670] =	vst v2  }
0x182: {  	[tilespmem:$0x11660] =	vst v2  }
0x183: {  	[tilespmem:$0x11650] =	vst v2  }
0x184: {  	[tilespmem:$0x11640] =	vst v2  }
0x185: {  	v4, _, _ =	vpop (xrf2);
	[tilespmem:$0x11630] =	vst v2  }
0x186: {  	v4 =	vbroadcast v4, $0xF;
	[tilespmem:$0x11620] =	vst v2  }
0x187: {  	[tilespmem:$0x11610] =	vst v2  }
0x188: {  	[tilespmem:$0x11810] =	vst v4  }
0x189: {  	[tilespmem:$0x11820] =	vst v4  }
0x18a: {  	[tilespmem:$0x11830] =	vst v4  }
0x18b: {  	[tilespmem:$0x11840] =	vst v4  }
0x18c: {  	[tilespmem:$0x11850] =	vst v4  }
0x18d: {  	[tilespmem:$0x11860] =	vst v4  }
0x18e: {  	[tilespmem:$0x11870] =	vst v4  }
0x18f: {  	[tilespmem:$0x11880] =	vst v4  }
0x190: {  	[tilespmem:$0x11890] =	vst v4  }
0x191: {  	[tilespmem:$0x118A0] =	vst v4  }
0x192: {  	[tilespmem:$0x118B0] =	vst v4  }
0x193: {  	[tilespmem:$0x118C0] =	vst v4  }
0x194: {  	[tilespmem:$0x118D0] =	vst v4  }
0x195: {  	[tilespmem:$0x118E0] =	vst v4  }
0x196: {  	[tilespmem:$0x118F0] =	vst v4  }
0x197: {  	[tilespmem:$0x11900] =	vst v4  }
0x198: {  	[tilespmem:$0x11910] =	vst v4  }
0x199: {  	[tilespmem:$0x11920] =	vst v4  }
0x19a: {  	[tilespmem:$0x11930] =	vst v4  }
0x19b: {  	[tilespmem:$0x11940] =	vst v4  }
0x19c: {  	[tilespmem:$0x11950] =	vst v4  }
0x19d: {  	[tilespmem:$0x11980] =	vst v4  }
0x19e: {  	[tilespmem:$0x11A00] =	vst v4  }
0x19f: {  	[tilespmem:$0x119F0] =	vst v4  }
0x1a0: {  	[tilespmem:$0x119E0] =	vst v4  }
0x1a1: {  	[tilespmem:$0x119D0] =	vst v4  }
0x1a2: {  	[tilespmem:$0x119C0] =	vst v4  }
0x1a3: {  	[tilespmem:$0x119B0] =	vst v4  }
0x1a4: {  	[tilespmem:$0x119A0] =	vst v4  }
0x1a5: {  	v6, _, _ =	vpop (xrf2);
	[tilespmem:$0x11990] =	vst v4  }
0x1a6: {  	v6 =	vbroadcast v6, $0xF;
	[tilespmem:$0x11960] =	vst v4  }
0x1a7: {  	[tilespmem:$0x11970] =	vst v4  }
0x1a8: {  	[tilespmem:$0x11A10] =	vst v6  }
0x1a9: {  	[tilespmem:$0x11A20] =	vst v6  }
0x1aa: {  	[tilespmem:$0x11A30] =	vst v6  }
0x1ab: {  	[tilespmem:$0x11A40] =	vst v6  }
0x1ac: {  	[tilespmem:$0x11A50] =	vst v6  }
0x1ad: {  	[tilespmem:$0x11A60] =	vst v6  }
0x1ae: {  	[tilespmem:$0x11A70] =	vst v6  }
0x1af: {  	[tilespmem:$0x11A80] =	vst v6  }
0x1b0: {  	[tilespmem:$0x11A90] =	vst v6  }
0x1b1: {  	[tilespmem:$0x11AA0] =	vst v6  }
0x1b2: {  	[tilespmem:$0x11AB0] =	vst v6  }
0x1b3: {  	[tilespmem:$0x11AC0] =	vst v6  }
0x1b4: {  	[tilespmem:$0x11AD0] =	vst v6  }
0x1b5: {  	[tilespmem:$0x11AE0] =	vst v6  }
0x1b6: {  	[tilespmem:$0x11AF0] =	vst v6  }
0x1b7: {  	[tilespmem:$0x11B00] =	vst v6  }
0x1b8: {  	[tilespmem:$0x11B10] =	vst v6  }
0x1b9: {  	[tilespmem:$0x11B20] =	vst v6  }
0x1ba: {  	[tilespmem:$0x11B30] =	vst v6  }
0x1bb: {  	[tilespmem:$0x11B40] =	vst v6  }
0x1bc: {  	[tilespmem:$0x11B50] =	vst v6  }
0x1bd: {  	[tilespmem:$0x11B80] =	vst v6  }
0x1be: {  	[tilespmem:$0x11C00] =	vst v6  }
0x1bf: {  	[tilespmem:$0x11BF0] =	vst v6  }
0x1c0: {  	[tilespmem:$0x11BE0] =	vst v6  }
0x1c1: {  	[tilespmem:$0x11BD0] =	vst v6  }
0x1c2: {  	[tilespmem:$0x11BC0] =	vst v6  }
0x1c3: {  	[tilespmem:$0x11BB0] =	vst v6  }
0x1c4: {  	[tilespmem:$0x11BA0] =	vst v6  }
0x1c5: {  	v7, _, _ =	vpop (xrf2);
	[tilespmem:$0x11B90] =	vst v6  }
0x1c6: {  	v63 =	vbroadcast v7, $0xF;
	[tilespmem:$0x11B60] =	vst v6  }
0x1c7: {  	[tilespmem:$0x11B70] =	vst v6  }
0x1c8: {  	[tilespmem:$0x11C10] =	vst v63  }
0x1c9: {  	[tilespmem:$0x11C20] =	vst v63  }
0x1ca: {  	[tilespmem:$0x11C30] =	vst v63  }
0x1cb: {  	[tilespmem:$0x11C40] =	vst v63  }
0x1cc: {  	[tilespmem:$0x11C50] =	vst v63  }
0x1cd: {  	[tilespmem:$0x11C60] =	vst v63  }
0x1ce: {  	[tilespmem:$0x11C70] =	vst v63  }
0x1cf: {  	[tilespmem:$0x11C80] =	vst v63  }
0x1d0: {  	[tilespmem:$0x11C90] =	vst v63  }
0x1d1: {  	[tilespmem:$0x11CA0] =	vst v63  }
0x1d2: {  	[tilespmem:$0x11CB0] =	vst v63  }
0x1d3: {  	[tilespmem:$0x11CC0] =	vst v63  }
0x1d4: {  	[tilespmem:$0x11CD0] =	vst v63  }
0x1d5: {  	[tilespmem:$0x11CE0] =	vst v63  }
0x1d6: {  	[tilespmem:$0x11CF0] =	vst v63  }
0x1d7: {  	[tilespmem:$0x11D00] =	vst v63  }
0x1d8: {  	[tilespmem:$0x11D10] =	vst v63  }
0x1d9: {  	[tilespmem:$0x11D20] =	vst v63  }
0x1da: {  	[tilespmem:$0x11D30] =	vst v63  }
0x1db: {  	[tilespmem:$0x11D40] =	vst v63  }
0x1dc: {  	[tilespmem:$0x11D50] =	vst v63  }
0x1dd: {  	[tilespmem:$0x11D80] =	vst v63  }
0x1de: {  	[tilespmem:$0x11E00] =	vst v63  }
0x1df: {  	[tilespmem:$0x11DF0] =	vst v63  }
0x1e0: {  	[tilespmem:$0x11DE0] =	vst v63  }
0x1e1: {  	[tilespmem:$0x11DD0] =	vst v63  }
0x1e2: {  	[tilespmem:$0x11DC0] =	vst v63  }
0x1e3: {  	[tilespmem:$0x11DB0] =	vst v63  }
0x1e4: {  	[tilespmem:$0x11DA0] =	vst v63  }
0x1e5: {  	v8, _, _ =	vpop (xrf2);
	[tilespmem:$0x11D90] =	vst v63  }
0x1e6: {  	v8 =	vbroadcast v8, $0xF;
	[tilespmem:$0x11D60] =	vst v63  }
0x1e7: {  	[tilespmem:$0x11D70] =	vst v63  }
0x1e8: {  	[tilespmem:$0x11E10] =	vst v8  }
0x1e9: {  	[tilespmem:$0x11E20] =	vst v8  }
0x1ea: {  	[tilespmem:$0x11E30] =	vst v8  }
0x1eb: {  	[tilespmem:$0x11E40] =	vst v8  }
0x1ec: {  	[tilespmem:$0x11E50] =	vst v8  }
0x1ed: {  	[tilespmem:$0x11E60] =	vst v8  }
0x1ee: {  	[tilespmem:$0x11E70] =	vst v8  }
0x1ef: {  	[tilespmem:$0x11E80] =	vst v8  }
0x1f0: {  	[tilespmem:$0x11E90] =	vst v8  }
0x1f1: {  	[tilespmem:$0x11EA0] =	vst v8  }
0x1f2: {  	[tilespmem:$0x11EB0] =	vst v8  }
0x1f3: {  	[tilespmem:$0x11EC0] =	vst v8  }
0x1f4: {  	[tilespmem:$0x11ED0] =	vst v8  }
0x1f5: {  	[tilespmem:$0x11EE0] =	vst v8  }
0x1f6: {  	[tilespmem:$0x11EF0] =	vst v8  }
0x1f7: {  	[tilespmem:$0x11F00] =	vst v8  }
0x1f8: {  	[tilespmem:$0x11F10] =	vst v8  }
0x1f9: {  	[tilespmem:$0x11F20] =	vst v8  }
0x1fa: {  	v1 =	vsel vm15, $0x0, v1;
	[tilespmem:$0x11F30] =	vst v8  }
0x1fb: {  	(xrf2) =	vadd.scan.msk.f32 $0xffff, v1;
	[tilespmem:$0x11F40] =	vst v8  }
0x1fc: {  	[tilespmem:$0x11F50] =	vst v8  }
0x1fd: {  	[tilespmem:$0x11F80] =	vst v8  }
0x1fe: {  	[tilespmem:$0x12000] =	vst v8  }
0x1ff: {  	[tilespmem:$0x11FF0] =	vst v8  }
0x200: {  	[tilespmem:$0x11FE0] =	vst v8  }
0x201: {  	[tilespmem:$0x11FD0] =	vst v8  }
0x202: {  	[tilespmem:$0x11FC0] =	vst v8  }
0x203: {  	[tilespmem:$0x11FB0] =	vst v8  }
0x204: {  	[tilespmem:$0x11FA0] =	vst v8  }
0x205: {  	[tilespmem:$0x11F90] =	vst v8;
	v1, _, _ =	vpop (xrf2)  }
0x206: {  	[tilespmem:$0x11F60] =	vst v8;
	v1 =	vbroadcast v1, $0xF  }
0x207: {  	[tilespmem:$0x11F70] =	vst v8  }
0x208: {  	[tilespmem:$0x121F0] =	vst v1  }
0x209: {  	[tilespmem:$0x121E0] =	vst v1  }
0x20a: {  	[tilespmem:$0x121D0] =	vst v1  }
0x20b: {  	[tilespmem:$0x121C0] =	vst v1  }
0x20c: {  	[tilespmem:$0x121B0] =	vst v1  }
0x20d: {  	[tilespmem:$0x121A0] =	vst v1  }
0x20e: {  	[tilespmem:$0x12190] =	vst v1  }
0x20f: {  	[tilespmem:$0x12180] =	vst v1  }
0x210: {  	[tilespmem:$0x12170] =	vst v1  }
0x211: {  	[tilespmem:$0x12160] =	vst v1  }
0x212: {  	[tilespmem:$0x12150] =	vst v1  }
0x213: {  	[tilespmem:$0x12140] =	vst v1  }
0x214: {  	[tilespmem:$0x12130] =	vst v1  }
0x215: {  	[tilespmem:$0x12120] =	vst v1  }
0x216: {  	[tilespmem:$0x12110] =	vst v1  }
0x217: {  	[tilespmem:$0x12100] =	vst v1  }
0x218: {  	[tilespmem:$0x120F0] =	vst v1  }
0x219: {  	[tilespmem:$0x120E0] =	vst v1  }
0x21a: {  	[tilespmem:$0x120D0] =	vst v1  }
0x21b: {  	[tilespmem:$0x120C0] =	vst v1  }
0x21c: {  	[tilespmem:$0x120B0] =	vst v1  }
0x21d: {  	[tilespmem:$0x120A0] =	vst v1  }
0x21e: {  	[tilespmem:$0x12090] =	vst v1  }
0x21f: {  	[tilespmem:$0x12080] =	vst v1  }
0x220: {  	[tilespmem:$0x12070] =	vst v1  }
0x221: {  	[tilespmem:$0x12060] =	vst v1  }
0x222: {  	[tilespmem:$0x12050] =	vst v1  }
0x223: {  	[tilespmem:$0x12040] =	vst v1  }
0x224: {  	[tilespmem:$0x12030] =	vst v1  }
0x225: {  	[tilespmem:$0x12020] =	vst v1  }
0x226: {  	[tilespmem:$0x12010] =	vst v1  }
0x227: {  	[tilespmem:$0x12200] =	vst v1  }
0x228: {  	[hbm4b:s6+s20] =	stream.strided.scatter [tilespmem:s22], [sflag:$0x2], $0x2000, s21, s20, $0x38;
	[tilespmem:$0x1E210] =	vst v63  }
0x229: {  	_ =	swait.ge [sflag:s23], $0x4000  }
0x22a: {  	[sflag:s23] =	ssyncset.done $0x0  }
0x22b: {  	[sflag:s23] =	ssyncadd.s32 $0xFFFFC000  }
0x22c: {  	_ =	swait.ge [sflag:s23], $0x4000  }
0x22d: {  	[sflag:s23] =	ssyncset.done $0x0  }
0x22e: {  	v1 =	vmov s3;
	[sflag:s23] =	ssyncadd.s32 $0xFFFFC000  }
0x22f: {  	v1 =	vshll.u32 v1, $0x7;
	_ =	swait.ge [sflag:s23], $0x4000  }
0x230: {  	v1 =	vor.u32 v0, v1;
	[sflag:s23] =	ssyncset.done $0x0  }
0x231: {  	[sflag:s23] =	ssyncadd.s32 $0xFFFFC000  }
0x232: {  	_ =	swait.ge [sflag:s23], $0x4000  }
0x233: {  	[sflag:s23] =	ssyncset.done $0x0  }
0x234: {  	[sflag:s23] =	ssyncadd.s32 $0xFFFFC000  }
0x235: {  	v2 =	vld.idx.msk [tilespmem:v1+s14+$0x0], $0xffff  }
0x236: {  	v3 =	vor.u32 $0x1, v1;
	_ =	sdelay $0x2  }
0x237: {  	s0 =	simm.s32 $0x12610  }
0x238: {  	[tilespmem:s0+$0xFFFFFC00] =	vst v2  }
0x239: {  	v2 =	vld.idx.msk [tilespmem:v3+s14+$0x0], $0xffff  }
0x23a: {  	v1 =	vor.u32 $0x2, v1;
	_ =	sdelay $0x3  }
0x23b: {  	s1 =	simm.s32 $0x10;
	[tilespmem:s0+$0xFFFFFE00] =	vst v2  }
0x23c: {  	v2 =	vmov s1;
	s1 =	simm.s32 $0x20;
	v1 =	vld.idx.msk [tilespmem:v1+s14+$0x0], $0xffff  }
.LBB2_2:
0x23d: {  	p0 =	sne.s32 s1, $0x1F0;
	v2 =	vshll.u32 v2, $0x7  }
0x23e: {  	v2 =	vor.u32 v0, v2;
	_ =	sdelay $0x3  }
0x23f: {  	[tilespmem:s0+$0x0] =	vst v1  }
0x240: {  	v1 =	vld.idx.msk [tilespmem:v2+s14+$0x0], $0xffff;
	_ =	sdelay $0x1  }
0x241: {  	v3 =	vor.u32 $0x1, v2;
	_ =	sdelay $0x2  }
0x242: {  	s0 =	sadd.s32 $0x10, s0  }
0x243: {  	[tilespmem:s0+$0xFFFFFC00] =	vst v1  }
0x244: {  	v1 =	vld.idx.msk [tilespmem:v3+s14+$0x0], $0xffff;
	_ =	sdelay $0x1  }
0x245: {  	v3 =	vor.u32 $0x2, v2  }
.Ltmp0:
0x246: {  	(pc) =	sbr.rel @p0 .LBB2_2-.Ltmp0, $3  }
0x247: {  	_ =	sdelay $0x1  }
0x248: {  	[tilespmem:s0+$0xFFFFFE00] =	vst v1  }
0x249: {  	v2 =	vmov s1;
	s1 =	sadd.s32 $0x10, s1;
	v1 =	vld.idx.msk [tilespmem:v3+s14+$0x0], $0xffff  }
0x24a: {  	v2 =	vshll.u32 v2, $0x7  }
0x24b: {  	v2 =	vor.u32 v0, v2;
	_ =	sdelay $0x3  }
0x24c: {  	[tilespmem:s0+$0x0] =	vst v1  }
0x24d: {  	v1 =	vld.idx.msk [tilespmem:v2+s14+$0x0], $0xffff  }
0x24e: {  	v3 =	vor.u32 $0x1, v2;
	_ =	sdelay $0x2  }
0x24f: {  	s2 =	sadd.s32 $0x10, s0  }
0x250: {  	[tilespmem:s2+$0xFFFFFC00] =	vst v1  }
0x251: {  	v1 =	vld.idx.msk [tilespmem:v3+s14+$0x0], $0xffff  }
0x252: {  	v2 =	vor.u32 $0x2, v2;
	_ =	sdelay $0x2  }
0x253: {  	s1 =	simm.s32 $0x0  }
0x254: {  	[tilespmem:s2+$0xFFFFFE00] =	vst v1;
	v1 =	vmov s1  }
0x255: {  	v2 =	vld.idx.msk [tilespmem:v2+s14+$0x0], $0xffff;
	v1 =	vshll.u32 v1, $0x7  }
0x256: {  	v1 =	vor.u32 v0, v1  }
0x257: {  	v3 =	vor.u32 $0x3, v1;
	_ =	sdelay $0x2  }
0x258: {  	[tilespmem:s2+$0x0] =	vst v2  }
0x259: {  	[hbm4b:s7+s20] =	stream.strided.scatter [tilespmem:s24], [sflag:$0x2], $0x1000, s21, s20, $0x38;
	[tilespmem:$0x1E210] =	vst v63  }
0x25a: {  	v2 =	vld.idx.msk [tilespmem:v3+s14+$0x0], $0xffff  }
0x25b: {  	v3 =	vor.u32 $0x4, v1;
	_ =	sdelay $0x2  }
0x25c: {  	s0 =	simm.s32 $0x1B610  }
0x25d: {  	[tilespmem:s0+$0xFFFFFC00] =	vst v2  }
0x25e: {  	v3 =	vld.idx.msk [tilespmem:v3+s14+$0x0], $0xffff  }
0x25f: {  	v1 =	vor.u32 $0x5, v1;
	_ =	sdelay $0x2  }
0x260: {  	s31 =	simm.s32 $0x10  }
0x261: {  	s1 =	simm.s32 $0x20;
	v2 =	vmov s31;
	[tilespmem:s0+$0xFFFFFE00] =	vst v3  }
.LBB2_4:
0x262: {  	p0 =	sne.s32 s1, $0x1F0;
	v2 =	vshll.u32 v2, $0x7;
	v1 =	vld.idx.msk [tilespmem:v1+s14+$0x0], $0xffff  }
0x263: {  	v2 =	vor.u32 v0, v2  }
0x264: {  	v3 =	vor.u32 $0x3, v2;
	_ =	sdelay $0x3  }
0x265: {  	[tilespmem:s0+$0x0] =	vst v1  }
0x266: {  	v1 =	vld.idx.msk [tilespmem:v3+s14+$0x0], $0xffff;
	_ =	sdelay $0x1  }
0x267: {  	v3 =	vor.u32 $0x4, v2;
	_ =	sdelay $0x2  }
0x268: {  	s0 =	sadd.s32 $0x10, s0  }
0x269: {  	[tilespmem:s0+$0xFFFFFC00] =	vst v1  }
0x26a: {  	v3 =	vld.idx.msk [tilespmem:v3+s14+$0x0], $0xffff;
	_ =	sdelay $0x1  }
.Ltmp1:
0x26b: {  	v1 =	vor.u32 $0x5, v2;
	(pc) =	sbr.rel @p0 .LBB2_4-.Ltmp1, $2  }
0x26c: {  	_ =	sdelay $0x2  }
0x26d: {  	v2 =	vmov s1;
	s1 =	sadd.s32 $0x10, s1;
	[tilespmem:s0+$0xFFFFFE00] =	vst v3  }
0x26e: {  	_ =	sdelay $0x2  }
0x26f: {  	v2 =	vshll.u32 v2, $0x7  }
0x270: {  	v1 =	vld.idx.msk [tilespmem:v1+s14+$0x0], $0xffff;
	v2 =	vor.u32 v0, v2  }
0x271: {  	v3 =	vor.u32 $0x3, v2;
	_ =	sdelay $0x3  }
0x272: {  	[tilespmem:s0+$0x0] =	vst v1  }
0x273: {  	v1 =	vld.idx.msk [tilespmem:v3+s14+$0x0], $0xffff  }
0x274: {  	v3 =	vor.u32 $0x4, v2;
	_ =	sdelay $0x2  }
0x275: {  	s2 =	sadd.s32 $0x10, s0  }
0x276: {  	[tilespmem:s2+$0xFFFFFC00] =	vst v1  }
0x277: {  	v1 =	vld.idx.msk [tilespmem:v3+s14+$0x0], $0xffff  }
0x278: {  	v2 =	vor.u32 $0x5, v2;
	_ =	sdelay $0x2  }
0x279: {  	s1 =	simm.s32 $0x0  }
0x27a: {  	[tilespmem:s2+$0xFFFFFE00] =	vst v1;
	v1 =	vmov s1  }
0x27b: {  	v2 =	vld.idx.msk [tilespmem:v2+s14+$0x0], $0xffff;
	v1 =	vshll.u32 v1, $0x7  }
0x27c: {  	v1 =	vor.u32 v0, v1  }
0x27d: {  	v3 =	vor.u32 $0x6, v1;
	_ =	sdelay $0x2  }
0x27e: {  	[tilespmem:s2+$0x0] =	vst v2  }
0x27f: {  	[hbm4b:s8+s20] =	stream.strided.scatter [tilespmem:s25], [sflag:$0x2], $0x1000, s21, s20, $0x38;
	[tilespmem:$0x1E210] =	vst v63  }
0x280: {  	v2 =	vld.idx.msk [tilespmem:v3+s14+$0x0], $0xffff  }
0x281: {  	v3 =	vor.u32 $0x7, v1;
	_ =	sdelay $0x2  }
0x282: {  	s0 =	simm.s32 $0x1CC10  }
0x283: {  	[tilespmem:s0+$0xFFFFF600] =	vst v2  }
0x284: {  	v2 =	vld.idx.msk [tilespmem:v3+s14+$0x0], $0xffff  }
0x285: {  	v3 =	vor.u32 $0x8, v1;
	_ =	sdelay $0x3  }
0x286: {  	[tilespmem:s0+$0xFFFFF800] =	vst v2  }
0x287: {  	v2 =	vld.idx.msk [tilespmem:v3+s14+$0x0], $0xffff  }
0x288: {  	v3 =	vor.u32 $0x9, v1;
	_ =	sdelay $0x3  }
0x289: {  	[tilespmem:s0+$0xFFFFFA00] =	vst v2  }
0x28a: {  	v2 =	vld.idx.msk [tilespmem:v3+s14+$0x0], $0xffff  }
0x28b: {  	v3 =	vor.u32 $0xA, v1;
	_ =	sdelay $0x3  }
0x28c: {  	[tilespmem:s0+$0xFFFFFC00] =	vst v2  }
0x28d: {  	v2 =	vld.idx.msk [tilespmem:v3+s14+$0x0], $0xffff  }
0x28e: {  	v3 =	vor.u32 $0xB, v1;
	_ =	sdelay $0x3  }
0x28f: {  	[tilespmem:s0+$0xFFFFFE00] =	vst v2  }
0x290: {  	v2 =	vld.idx.msk [tilespmem:v3+s14+$0x0], $0xffff  }
0x291: {  	v3 =	vor.u32 $0xC, v1;
	_ =	sdelay $0x3  }
0x292: {  	[tilespmem:s0+$0x0] =	vst v2  }
0x293: {  	v2 =	vld.idx.msk [tilespmem:v3+s14+$0x0], $0xffff  }
0x294: {  	v3 =	vor.u32 $0xD, v1;
	_ =	sdelay $0x3  }
0x295: {  	[tilespmem:s0+$0x200] =	vst v2  }
0x296: {  	v2 =	vld.idx.msk [tilespmem:v3+s14+$0x0], $0xffff  }
0x297: {  	v3 =	vor.u32 $0xE, v1;
	_ =	sdelay $0x3  }
0x298: {  	[tilespmem:s0+$0x400] =	vst v2  }
0x299: {  	v3 =	vld.idx.msk [tilespmem:v3+s14+$0x0], $0xffff  }
0x29a: {  	v1 =	vor.u32 $0xF, v1;
	_ =	sdelay $0x2  }
0x29b: {  	s31 =	simm.s32 $0x10  }
0x29c: {  	s1 =	simm.s32 $0x20;
	v2 =	vmov s31;
	[tilespmem:s0+$0x600] =	vst v3  }
.LBB2_6:
0x29d: {  	p0 =	sne.s32 s1, $0x1F0;
	v2 =	vshll.u32 v2, $0x7;
	v1 =	vld.idx.msk [tilespmem:v1+s14+$0x0], $0xffff  }
0x29e: {  	v2 =	vor.u32 v0, v2  }
0x29f: {  	v3 =	vor.u32 $0x6, v2;
	_ =	sdelay $0x3  }
0x2a0: {  	[tilespmem:s0+$0x800] =	vst v1  }
0x2a1: {  	v1 =	vld.idx.msk [tilespmem:v3+s14+$0x0], $0xffff;
	_ =	sdelay $0x1  }
0x2a2: {  	v3 =	vor.u32 $0x7, v2;
	_ =	sdelay $0x2  }
0x2a3: {  	s0 =	sadd.s32 $0x10, s0  }
0x2a4: {  	[tilespmem:s0+$0xFFFFF600] =	vst v1  }
0x2a5: {  	v1 =	vld.idx.msk [tilespmem:v3+s14+$0x0], $0xffff;
	_ =	sdelay $0x1  }
0x2a6: {  	v3 =	vor.u32 $0x8, v2;
	_ =	sdelay $0x3  }
0x2a7: {  	[tilespmem:s0+$0xFFFFF800] =	vst v1  }
0x2a8: {  	v1 =	vld.idx.msk [tilespmem:v3+s14+$0x0], $0xffff;
	_ =	sdelay $0x1  }
0x2a9: {  	v3 =	vor.u32 $0x9, v2;
	_ =	sdelay $0x3  }
0x2aa: {  	[tilespmem:s0+$0xFFFFFA00] =	vst v1  }
0x2ab: {  	v1 =	vld.idx.msk [tilespmem:v3+s14+$0x0], $0xffff;
	_ =	sdelay $0x1  }
0x2ac: {  	v3 =	vor.u32 $0xA, v2;
	_ =	sdelay $0x3  }
0x2ad: {  	[tilespmem:s0+$0xFFFFFC00] =	vst v1  }
0x2ae: {  	v1 =	vld.idx.msk [tilespmem:v3+s14+$0x0], $0xffff;
	_ =	sdelay $0x1  }
0x2af: {  	v3 =	vor.u32 $0xB, v2;
	_ =	sdelay $0x3  }
0x2b0: {  	[tilespmem:s0+$0xFFFFFE00] =	vst v1  }
0x2b1: {  	v1 =	vld.idx.msk [tilespmem:v3+s14+$0x0], $0xffff;
	_ =	sdelay $0x1  }
0x2b2: {  	v3 =	vor.u32 $0xC, v2;
	_ =	sdelay $0x3  }
0x2b3: {  	[tilespmem:s0+$0x0] =	vst v1  }
0x2b4: {  	v1 =	vld.idx.msk [tilespmem:v3+s14+$0x0], $0xffff;
	_ =	sdelay $0x1  }
0x2b5: {  	v3 =	vor.u32 $0xD, v2;
	_ =	sdelay $0x3  }
0x2b6: {  	[tilespmem:s0+$0x200] =	vst v1  }
0x2b7: {  	v1 =	vld.idx.msk [tilespmem:v3+s14+$0x0], $0xffff;
	_ =	sdelay $0x1  }
0x2b8: {  	v3 =	vor.u32 $0xE, v2;
	_ =	sdelay $0x3  }
0x2b9: {  	[tilespmem:s0+$0x400] =	vst v1  }
0x2ba: {  	v3 =	vld.idx.msk [tilespmem:v3+s14+$0x0], $0xffff;
	_ =	sdelay $0x1  }
.Ltmp2:
0x2bb: {  	v1 =	vor.u32 $0xF, v2;
	(pc) =	sbr.rel @p0 .LBB2_6-.Ltmp2, $2  }
0x2bc: {  	_ =	sdelay $0x2  }
0x2bd: {  	v2 =	vmov s1;
	s1 =	sadd.s32 $0x10, s1;
	[tilespmem:s0+$0x600] =	vst v3  }
0x2be: {  	_ =	sdelay $0x2  }
0x2bf: {  	v2 =	vshll.u32 v2, $0x7  }
0x2c0: {  	v1 =	vld.idx.msk [tilespmem:v1+s14+$0x0], $0xffff;
	v2 =	vor.u32 v0, v2  }
0x2c1: {  	v3 =	vor.u32 $0x6, v2;
	_ =	sdelay $0x3  }
0x2c2: {  	[tilespmem:s0+$0x800] =	vst v1  }
0x2c3: {  	v1 =	vld.idx.msk [tilespmem:v3+s14+$0x0], $0xffff  }
0x2c4: {  	v3 =	vor.u32 $0x7, v2;
	_ =	sdelay $0x2  }
0x2c5: {  	s2 =	sadd.s32 $0x10, s0  }
0x2c6: {  	[tilespmem:s2+$0xFFFFF600] =	vst v1  }
0x2c7: {  	v1 =	vld.idx.msk [tilespmem:v3+s14+$0x0], $0xffff  }
0x2c8: {  	v3 =	vor.u32 $0x8, v2;
	_ =	sdelay $0x3  }
0x2c9: {  	[tilespmem:s2+$0xFFFFF800] =	vst v1  }
0x2ca: {  	v1 =	vld.idx.msk [tilespmem:v3+s14+$0x0], $0xffff  }
0x2cb: {  	v3 =	vor.u32 $0x9, v2;
	_ =	sdelay $0x3  }
0x2cc: {  	[tilespmem:s2+$0xFFFFFA00] =	vst v1  }
0x2cd: {  	v1 =	vld.idx.msk [tilespmem:v3+s14+$0x0], $0xffff  }
0x2ce: {  	v3 =	vor.u32 $0xA, v2;
	_ =	sdelay $0x3  }
0x2cf: {  	[tilespmem:s2+$0xFFFFFC00] =	vst v1  }
0x2d0: {  	v1 =	vld.idx.msk [tilespmem:v3+s14+$0x0], $0xffff  }
0x2d1: {  	v3 =	vor.u32 $0xB, v2;
	_ =	sdelay $0x3  }
0x2d2: {  	[tilespmem:s2+$0xFFFFFE00] =	vst v1  }
0x2d3: {  	v1 =	vld.idx.msk [tilespmem:v3+s14+$0x0], $0xffff  }
0x2d4: {  	v3 =	vor.u32 $0xC, v2;
	_ =	sdelay $0x3  }
0x2d5: {  	[tilespmem:s2+$0x0] =	vst v1  }
0x2d6: {  	v1 =	vld.idx.msk [tilespmem:v3+s14+$0x0], $0xffff  }
0x2d7: {  	v3 =	vor.u32 $0xD, v2;
	_ =	sdelay $0x3  }
0x2d8: {  	[tilespmem:s2+$0x200] =	vst v1  }
0x2d9: {  	v1 =	vld.idx.msk [tilespmem:v3+s14+$0x0], $0xffff  }
0x2da: {  	v3 =	vor.u32 $0xE, v2;
	_ =	sdelay $0x3  }
0x2db: {  	[tilespmem:s2+$0x400] =	vst v1  }
0x2dc: {  	v1 =	vld.idx.msk [tilespmem:v3+s14+$0x0], $0xffff  }
0x2dd: {  	v2 =	vor.u32 $0xF, v2;
	_ =	sdelay $0x2  }
0x2de: {  	s1 =	simm.s32 $0x0  }
0x2df: {  	[tilespmem:s2+$0x600] =	vst v1;
	v1 =	vmov s1  }
0x2e0: {  	v2 =	vld.idx.msk [tilespmem:v2+s14+$0x0], $0xffff;
	v1 =	vshll.u32 v1, $0x7  }
0x2e1: {  	v1 =	vor.u32 v0, v1  }
0x2e2: {  	v3 =	vor.u32 $0x10, v1;
	_ =	sdelay $0x2  }
0x2e3: {  	[tilespmem:s2+$0x800] =	vst v2  }
0x2e4: {  	[hbm4b:s9+s20] =	stream.strided.scatter [tilespmem:s26], [sflag:$0x2], $0x2000, s21, s20, $0x38;
	[tilespmem:$0x1E210] =	vst v63  }
0x2e5: {  	v2 =	vld.idx.msk [tilespmem:v3+s14+$0x0], $0xffff  }
0x2e6: {  	v3 =	vor.u32 $0x11, v1;
	_ =	sdelay $0x2  }
0x2e7: {  	s31 =	simm.s32 $0x0  }
0x2e8: {  	[tilespmem:s31+$0x13210] =	vst v2  }
0x2e9: {  	v2 =	vld.idx.msk [tilespmem:v3+s14+$0x0], $0xffff  }
0x2ea: {  	v3 =	vor.u32 $0x12, v1;
	_ =	sdelay $0x3  }
0x2eb: {  	[tilespmem:s31+$0x13410] =	vst v2  }
0x2ec: {  	v2 =	vld.idx.msk [tilespmem:v3+s14+$0x0], $0xffff  }
0x2ed: {  	v3 =	vor.u32 $0x13, v1;
	_ =	sdelay $0x3  }
0x2ee: {  	[tilespmem:s31+$0x13610] =	vst v2  }
0x2ef: {  	v2 =	vld.idx.msk [tilespmem:v3+s14+$0x0], $0xffff  }
0x2f0: {  	v3 =	vor.u32 $0x14, v1;
	_ =	sdelay $0x3  }
0x2f1: {  	[tilespmem:s31+$0x13810] =	vst v2  }
0x2f2: {  	v2 =	vld.idx.msk [tilespmem:v3+s14+$0x0], $0xffff  }
0x2f3: {  	v3 =	vor.u32 $0x15, v1;
	_ =	sdelay $0x3  }
0x2f4: {  	[tilespmem:s31+$0x13A10] =	vst v2  }
0x2f5: {  	v2 =	vld.idx.msk [tilespmem:v3+s14+$0x0], $0xffff  }
0x2f6: {  	v3 =	vor.u32 $0x16, v1;
	_ =	sdelay $0x3  }
0x2f7: {  	[tilespmem:s31+$0x13C10] =	vst v2  }
0x2f8: {  	v2 =	vld.idx.msk [tilespmem:v3+s14+$0x0], $0xffff  }
0x2f9: {  	v3 =	vor.u32 $0x17, v1;
	_ =	sdelay $0x3  }
0x2fa: {  	[tilespmem:s31+$0x13E10] =	vst v2  }
0x2fb: {  	v2 =	vld.idx.msk [tilespmem:v3+s14+$0x0], $0xffff  }
0x2fc: {  	v3 =	vor.u32 $0x18, v1;
	_ =	sdelay $0x3  }
0x2fd: {  	[tilespmem:s31+$0x14010] =	vst v2  }
0x2fe: {  	v2 =	vld.idx.msk [tilespmem:v3+s14+$0x0], $0xffff  }
0x2ff: {  	v3 =	vor.u32 $0x19, v1;
	_ =	sdelay $0x3  }
0x300: {  	[tilespmem:s31+$0x14210] =	vst v2  }
0x301: {  	v2 =	vld.idx.msk [tilespmem:v3+s14+$0x0], $0xffff  }
0x302: {  	v3 =	vor.u32 $0x1A, v1;
	_ =	sdelay $0x3  }
0x303: {  	[tilespmem:s31+$0x14410] =	vst v2  }
0x304: {  	v2 =	vld.idx.msk [tilespmem:v3+s14+$0x0], $0xffff  }
0x305: {  	v3 =	vor.u32 $0x1B, v1;
	_ =	sdelay $0x3  }
0x306: {  	[tilespmem:s31+$0x14610] =	vst v2  }
0x307: {  	v2 =	vld.idx.msk [tilespmem:v3+s14+$0x0], $0xffff  }
0x308: {  	v3 =	vor.u32 $0x1C, v1;
	_ =	sdelay $0x3  }
0x309: {  	[tilespmem:s31+$0x14810] =	vst v2  }
0x30a: {  	v2 =	vld.idx.msk [tilespmem:v3+s14+$0x0], $0xffff  }
0x30b: {  	v3 =	vor.u32 $0x1D, v1;
	_ =	sdelay $0x3  }
0x30c: {  	[tilespmem:s31+$0x14A10] =	vst v2  }
0x30d: {  	v2 =	vld.idx.msk [tilespmem:v3+s14+$0x0], $0xffff  }
0x30e: {  	v3 =	vor.u32 $0x1E, v1;
	_ =	sdelay $0x3  }
0x30f: {  	[tilespmem:s31+$0x14C10] =	vst v2  }
0x310: {  	v2 =	vld.idx.msk [tilespmem:v3+s14+$0x0], $0xffff  }
0x311: {  	v3 =	vor.u32 $0x1F, v1;
	_ =	sdelay $0x3  }
0x312: {  	[tilespmem:s31+$0x14E10] =	vst v2  }
0x313: {  	v2 =	vld.idx.msk [tilespmem:v3+s14+$0x0], $0xffff  }
0x314: {  	v3 =	vor.u32 $0x20, v1;
	_ =	sdelay $0x3  }
0x315: {  	[tilespmem:s31+$0x15010] =	vst v2  }
0x316: {  	v2 =	vld.idx.msk [tilespmem:v3+s14+$0x0], $0xffff  }
0x317: {  	v3 =	vor.u32 $0x21, v1;
	_ =	sdelay $0x3  }
0x318: {  	[tilespmem:s31+$0x15210] =	vst v2  }
0x319: {  	v2 =	vld.idx.msk [tilespmem:v3+s14+$0x0], $0xffff  }
0x31a: {  	v3 =	vor.u32 $0x22, v1;
	_ =	sdelay $0x3  }
0x31b: {  	[tilespmem:s31+$0x15410] =	vst v2  }
0x31c: {  	v2 =	vld.idx.msk [tilespmem:v3+s14+$0x0], $0xffff  }
0x31d: {  	v3 =	vor.u32 $0x23, v1;
	_ =	sdelay $0x3  }
0x31e: {  	[tilespmem:s31+$0x15610] =	vst v2  }
0x31f: {  	v2 =	vld.idx.msk [tilespmem:v3+s14+$0x0], $0xffff  }
0x320: {  	v3 =	vor.u32 $0x24, v1;
	_ =	sdelay $0x3  }
0x321: {  	[tilespmem:s31+$0x15810] =	vst v2  }
0x322: {  	v2 =	vld.idx.msk [tilespmem:v3+s14+$0x0], $0xffff  }
0x323: {  	v3 =	vor.u32 $0x25, v1;
	_ =	sdelay $0x3  }
0x324: {  	[tilespmem:s31+$0x15A10] =	vst v2  }
0x325: {  	v2 =	vld.idx.msk [tilespmem:v3+s14+$0x0], $0xffff  }
0x326: {  	v3 =	vor.u32 $0x26, v1;
	_ =	sdelay $0x3  }
0x327: {  	[tilespmem:s31+$0x15C10] =	vst v2  }
0x328: {  	v2 =	vld.idx.msk [tilespmem:v3+s14+$0x0], $0xffff  }
0x329: {  	v3 =	vor.u32 $0x27, v1;
	_ =	sdelay $0x3  }
0x32a: {  	[tilespmem:s31+$0x15E10] =	vst v2  }
0x32b: {  	v2 =	vld.idx.msk [tilespmem:v3+s14+$0x0], $0xffff  }
0x32c: {  	v3 =	vor.u32 $0x28, v1;
	_ =	sdelay $0x3  }
0x32d: {  	[tilespmem:s31+$0x16010] =	vst v2  }
0x32e: {  	v2 =	vld.idx.msk [tilespmem:v3+s14+$0x0], $0xffff  }
0x32f: {  	v3 =	vor.u32 $0x29, v1;
	_ =	sdelay $0x3  }
0x330: {  	[tilespmem:s31+$0x16210] =	vst v2  }
0x331: {  	v2 =	vld.idx.msk [tilespmem:v3+s14+$0x0], $0xffff  }
0x332: {  	v3 =	vor.u32 $0x2A, v1;
	_ =	sdelay $0x3  }
0x333: {  	[tilespmem:s31+$0x16410] =	vst v2  }
0x334: {  	v2 =	vld.idx.msk [tilespmem:v3+s14+$0x0], $0xffff  }
0x335: {  	v3 =	vor.u32 $0x2B, v1;
	_ =	sdelay $0x3  }
0x336: {  	[tilespmem:s31+$0x16610] =	vst v2  }
0x337: {  	v2 =	vld.idx.msk [tilespmem:v3+s14+$0x0], $0xffff  }
0x338: {  	v3 =	vor.u32 $0x2C, v1;
	_ =	sdelay $0x3  }
0x339: {  	[tilespmem:s31+$0x16810] =	vst v2  }
0x33a: {  	v2 =	vld.idx.msk [tilespmem:v3+s14+$0x0], $0xffff  }
0x33b: {  	v3 =	vor.u32 $0x2D, v1;
	_ =	sdelay $0x3  }
0x33c: {  	[tilespmem:s31+$0x16A10] =	vst v2  }
0x33d: {  	v2 =	vld.idx.msk [tilespmem:v3+s14+$0x0], $0xffff  }
0x33e: {  	v3 =	vor.u32 $0x2E, v1;
	_ =	sdelay $0x3  }
0x33f: {  	[tilespmem:s31+$0x16C10] =	vst v2  }
0x340: {  	v2 =	vld.idx.msk [tilespmem:v3+s14+$0x0], $0xffff  }
0x341: {  	v3 =	vor.u32 $0x2F, v1;
	_ =	sdelay $0x3  }
0x342: {  	[tilespmem:s31+$0x16E10] =	vst v2  }
0x343: {  	v2 =	vld.idx.msk [tilespmem:v3+s14+$0x0], $0xffff  }
0x344: {  	v3 =	vor.u32 $0x30, v1;
	_ =	sdelay $0x3  }
0x345: {  	[tilespmem:s31+$0x17010] =	vst v2  }
0x346: {  	v2 =	vld.idx.msk [tilespmem:v3+s14+$0x0], $0xffff  }
0x347: {  	v3 =	vor.u32 $0x31, v1;
	_ =	sdelay $0x3  }
0x348: {  	[tilespmem:s31+$0x17210] =	vst v2  }
0x349: {  	v2 =	vld.idx.msk [tilespmem:v3+s14+$0x0], $0xffff  }
0x34a: {  	v3 =	vor.u32 $0x32, v1;
	_ =	sdelay $0x3  }
0x34b: {  	[tilespmem:s31+$0x17410] =	vst v2  }
0x34c: {  	v2 =	vld.idx.msk [tilespmem:v3+s14+$0x0], $0xffff  }
0x34d: {  	v3 =	vor.u32 $0x33, v1;
	_ =	sdelay $0x3  }
0x34e: {  	[tilespmem:s31+$0x17610] =	vst v2  }
0x34f: {  	v2 =	vld.idx.msk [tilespmem:v3+s14+$0x0], $0xffff  }
0x350: {  	v3 =	vor.u32 $0x34, v1;
	_ =	sdelay $0x3  }
0x351: {  	[tilespmem:s31+$0x17810] =	vst v2  }
0x352: {  	v2 =	vld.idx.msk [tilespmem:v3+s14+$0x0], $0xffff  }
0x353: {  	v3 =	vor.u32 $0x35, v1;
	_ =	sdelay $0x3  }
0x354: {  	[tilespmem:s31+$0x17A10] =	vst v2  }
0x355: {  	v2 =	vld.idx.msk [tilespmem:v3+s14+$0x0], $0xffff  }
0x356: {  	v3 =	vor.u32 $0x36, v1;
	_ =	sdelay $0x3  }
0x357: {  	[tilespmem:s31+$0x17C10] =	vst v2  }
0x358: {  	v2 =	vld.idx.msk [tilespmem:v3+s14+$0x0], $0xffff  }
0x359: {  	v3 =	vor.u32 $0x37, v1;
	_ =	sdelay $0x3  }
0x35a: {  	[tilespmem:s31+$0x17E10] =	vst v2  }
0x35b: {  	v2 =	vld.idx.msk [tilespmem:v3+s14+$0x0], $0xffff  }
0x35c: {  	v3 =	vor.u32 $0x38, v1;
	_ =	sdelay $0x3  }
0x35d: {  	[tilespmem:s31+$0x18010] =	vst v2  }
0x35e: {  	v2 =	vld.idx.msk [tilespmem:v3+s14+$0x0], $0xffff  }
0x35f: {  	v3 =	vor.u32 $0x39, v1;
	_ =	sdelay $0x3  }
0x360: {  	[tilespmem:s31+$0x18210] =	vst v2  }
0x361: {  	v2 =	vld.idx.msk [tilespmem:v3+s14+$0x0], $0xffff  }
0x362: {  	v3 =	vor.u32 $0x3A, v1;
	_ =	sdelay $0x3  }
0x363: {  	[tilespmem:s31+$0x18410] =	vst v2  }
0x364: {  	v2 =	vld.idx.msk [tilespmem:v3+s14+$0x0], $0xffff  }
0x365: {  	v3 =	vor.u32 $0x3B, v1;
	_ =	sdelay $0x3  }
0x366: {  	[tilespmem:s31+$0x18610] =	vst v2  }
0x367: {  	v2 =	vld.idx.msk [tilespmem:v3+s14+$0x0], $0xffff  }
0x368: {  	v3 =	vor.u32 $0x3C, v1;
	_ =	sdelay $0x3  }
0x369: {  	[tilespmem:s31+$0x18810] =	vst v2  }
0x36a: {  	v2 =	vld.idx.msk [tilespmem:v3+s14+$0x0], $0xffff  }
0x36b: {  	v3 =	vor.u32 $0x3D, v1;
	_ =	sdelay $0x3  }
0x36c: {  	[tilespmem:s31+$0x18A10] =	vst v2  }
0x36d: {  	v2 =	vld.idx.msk [tilespmem:v3+s14+$0x0], $0xffff  }
0x36e: {  	v3 =	vor.u32 $0x3E, v1;
	_ =	sdelay $0x3  }
0x36f: {  	[tilespmem:s31+$0x18C10] =	vst v2  }
0x370: {  	v2 =	vld.idx.msk [tilespmem:v3+s14+$0x0], $0xffff  }
0x371: {  	v3 =	vor.u32 $0x3F, v1;
	_ =	sdelay $0x3  }
0x372: {  	[tilespmem:s31+$0x18E10] =	vst v2  }
0x373: {  	v2 =	vld.idx.msk [tilespmem:v3+s14+$0x0], $0xffff  }
0x374: {  	v3 =	vor.u32 $0x40, v1;
	_ =	sdelay $0x3  }
0x375: {  	[tilespmem:s31+$0x19010] =	vst v2  }
0x376: {  	v2 =	vld.idx.msk [tilespmem:v3+s14+$0x0], $0xffff  }
0x377: {  	v3 =	vor.u32 $0x41, v1;
	_ =	sdelay $0x3  }
0x378: {  	[tilespmem:s31+$0x19210] =	vst v2  }
0x379: {  	v2 =	vld.idx.msk [tilespmem:v3+s14+$0x0], $0xffff  }
0x37a: {  	v3 =	vor.u32 $0x42, v1;
	_ =	sdelay $0x3  }
0x37b: {  	[tilespmem:s31+$0x19410] =	vst v2  }
0x37c: {  	v2 =	vld.idx.msk [tilespmem:v3+s14+$0x0], $0xffff  }
0x37d: {  	v3 =	vor.u32 $0x43, v1;
	_ =	sdelay $0x3  }
0x37e: {  	[tilespmem:s31+$0x19610] =	vst v2  }
0x37f: {  	v2 =	vld.idx.msk [tilespmem:v3+s14+$0x0], $0xffff  }
0x380: {  	v3 =	vor.u32 $0x44, v1;
	_ =	sdelay $0x3  }
0x381: {  	[tilespmem:s31+$0x19810] =	vst v2  }
0x382: {  	v2 =	vld.idx.msk [tilespmem:v3+s14+$0x0], $0xffff  }
0x383: {  	v3 =	vor.u32 $0x45, v1;
	_ =	sdelay $0x3  }
0x384: {  	[tilespmem:s31+$0x19A10] =	vst v2  }
0x385: {  	v2 =	vld.idx.msk [tilespmem:v3+s14+$0x0], $0xffff  }
0x386: {  	v3 =	vor.u32 $0x46, v1;
	_ =	sdelay $0x3  }
0x387: {  	[tilespmem:s31+$0x19C10] =	vst v2  }
0x388: {  	v2 =	vld.idx.msk [tilespmem:v3+s14+$0x0], $0xffff  }
0x389: {  	v3 =	vor.u32 $0x47, v1;
	_ =	sdelay $0x3  }
0x38a: {  	[tilespmem:s31+$0x19E10] =	vst v2  }
0x38b: {  	v2 =	vld.idx.msk [tilespmem:v3+s14+$0x0], $0xffff  }
0x38c: {  	v3 =	vor.u32 $0x48, v1;
	_ =	sdelay $0x3  }
0x38d: {  	[tilespmem:s31+$0x1A010] =	vst v2  }
0x38e: {  	v2 =	vld.idx.msk [tilespmem:v3+s14+$0x0], $0xffff  }
0x38f: {  	v3 =	vor.u32 $0x49, v1;
	_ =	sdelay $0x3  }
0x390: {  	[tilespmem:s31+$0x1A210] =	vst v2  }
0x391: {  	v2 =	vld.idx.msk [tilespmem:v3+s14+$0x0], $0xffff  }
0x392: {  	v3 =	vor.u32 $0x4A, v1;
	_ =	sdelay $0x3  }
0x393: {  	[tilespmem:s31+$0x1A410] =	vst v2  }
0x394: {  	v2 =	vld.idx.msk [tilespmem:v3+s14+$0x0], $0xffff  }
0x395: {  	v3 =	vor.u32 $0x4B, v1;
	_ =	sdelay $0x3  }
0x396: {  	[tilespmem:s31+$0x1A610] =	vst v2  }
0x397: {  	v2 =	vld.idx.msk [tilespmem:v3+s14+$0x0], $0xffff  }
0x398: {  	v3 =	vor.u32 $0x4C, v1;
	_ =	sdelay $0x3  }
0x399: {  	[tilespmem:s31+$0x1A810] =	vst v2  }
0x39a: {  	v2 =	vld.idx.msk [tilespmem:v3+s14+$0x0], $0xffff  }
0x39b: {  	v3 =	vor.u32 $0x4D, v1;
	_ =	sdelay $0x3  }
0x39c: {  	[tilespmem:s31+$0x1AA10] =	vst v2  }
0x39d: {  	v3 =	vld.idx.msk [tilespmem:v3+s14+$0x0], $0xffff  }
0x39e: {  	v1 =	vor.u32 $0x4E, v1;
	_ =	sdelay $0x2  }
0x39f: {  	s2 =	simm.s32 $0x10  }
0x3a0: {  	s0 =	simm.s32 $0x40;
	s1 =	simm.s32 $0x80;
	v2 =	vmov s2;
	[tilespmem:s31+$0x1AC10] =	vst v3  }
.LBB2_8:
0x3a1: {  	p0 =	sne.s32 s1, $0x7C0;
	v2 =	vshll.u32 v2, $0x7;
	v3 =	vld.idx.msk [tilespmem:v1+s14+$0x0], $0xffff  }
0x3a2: {  	v1 =	vor.u32 v0, v2  }
0x3a3: {  	v2 =	vor.u32 $0x10, v1;
	_ =	sdelay $0x3  }
0x3a4: {  	[tilespmem:s31+$0x1AE10] =	vst v3  }
0x3a5: {  	v2 =	vld.idx.msk [tilespmem:v2+s14+$0x0], $0xffff;
	_ =	sdelay $0x1  }
0x3a6: {  	v3 =	vor.u32 $0x11, v1;
	_ =	sdelay $0x2  }
0x3a7: {  	s31 =	sshra.s32 s0, $0x2;
	s0 =	smov.u32 s1  }
0x3a8: {  	[tilespmem:s31+$0x13210] =	vst v2  }
0x3a9: {  	v2 =	vld.idx.msk [tilespmem:v3+s14+$0x0], $0xffff;
	_ =	sdelay $0x1  }
0x3aa: {  	v3 =	vor.u32 $0x12, v1;
	_ =	sdelay $0x3  }
0x3ab: {  	[tilespmem:s31+$0x13410] =	vst v2  }
0x3ac: {  	v2 =	vld.idx.msk [tilespmem:v3+s14+$0x0], $0xffff;
	_ =	sdelay $0x1  }
0x3ad: {  	v3 =	vor.u32 $0x13, v1;
	_ =	sdelay $0x3  }
0x3ae: {  	[tilespmem:s31+$0x13610] =	vst v2  }
0x3af: {  	v2 =	vld.idx.msk [tilespmem:v3+s14+$0x0], $0xffff;
	_ =	sdelay $0x1  }
0x3b0: {  	v3 =	vor.u32 $0x14, v1;
	_ =	sdelay $0x3  }
0x3b1: {  	[tilespmem:s31+$0x13810] =	vst v2  }
0x3b2: {  	v2 =	vld.idx.msk [tilespmem:v3+s14+$0x0], $0xffff;
	_ =	sdelay $0x1  }
0x3b3: {  	v3 =	vor.u32 $0x15, v1;
	_ =	sdelay $0x3  }
0x3b4: {  	[tilespmem:s31+$0x13A10] =	vst v2  }
0x3b5: {  	v2 =	vld.idx.msk [tilespmem:v3+s14+$0x0], $0xffff;
	_ =	sdelay $0x1  }
0x3b6: {  	v3 =	vor.u32 $0x16, v1;
	_ =	sdelay $0x3  }
0x3b7: {  	[tilespmem:s31+$0x13C10] =	vst v2  }
0x3b8: {  	v2 =	vld.idx.msk [tilespmem:v3+s14+$0x0], $0xffff;
	_ =	sdelay $0x1  }
0x3b9: {  	v3 =	vor.u32 $0x17, v1;
	_ =	sdelay $0x3  }
0x3ba: {  	[tilespmem:s31+$0x13E10] =	vst v2  }
0x3bb: {  	v2 =	vld.idx.msk [tilespmem:v3+s14+$0x0], $0xffff;
	_ =	sdelay $0x1  }
0x3bc: {  	v3 =	vor.u32 $0x18, v1;
	_ =	sdelay $0x3  }
0x3bd: {  	[tilespmem:s31+$0x14010] =	vst v2  }
0x3be: {  	v2 =	vld.idx.msk [tilespmem:v3+s14+$0x0], $0xffff;
	_ =	sdelay $0x1  }
0x3bf: {  	v3 =	vor.u32 $0x19, v1;
	_ =	sdelay $0x3  }
0x3c0: {  	[tilespmem:s31+$0x14210] =	vst v2  }
0x3c1: {  	v2 =	vld.idx.msk [tilespmem:v3+s14+$0x0], $0xffff;
	_ =	sdelay $0x1  }
0x3c2: {  	v3 =	vor.u32 $0x1A, v1;
	_ =	sdelay $0x3  }
0x3c3: {  	[tilespmem:s31+$0x14410] =	vst v2  }
0x3c4: {  	v2 =	vld.idx.msk [tilespmem:v3+s14+$0x0], $0xffff;
	_ =	sdelay $0x1  }
0x3c5: {  	v3 =	vor.u32 $0x1B, v1;
	_ =	sdelay $0x3  }
0x3c6: {  	[tilespmem:s31+$0x14610] =	vst v2  }
0x3c7: {  	v2 =	vld.idx.msk [tilespmem:v3+s14+$0x0], $0xffff;
	_ =	sdelay $0x1  }
0x3c8: {  	v3 =	vor.u32 $0x1C, v1;
	_ =	sdelay $0x3  }
0x3c9: {  	[tilespmem:s31+$0x14810] =	vst v2  }
0x3ca: {  	v2 =	vld.idx.msk [tilespmem:v3+s14+$0x0], $0xffff;
	_ =	sdelay $0x1  }
0x3cb: {  	v3 =	vor.u32 $0x1D, v1;
	_ =	sdelay $0x3  }
0x3cc: {  	[tilespmem:s31+$0x14A10] =	vst v2  }
0x3cd: {  	v2 =	vld.idx.msk [tilespmem:v3+s14+$0x0], $0xffff;
	_ =	sdelay $0x1  }
0x3ce: {  	v3 =	vor.u32 $0x1E, v1;
	_ =	sdelay $0x3  }
0x3cf: {  	[tilespmem:s31+$0x14C10] =	vst v2  }
0x3d0: {  	v2 =	vld.idx.msk [tilespmem:v3+s14+$0x0], $0xffff;
	_ =	sdelay $0x1  }
0x3d1: {  	v3 =	vor.u32 $0x1F, v1;
	_ =	sdelay $0x3  }
0x3d2: {  	[tilespmem:s31+$0x14E10] =	vst v2  }
0x3d3: {  	v2 =	vld.idx.msk [tilespmem:v3+s14+$0x0], $0xffff;
	_ =	sdelay $0x1  }
0x3d4: {  	v3 =	vor.u32 $0x20, v1;
	_ =	sdelay $0x3  }
0x3d5: {  	[tilespmem:s31+$0x15010] =	vst v2  }
0x3d6: {  	v2 =	vld.idx.msk [tilespmem:v3+s14+$0x0], $0xffff;
	_ =	sdelay $0x1  }
0x3d7: {  	v3 =	vor.u32 $0x21, v1;
	_ =	sdelay $0x3  }
0x3d8: {  	[tilespmem:s31+$0x15210] =	vst v2  }
0x3d9: {  	v2 =	vld.idx.msk [tilespmem:v3+s14+$0x0], $0xffff;
	_ =	sdelay $0x1  }
0x3da: {  	v3 =	vor.u32 $0x22, v1;
	_ =	sdelay $0x3  }
0x3db: {  	[tilespmem:s31+$0x15410] =	vst v2  }
0x3dc: {  	v2 =	vld.idx.msk [tilespmem:v3+s14+$0x0], $0xffff;
	_ =	sdelay $0x1  }
0x3dd: {  	v3 =	vor.u32 $0x23, v1;
	_ =	sdelay $0x3  }
0x3de: {  	[tilespmem:s31+$0x15610] =	vst v2  }
0x3df: {  	v2 =	vld.idx.msk [tilespmem:v3+s14+$0x0], $0xffff;
	_ =	sdelay $0x1  }
0x3e0: {  	v3 =	vor.u32 $0x24, v1;
	_ =	sdelay $0x3  }
0x3e1: {  	[tilespmem:s31+$0x15810] =	vst v2  }
0x3e2: {  	v2 =	vld.idx.msk [tilespmem:v3+s14+$0x0], $0xffff;
	_ =	sdelay $0x1  }
0x3e3: {  	v3 =	vor.u32 $0x25, v1;
	_ =	sdelay $0x3  }
0x3e4: {  	[tilespmem:s31+$0x15A10] =	vst v2  }
0x3e5: {  	v2 =	vld.idx.msk [tilespmem:v3+s14+$0x0], $0xffff;
	_ =	sdelay $0x1  }
0x3e6: {  	v3 =	vor.u32 $0x26, v1;
	_ =	sdelay $0x3  }
0x3e7: {  	[tilespmem:s31+$0x15C10] =	vst v2  }
0x3e8: {  	v2 =	vld.idx.msk [tilespmem:v3+s14+$0x0], $0xffff;
	_ =	sdelay $0x1  }
0x3e9: {  	v3 =	vor.u32 $0x27, v1;
	_ =	sdelay $0x3  }
0x3ea: {  	[tilespmem:s31+$0x15E10] =	vst v2  }
0x3eb: {  	v2 =	vld.idx.msk [tilespmem:v3+s14+$0x0], $0xffff;
	_ =	sdelay $0x1  }
0x3ec: {  	v3 =	vor.u32 $0x28, v1;
	_ =	sdelay $0x3  }
0x3ed: {  	[tilespmem:s31+$0x16010] =	vst v2  }
0x3ee: {  	v2 =	vld.idx.msk [tilespmem:v3+s14+$0x0], $0xffff;
	_ =	sdelay $0x1  }
0x3ef: {  	v3 =	vor.u32 $0x29, v1;
	_ =	sdelay $0x3  }
0x3f0: {  	[tilespmem:s31+$0x16210] =	vst v2  }
0x3f1: {  	v2 =	vld.idx.msk [tilespmem:v3+s14+$0x0], $0xffff;
	_ =	sdelay $0x1  }
0x3f2: {  	v3 =	vor.u32 $0x2A, v1;
	_ =	sdelay $0x3  }
0x3f3: {  	[tilespmem:s31+$0x16410] =	vst v2  }
0x3f4: {  	v2 =	vld.idx.msk [tilespmem:v3+s14+$0x0], $0xffff;
	_ =	sdelay $0x1  }
0x3f5: {  	v3 =	vor.u32 $0x2B, v1;
	_ =	sdelay $0x3  }
0x3f6: {  	[tilespmem:s31+$0x16610] =	vst v2  }
0x3f7: {  	v2 =	vld.idx.msk [tilespmem:v3+s14+$0x0], $0xffff;
	_ =	sdelay $0x1  }
0x3f8: {  	v3 =	vor.u32 $0x2C, v1;
	_ =	sdelay $0x3  }
0x3f9: {  	[tilespmem:s31+$0x16810] =	vst v2  }
0x3fa: {  	v2 =	vld.idx.msk [tilespmem:v3+s14+$0x0], $0xffff;
	_ =	sdelay $0x1  }
0x3fb: {  	v3 =	vor.u32 $0x2D, v1;
	_ =	sdelay $0x3  }
0x3fc: {  	[tilespmem:s31+$0x16A10] =	vst v2  }
0x3fd: {  	v2 =	vld.idx.msk [tilespmem:v3+s14+$0x0], $0xffff;
	_ =	sdelay $0x1  }
0x3fe: {  	v3 =	vor.u32 $0x2E, v1;
	_ =	sdelay $0x3  }
0x3ff: {  	[tilespmem:s31+$0x16C10] =	vst v2  }
0x400: {  	v2 =	vld.idx.msk [tilespmem:v3+s14+$0x0], $0xffff;
	_ =	sdelay $0x1  }
0x401: {  	v3 =	vor.u32 $0x2F, v1;
	_ =	sdelay $0x3  }
0x402: {  	[tilespmem:s31+$0x16E10] =	vst v2  }
0x403: {  	v2 =	vld.idx.msk [tilespmem:v3+s14+$0x0], $0xffff;
	_ =	sdelay $0x1  }
0x404: {  	v3 =	vor.u32 $0x30, v1;
	_ =	sdelay $0x3  }
0x405: {  	[tilespmem:s31+$0x17010] =	vst v2  }
0x406: {  	v2 =	vld.idx.msk [tilespmem:v3+s14+$0x0], $0xffff;
	_ =	sdelay $0x1  }
0x407: {  	v3 =	vor.u32 $0x31, v1;
	_ =	sdelay $0x3  }
0x408: {  	[tilespmem:s31+$0x17210] =	vst v2  }
0x409: {  	v2 =	vld.idx.msk [tilespmem:v3+s14+$0x0], $0xffff;
	_ =	sdelay $0x1  }
0x40a: {  	v3 =	vor.u32 $0x32, v1;
	_ =	sdelay $0x3  }
0x40b: {  	[tilespmem:s31+$0x17410] =	vst v2  }
0x40c: {  	v2 =	vld.idx.msk [tilespmem:v3+s14+$0x0], $0xffff;
	_ =	sdelay $0x1  }
0x40d: {  	v3 =	vor.u32 $0x33, v1;
	_ =	sdelay $0x3  }
0x40e: {  	[tilespmem:s31+$0x17610] =	vst v2  }
0x40f: {  	v2 =	vld.idx.msk [tilespmem:v3+s14+$0x0], $0xffff;
	_ =	sdelay $0x1  }
0x410: {  	v3 =	vor.u32 $0x34, v1;
	_ =	sdelay $0x3  }
0x411: {  	[tilespmem:s31+$0x17810] =	vst v2  }
0x412: {  	v2 =	vld.idx.msk [tilespmem:v3+s14+$0x0], $0xffff;
	_ =	sdelay $0x1  }
0x413: {  	v3 =	vor.u32 $0x35, v1;
	_ =	sdelay $0x3  }
0x414: {  	[tilespmem:s31+$0x17A10] =	vst v2  }
0x415: {  	v2 =	vld.idx.msk [tilespmem:v3+s14+$0x0], $0xffff;
	_ =	sdelay $0x1  }
0x416: {  	v3 =	vor.u32 $0x36, v1;
	_ =	sdelay $0x3  }
0x417: {  	[tilespmem:s31+$0x17C10] =	vst v2  }
0x418: {  	v2 =	vld.idx.msk [tilespmem:v3+s14+$0x0], $0xffff;
	_ =	sdelay $0x1  }
0x419: {  	v3 =	vor.u32 $0x37, v1;
	_ =	sdelay $0x3  }
0x41a: {  	[tilespmem:s31+$0x17E10] =	vst v2  }
0x41b: {  	v2 =	vld.idx.msk [tilespmem:v3+s14+$0x0], $0xffff;
	_ =	sdelay $0x1  }
0x41c: {  	v3 =	vor.u32 $0x38, v1;
	_ =	sdelay $0x3  }
0x41d: {  	[tilespmem:s31+$0x18010] =	vst v2  }
0x41e: {  	v2 =	vld.idx.msk [tilespmem:v3+s14+$0x0], $0xffff;
	_ =	sdelay $0x1  }
0x41f: {  	v3 =	vor.u32 $0x39, v1;
	_ =	sdelay $0x3  }
0x420: {  	[tilespmem:s31+$0x18210] =	vst v2  }
0x421: {  	v2 =	vld.idx.msk [tilespmem:v3+s14+$0x0], $0xffff;
	_ =	sdelay $0x1  }
0x422: {  	v3 =	vor.u32 $0x3A, v1;
	_ =	sdelay $0x3  }
0x423: {  	[tilespmem:s31+$0x18410] =	vst v2  }
0x424: {  	v2 =	vld.idx.msk [tilespmem:v3+s14+$0x0], $0xffff;
	_ =	sdelay $0x1  }
0x425: {  	v3 =	vor.u32 $0x3B, v1;
	_ =	sdelay $0x3  }
0x426: {  	[tilespmem:s31+$0x18610] =	vst v2  }
0x427: {  	v2 =	vld.idx.msk [tilespmem:v3+s14+$0x0], $0xffff;
	_ =	sdelay $0x1  }
0x428: {  	v3 =	vor.u32 $0x3C, v1;
	_ =	sdelay $0x3  }
0x429: {  	[tilespmem:s31+$0x18810] =	vst v2  }
0x42a: {  	v2 =	vld.idx.msk [tilespmem:v3+s14+$0x0], $0xffff;
	_ =	sdelay $0x1  }
0x42b: {  	v3 =	vor.u32 $0x3D, v1;
	_ =	sdelay $0x3  }
0x42c: {  	[tilespmem:s31+$0x18A10] =	vst v2  }
0x42d: {  	v2 =	vld.idx.msk [tilespmem:v3+s14+$0x0], $0xffff;
	_ =	sdelay $0x1  }
0x42e: {  	v3 =	vor.u32 $0x3E, v1;
	_ =	sdelay $0x3  }
0x42f: {  	[tilespmem:s31+$0x18C10] =	vst v2  }
0x430: {  	v2 =	vld.idx.msk [tilespmem:v3+s14+$0x0], $0xffff;
	_ =	sdelay $0x1  }
0x431: {  	v3 =	vor.u32 $0x3F, v1;
	_ =	sdelay $0x3  }
0x432: {  	[tilespmem:s31+$0x18E10] =	vst v2  }
0x433: {  	v2 =	vld.idx.msk [tilespmem:v3+s14+$0x0], $0xffff;
	_ =	sdelay $0x1  }
0x434: {  	v3 =	vor.u32 $0x40, v1;
	_ =	sdelay $0x3  }
0x435: {  	[tilespmem:s31+$0x19010] =	vst v2  }
0x436: {  	v2 =	vld.idx.msk [tilespmem:v3+s14+$0x0], $0xffff;
	_ =	sdelay $0x1  }
0x437: {  	v3 =	vor.u32 $0x41, v1;
	_ =	sdelay $0x3  }
0x438: {  	[tilespmem:s31+$0x19210] =	vst v2  }
0x439: {  	v2 =	vld.idx.msk [tilespmem:v3+s14+$0x0], $0xffff;
	_ =	sdelay $0x1  }
0x43a: {  	v3 =	vor.u32 $0x42, v1;
	_ =	sdelay $0x3  }
0x43b: {  	[tilespmem:s31+$0x19410] =	vst v2  }
0x43c: {  	v2 =	vld.idx.msk [tilespmem:v3+s14+$0x0], $0xffff;
	_ =	sdelay $0x1  }
0x43d: {  	v3 =	vor.u32 $0x43, v1;
	_ =	sdelay $0x3  }
0x43e: {  	[tilespmem:s31+$0x19610] =	vst v2  }
0x43f: {  	v2 =	vld.idx.msk [tilespmem:v3+s14+$0x0], $0xffff;
	_ =	sdelay $0x1  }
0x440: {  	v3 =	vor.u32 $0x44, v1;
	_ =	sdelay $0x3  }
0x441: {  	[tilespmem:s31+$0x19810] =	vst v2  }
0x442: {  	v2 =	vld.idx.msk [tilespmem:v3+s14+$0x0], $0xffff;
	_ =	sdelay $0x1  }
0x443: {  	v3 =	vor.u32 $0x45, v1;
	_ =	sdelay $0x3  }
0x444: {  	[tilespmem:s31+$0x19A10] =	vst v2  }
0x445: {  	v2 =	vld.idx.msk [tilespmem:v3+s14+$0x0], $0xffff;
	_ =	sdelay $0x1  }
0x446: {  	v3 =	vor.u32 $0x46, v1;
	_ =	sdelay $0x3  }
0x447: {  	[tilespmem:s31+$0x19C10] =	vst v2  }
0x448: {  	v2 =	vld.idx.msk [tilespmem:v3+s14+$0x0], $0xffff;
	_ =	sdelay $0x1  }
0x449: {  	v3 =	vor.u32 $0x47, v1;
	_ =	sdelay $0x3  }
0x44a: {  	[tilespmem:s31+$0x19E10] =	vst v2  }
0x44b: {  	v2 =	vld.idx.msk [tilespmem:v3+s14+$0x0], $0xffff;
	_ =	sdelay $0x1  }
0x44c: {  	v3 =	vor.u32 $0x48, v1;
	_ =	sdelay $0x3  }
0x44d: {  	[tilespmem:s31+$0x1A010] =	vst v2  }
0x44e: {  	v2 =	vld.idx.msk [tilespmem:v3+s14+$0x0], $0xffff;
	_ =	sdelay $0x1  }
0x44f: {  	v3 =	vor.u32 $0x49, v1;
	_ =	sdelay $0x3  }
0x450: {  	[tilespmem:s31+$0x1A210] =	vst v2  }
0x451: {  	v2 =	vld.idx.msk [tilespmem:v3+s14+$0x0], $0xffff;
	_ =	sdelay $0x1  }
0x452: {  	v3 =	vor.u32 $0x4A, v1;
	_ =	sdelay $0x3  }
0x453: {  	[tilespmem:s31+$0x1A410] =	vst v2  }
0x454: {  	v2 =	vld.idx.msk [tilespmem:v3+s14+$0x0], $0xffff;
	_ =	sdelay $0x1  }
0x455: {  	v3 =	vor.u32 $0x4B, v1;
	_ =	sdelay $0x3  }
0x456: {  	[tilespmem:s31+$0x1A610] =	vst v2  }
0x457: {  	v2 =	vld.idx.msk [tilespmem:v3+s14+$0x0], $0xffff;
	_ =	sdelay $0x1  }
0x458: {  	v3 =	vor.u32 $0x4C, v1;
	_ =	sdelay $0x3  }
0x459: {  	[tilespmem:s31+$0x1A810] =	vst v2  }
0x45a: {  	v2 =	vld.idx.msk [tilespmem:v3+s14+$0x0], $0xffff;
	_ =	sdelay $0x1  }
0x45b: {  	v3 =	vor.u32 $0x4D, v1;
	_ =	sdelay $0x3  }
0x45c: {  	[tilespmem:s31+$0x1AA10] =	vst v2  }
0x45d: {  	v3 =	vld.idx.msk [tilespmem:v3+s14+$0x0], $0xffff;
	_ =	sdelay $0x1  }
.Ltmp3:
0x45e: {  	v1 =	vor.u32 $0x4E, v1;
	(pc) =	sbr.rel @p0 .LBB2_8-.Ltmp3, $3  }
0x45f: {  	_ =	sdelay $0x1  }
0x460: {  	s2 =	sadd.s32 $0x10, s2  }
0x461: {  	s1 =	sadd.s32 $0x40, s1;
	v2 =	vmov s2;
	[tilespmem:s31+$0x1AC10] =	vst v3  }
0x462: {  	_ =	sdelay $0x2  }
0x463: {  	v2 =	vshll.u32 v2, $0x7  }
0x464: {  	v3 =	vld.idx.msk [tilespmem:v1+s14+$0x0], $0xffff;
	v1 =	vor.u32 v0, v2  }
0x465: {  	v2 =	vor.u32 $0x10, v1;
	_ =	sdelay $0x3  }
0x466: {  	[tilespmem:s31+$0x1AE10] =	vst v3  }
0x467: {  	v2 =	vld.idx.msk [tilespmem:v2+s14+$0x0], $0xffff  }
0x468: {  	v3 =	vor.u32 $0x11, v1;
	_ =	sdelay $0x2  }
0x469: {  	s0 =	sshra.s32 s0, $0x2  }
0x46a: {  	[tilespmem:s0+$0x13210] =	vst v2  }
0x46b: {  	v2 =	vld.idx.msk [tilespmem:v3+s14+$0x0], $0xffff  }
0x46c: {  	v3 =	vor.u32 $0x12, v1;
	_ =	sdelay $0x3  }
0x46d: {  	[tilespmem:s0+$0x13410] =	vst v2  }
0x46e: {  	v2 =	vld.idx.msk [tilespmem:v3+s14+$0x0], $0xffff  }
0x46f: {  	v3 =	vor.u32 $0x13, v1;
	_ =	sdelay $0x3  }
0x470: {  	[tilespmem:s0+$0x13610] =	vst v2  }
0x471: {  	v2 =	vld.idx.msk [tilespmem:v3+s14+$0x0], $0xffff  }
0x472: {  	v3 =	vor.u32 $0x14, v1;
	_ =	sdelay $0x3  }
0x473: {  	[tilespmem:s0+$0x13810] =	vst v2  }
0x474: {  	v2 =	vld.idx.msk [tilespmem:v3+s14+$0x0], $0xffff  }
0x475: {  	v3 =	vor.u32 $0x15, v1;
	_ =	sdelay $0x3  }
0x476: {  	[tilespmem:s0+$0x13A10] =	vst v2  }
0x477: {  	v2 =	vld.idx.msk [tilespmem:v3+s14+$0x0], $0xffff  }
0x478: {  	v3 =	vor.u32 $0x16, v1;
	_ =	sdelay $0x3  }
0x479: {  	[tilespmem:s0+$0x13C10] =	vst v2  }
0x47a: {  	v2 =	vld.idx.msk [tilespmem:v3+s14+$0x0], $0xffff  }
0x47b: {  	v3 =	vor.u32 $0x17, v1;
	_ =	sdelay $0x3  }
0x47c: {  	[tilespmem:s0+$0x13E10] =	vst v2  }
0x47d: {  	v2 =	vld.idx.msk [tilespmem:v3+s14+$0x0], $0xffff  }
0x47e: {  	v3 =	vor.u32 $0x18, v1;
	_ =	sdelay $0x3  }
0x47f: {  	[tilespmem:s0+$0x14010] =	vst v2  }
0x480: {  	v2 =	vld.idx.msk [tilespmem:v3+s14+$0x0], $0xffff  }
0x481: {  	v3 =	vor.u32 $0x19, v1;
	_ =	sdelay $0x3  }
0x482: {  	[tilespmem:s0+$0x14210] =	vst v2  }
0x483: {  	v2 =	vld.idx.msk [tilespmem:v3+s14+$0x0], $0xffff  }
0x484: {  	v3 =	vor.u32 $0x1A, v1;
	_ =	sdelay $0x3  }
0x485: {  	[tilespmem:s0+$0x14410] =	vst v2  }
0x486: {  	v2 =	vld.idx.msk [tilespmem:v3+s14+$0x0], $0xffff  }
0x487: {  	v3 =	vor.u32 $0x1B, v1;
	_ =	sdelay $0x3  }
0x488: {  	[tilespmem:s0+$0x14610] =	vst v2  }
0x489: {  	v2 =	vld.idx.msk [tilespmem:v3+s14+$0x0], $0xffff  }
0x48a: {  	v3 =	vor.u32 $0x1C, v1;
	_ =	sdelay $0x3  }
0x48b: {  	[tilespmem:s0+$0x14810] =	vst v2  }
0x48c: {  	v2 =	vld.idx.msk [tilespmem:v3+s14+$0x0], $0xffff  }
0x48d: {  	v3 =	vor.u32 $0x1D, v1;
	_ =	sdelay $0x3  }
0x48e: {  	[tilespmem:s0+$0x14A10] =	vst v2  }
0x48f: {  	v2 =	vld.idx.msk [tilespmem:v3+s14+$0x0], $0xffff  }
0x490: {  	v3 =	vor.u32 $0x1E, v1;
	_ =	sdelay $0x3  }
0x491: {  	[tilespmem:s0+$0x14C10] =	vst v2  }
0x492: {  	v2 =	vld.idx.msk [tilespmem:v3+s14+$0x0], $0xffff  }
0x493: {  	v3 =	vor.u32 $0x1F, v1;
	_ =	sdelay $0x3  }
0x494: {  	[tilespmem:s0+$0x14E10] =	vst v2  }
0x495: {  	v2 =	vld.idx.msk [tilespmem:v3+s14+$0x0], $0xffff  }
0x496: {  	v3 =	vor.u32 $0x20, v1;
	_ =	sdelay $0x3  }
0x497: {  	[tilespmem:s0+$0x15010] =	vst v2  }
0x498: {  	v2 =	vld.idx.msk [tilespmem:v3+s14+$0x0], $0xffff  }
0x499: {  	v3 =	vor.u32 $0x21, v1;
	_ =	sdelay $0x3  }
0x49a: {  	[tilespmem:s0+$0x15210] =	vst v2  }
0x49b: {  	v2 =	vld.idx.msk [tilespmem:v3+s14+$0x0], $0xffff  }
0x49c: {  	v3 =	vor.u32 $0x22, v1;
	_ =	sdelay $0x3  }
0x49d: {  	[tilespmem:s0+$0x15410] =	vst v2  }
0x49e: {  	v2 =	vld.idx.msk [tilespmem:v3+s14+$0x0], $0xffff  }
0x49f: {  	v3 =	vor.u32 $0x23, v1;
	_ =	sdelay $0x3  }
0x4a0: {  	[tilespmem:s0+$0x15610] =	vst v2  }
0x4a1: {  	v2 =	vld.idx.msk [tilespmem:v3+s14+$0x0], $0xffff  }
0x4a2: {  	v3 =	vor.u32 $0x24, v1;
	_ =	sdelay $0x3  }
0x4a3: {  	[tilespmem:s0+$0x15810] =	vst v2  }
0x4a4: {  	v2 =	vld.idx.msk [tilespmem:v3+s14+$0x0], $0xffff  }
0x4a5: {  	v3 =	vor.u32 $0x25, v1;
	_ =	sdelay $0x3  }
0x4a6: {  	[tilespmem:s0+$0x15A10] =	vst v2  }
0x4a7: {  	v2 =	vld.idx.msk [tilespmem:v3+s14+$0x0], $0xffff  }
0x4a8: {  	v3 =	vor.u32 $0x26, v1;
	_ =	sdelay $0x3  }
0x4a9: {  	[tilespmem:s0+$0x15C10] =	vst v2  }
0x4aa: {  	v2 =	vld.idx.msk [tilespmem:v3+s14+$0x0], $0xffff  }
0x4ab: {  	v3 =	vor.u32 $0x27, v1;
	_ =	sdelay $0x3  }
0x4ac: {  	[tilespmem:s0+$0x15E10] =	vst v2  }
0x4ad: {  	v2 =	vld.idx.msk [tilespmem:v3+s14+$0x0], $0xffff  }
0x4ae: {  	v3 =	vor.u32 $0x28, v1;
	_ =	sdelay $0x3  }
0x4af: {  	[tilespmem:s0+$0x16010] =	vst v2  }
0x4b0: {  	v2 =	vld.idx.msk [tilespmem:v3+s14+$0x0], $0xffff  }
0x4b1: {  	v3 =	vor.u32 $0x29, v1;
	_ =	sdelay $0x3  }
0x4b2: {  	[tilespmem:s0+$0x16210] =	vst v2  }
0x4b3: {  	v2 =	vld.idx.msk [tilespmem:v3+s14+$0x0], $0xffff  }
0x4b4: {  	v3 =	vor.u32 $0x2A, v1;
	_ =	sdelay $0x3  }
0x4b5: {  	[tilespmem:s0+$0x16410] =	vst v2  }
0x4b6: {  	v2 =	vld.idx.msk [tilespmem:v3+s14+$0x0], $0xffff  }
0x4b7: {  	v3 =	vor.u32 $0x2B, v1;
	_ =	sdelay $0x3  }
0x4b8: {  	[tilespmem:s0+$0x16610] =	vst v2  }
0x4b9: {  	v2 =	vld.idx.msk [tilespmem:v3+s14+$0x0], $0xffff  }
0x4ba: {  	v3 =	vor.u32 $0x2C, v1;
	_ =	sdelay $0x3  }
0x4bb: {  	[tilespmem:s0+$0x16810] =	vst v2  }
0x4bc: {  	v2 =	vld.idx.msk [tilespmem:v3+s14+$0x0], $0xffff  }
0x4bd: {  	v3 =	vor.u32 $0x2D, v1;
	_ =	sdelay $0x3  }
0x4be: {  	[tilespmem:s0+$0x16A10] =	vst v2  }
0x4bf: {  	v2 =	vld.idx.msk [tilespmem:v3+s14+$0x0], $0xffff  }
0x4c0: {  	v3 =	vor.u32 $0x2E, v1;
	_ =	sdelay $0x3  }
0x4c1: {  	[tilespmem:s0+$0x16C10] =	vst v2  }
0x4c2: {  	v2 =	vld.idx.msk [tilespmem:v3+s14+$0x0], $0xffff  }
0x4c3: {  	v3 =	vor.u32 $0x2F, v1;
	_ =	sdelay $0x3  }
0x4c4: {  	[tilespmem:s0+$0x16E10] =	vst v2  }
0x4c5: {  	v2 =	vld.idx.msk [tilespmem:v3+s14+$0x0], $0xffff  }
0x4c6: {  	v3 =	vor.u32 $0x30, v1;
	_ =	sdelay $0x3  }
0x4c7: {  	[tilespmem:s0+$0x17010] =	vst v2  }
0x4c8: {  	v2 =	vld.idx.msk [tilespmem:v3+s14+$0x0], $0xffff  }
0x4c9: {  	v3 =	vor.u32 $0x31, v1;
	_ =	sdelay $0x3  }
0x4ca: {  	[tilespmem:s0+$0x17210] =	vst v2  }
0x4cb: {  	v2 =	vld.idx.msk [tilespmem:v3+s14+$0x0], $0xffff  }
0x4cc: {  	v3 =	vor.u32 $0x32, v1;
	_ =	sdelay $0x3  }
0x4cd: {  	[tilespmem:s0+$0x17410] =	vst v2  }
0x4ce: {  	v2 =	vld.idx.msk [tilespmem:v3+s14+$0x0], $0xffff  }
0x4cf: {  	v3 =	vor.u32 $0x33, v1;
	_ =	sdelay $0x3  }
0x4d0: {  	[tilespmem:s0+$0x17610] =	vst v2  }
0x4d1: {  	v2 =	vld.idx.msk [tilespmem:v3+s14+$0x0], $0xffff  }
0x4d2: {  	v3 =	vor.u32 $0x34, v1;
	_ =	sdelay $0x3  }
0x4d3: {  	[tilespmem:s0+$0x17810] =	vst v2  }
0x4d4: {  	v2 =	vld.idx.msk [tilespmem:v3+s14+$0x0], $0xffff  }
0x4d5: {  	v3 =	vor.u32 $0x35, v1;
	_ =	sdelay $0x3  }
0x4d6: {  	[tilespmem:s0+$0x17A10] =	vst v2  }
0x4d7: {  	v2 =	vld.idx.msk [tilespmem:v3+s14+$0x0], $0xffff  }
0x4d8: {  	v3 =	vor.u32 $0x36, v1;
	_ =	sdelay $0x3  }
0x4d9: {  	[tilespmem:s0+$0x17C10] =	vst v2  }
0x4da: {  	v2 =	vld.idx.msk [tilespmem:v3+s14+$0x0], $0xffff  }
0x4db: {  	v3 =	vor.u32 $0x37, v1;
	_ =	sdelay $0x3  }
0x4dc: {  	[tilespmem:s0+$0x17E10] =	vst v2  }
0x4dd: {  	v2 =	vld.idx.msk [tilespmem:v3+s14+$0x0], $0xffff  }
0x4de: {  	v3 =	vor.u32 $0x38, v1;
	_ =	sdelay $0x3  }
0x4df: {  	[tilespmem:s0+$0x18010] =	vst v2  }
0x4e0: {  	v2 =	vld.idx.msk [tilespmem:v3+s14+$0x0], $0xffff  }
0x4e1: {  	v3 =	vor.u32 $0x39, v1;
	_ =	sdelay $0x3  }
0x4e2: {  	[tilespmem:s0+$0x18210] =	vst v2  }
0x4e3: {  	v2 =	vld.idx.msk [tilespmem:v3+s14+$0x0], $0xffff  }
0x4e4: {  	v3 =	vor.u32 $0x3A, v1;
	_ =	sdelay $0x3  }
0x4e5: {  	[tilespmem:s0+$0x18410] =	vst v2  }
0x4e6: {  	v2 =	vld.idx.msk [tilespmem:v3+s14+$0x0], $0xffff  }
0x4e7: {  	v3 =	vor.u32 $0x3B, v1;
	_ =	sdelay $0x3  }
0x4e8: {  	[tilespmem:s0+$0x18610] =	vst v2  }
0x4e9: {  	v2 =	vld.idx.msk [tilespmem:v3+s14+$0x0], $0xffff  }
0x4ea: {  	v3 =	vor.u32 $0x3C, v1;
	_ =	sdelay $0x3  }
0x4eb: {  	[tilespmem:s0+$0x18810] =	vst v2  }
0x4ec: {  	v2 =	vld.idx.msk [tilespmem:v3+s14+$0x0], $0xffff  }
0x4ed: {  	v3 =	vor.u32 $0x3D, v1;
	_ =	sdelay $0x3  }
0x4ee: {  	[tilespmem:s0+$0x18A10] =	vst v2  }
0x4ef: {  	v2 =	vld.idx.msk [tilespmem:v3+s14+$0x0], $0xffff  }
0x4f0: {  	v3 =	vor.u32 $0x3E, v1;
	_ =	sdelay $0x3  }
0x4f1: {  	[tilespmem:s0+$0x18C10] =	vst v2  }
0x4f2: {  	v2 =	vld.idx.msk [tilespmem:v3+s14+$0x0], $0xffff  }
0x4f3: {  	v3 =	vor.u32 $0x3F, v1;
	_ =	sdelay $0x3  }
0x4f4: {  	[tilespmem:s0+$0x18E10] =	vst v2  }
0x4f5: {  	v2 =	vld.idx.msk [tilespmem:v3+s14+$0x0], $0xffff  }
0x4f6: {  	v3 =	vor.u32 $0x40, v1;
	_ =	sdelay $0x3  }
0x4f7: {  	[tilespmem:s0+$0x19010] =	vst v2  }
0x4f8: {  	v2 =	vld.idx.msk [tilespmem:v3+s14+$0x0], $0xffff  }
0x4f9: {  	v3 =	vor.u32 $0x41, v1;
	_ =	sdelay $0x3  }
0x4fa: {  	[tilespmem:s0+$0x19210] =	vst v2  }
0x4fb: {  	v2 =	vld.idx.msk [tilespmem:v3+s14+$0x0], $0xffff  }
0x4fc: {  	v3 =	vor.u32 $0x42, v1;
	_ =	sdelay $0x3  }
0x4fd: {  	[tilespmem:s0+$0x19410] =	vst v2  }
0x4fe: {  	v2 =	vld.idx.msk [tilespmem:v3+s14+$0x0], $0xffff  }
0x4ff: {  	v3 =	vor.u32 $0x43, v1;
	_ =	sdelay $0x3  }
0x500: {  	[tilespmem:s0+$0x19610] =	vst v2  }
0x501: {  	v2 =	vld.idx.msk [tilespmem:v3+s14+$0x0], $0xffff  }
0x502: {  	v3 =	vor.u32 $0x44, v1;
	_ =	sdelay $0x3  }
0x503: {  	[tilespmem:s0+$0x19810] =	vst v2  }
0x504: {  	v2 =	vld.idx.msk [tilespmem:v3+s14+$0x0], $0xffff  }
0x505: {  	v3 =	vor.u32 $0x45, v1;
	_ =	sdelay $0x3  }
0x506: {  	[tilespmem:s0+$0x19A10] =	vst v2  }
0x507: {  	v2 =	vld.idx.msk [tilespmem:v3+s14+$0x0], $0xffff  }
0x508: {  	v3 =	vor.u32 $0x46, v1;
	_ =	sdelay $0x3  }
0x509: {  	[tilespmem:s0+$0x19C10] =	vst v2  }
0x50a: {  	v2 =	vld.idx.msk [tilespmem:v3+s14+$0x0], $0xffff  }
0x50b: {  	v3 =	vor.u32 $0x47, v1;
	_ =	sdelay $0x3  }
0x50c: {  	[tilespmem:s0+$0x19E10] =	vst v2  }
0x50d: {  	v2 =	vld.idx.msk [tilespmem:v3+s14+$0x0], $0xffff  }
0x50e: {  	v3 =	vor.u32 $0x48, v1;
	_ =	sdelay $0x3  }
0x50f: {  	[tilespmem:s0+$0x1A010] =	vst v2  }
0x510: {  	v2 =	vld.idx.msk [tilespmem:v3+s14+$0x0], $0xffff  }
0x511: {  	v3 =	vor.u32 $0x49, v1;
	_ =	sdelay $0x3  }
0x512: {  	[tilespmem:s0+$0x1A210] =	vst v2  }
0x513: {  	v2 =	vld.idx.msk [tilespmem:v3+s14+$0x0], $0xffff  }
0x514: {  	v3 =	vor.u32 $0x4A, v1;
	_ =	sdelay $0x3  }
0x515: {  	[tilespmem:s0+$0x1A410] =	vst v2  }
0x516: {  	v2 =	vld.idx.msk [tilespmem:v3+s14+$0x0], $0xffff  }
0x517: {  	v3 =	vor.u32 $0x4B, v1;
	_ =	sdelay $0x3  }
0x518: {  	[tilespmem:s0+$0x1A610] =	vst v2  }
0x519: {  	v2 =	vld.idx.msk [tilespmem:v3+s14+$0x0], $0xffff  }
0x51a: {  	v3 =	vor.u32 $0x4C, v1;
	_ =	sdelay $0x3  }
0x51b: {  	[tilespmem:s0+$0x1A810] =	vst v2  }
0x51c: {  	v2 =	vld.idx.msk [tilespmem:v3+s14+$0x0], $0xffff  }
0x51d: {  	v3 =	vor.u32 $0x4D, v1;
	_ =	sdelay $0x3  }
0x51e: {  	[tilespmem:s0+$0x1AA10] =	vst v2  }
0x51f: {  	v2 =	vld.idx.msk [tilespmem:v3+s14+$0x0], $0xffff  }
0x520: {  	v1 =	vor.u32 $0x4E, v1;
	_ =	sdelay $0x3  }
0x521: {  	[tilespmem:s0+$0x1AC10] =	vst v2  }
0x522: {  	v1 =	vld.idx.msk [tilespmem:v1+s14+$0x0], $0xffff;
	_ =	sdelay $0x4  }
0x523: {  	[tilespmem:s0+$0x1AE10] =	vst v1  }
0x524: {  	[hbm4b:s10+s20] =	stream.strided.scatter [tilespmem:s28], [sflag:$0x2], $0x8000, s21, s20, $0x38;
	[tilespmem:$0x1E210] =	vst v63  }
0x525: {  	_ =	swait.ge [sflag:s29], $0x2000  }
0x526: {  	[sflag:s29] =	ssyncset.done $0x0  }
0x527: {  	[sflag:s29] =	ssyncadd.s32 $0xFFFFE000  }
0x528: {  	_ =	swait.ge [sflag:s29], $0x1000  }
0x529: {  	[sflag:s29] =	ssyncset.done $0x0  }
0x52a: {  	[sflag:s29] =	ssyncadd.s32 $0xFFFFF000  }
0x52b: {  	_ =	swait.ge [sflag:s29], $0x1000  }
0x52c: {  	[sflag:s29] =	ssyncset.done $0x0  }
0x52d: {  	s30 =	sadd.s32 $0x1, s30;
	[sflag:s29] =	ssyncadd.s32 $0xFFFFF000  }
0x52e: {  	p0 =	sne.s32 s30, s11;
	_ =	swait.ge [sflag:s29], $0x2000  }
.Ltmp4:
0x52f: {  	[sflag:s29] =	ssyncset.done $0x0;
	(pc) =	sbr.rel @p0 .LBB2_1-.Ltmp4, $4  }
0x530: {  	[sflag:s29] =	ssyncadd.s32 $0xFFFFE000  }
0x531: {  	_ =	swait.ge [sflag:s29], $0x8000  }
0x532: {  	[sflag:s29] =	ssyncset.done $0x0  }
0x533: {  	[sflag:s29] =	ssyncadd.s32 $0xFFFF8000  }
0x534: {  	_ =	sfence.sel $0x180000  }
0x535: {  	[bflag:$0x0] =	sbarrier.arrive $0xFFFF  }
0x536: {  	_ =	strace $0x90000047  }
0x537: {  	s0 =	stileid.u32;
	[bflag:$0x2] =	sbarrier.arrive $0xFFFF  }
0x538: {  	p0 =	sne.s32 s0, $0x0;
	s0 =	rddreg [dreg:$0x5]  }
0x539: {  	s0 =	sadd.s32 @!p0 $0x100000, s0  }
0x53a: {  	[sflag:s0] =	ssyncadd.tile.s32 @!p0 $0x1;
	_ =	shalt  }
.Lfunc_end2:
_tile_overlayer_lowered:
.L_overlay_start_2:
0x53b: {  	(tag) =	ssettag $0x2  }
0x53c: {  	s0 =	rddreg [dreg:$0x0];
	s2 =	stileid.u32  }
0x53d: {  	s1 =	rddreg [dreg:$0x1];
	p0 =	sne.s32 s2, $0x0  }
0x53e: {  	s3 =	rddreg [dreg:$0x2];
	[bflag:$0x3] =	sbarrier.arrive $0xFFFF;
	s2 =	simm.s32 @!p0 $0x1C03  }
0x53f: {  	[timem:s3], [sflag:s2] =	dma.local @!p0 [hbm:s0], s1  }
0x540: {  	s0 =	simm.s32 @!p0 $0x3  }
0x541: {  	_ =	swait.ge @!p0 [sflag:s0], s1  }
0x542: {  	s1 =	ssub.s32 @!p0 $0x0, s1;
	[sflag:s0] =	ssyncset.done @!p0 $0x0  }
0x543: {  	[sflag:s0] =	ssyncadd.s32 @!p0 s1  }
0x544: {  	[bflag:$0x3] =	sbarrier.arrive $0xFFFF  }
0x545: {  	_ =	shalt  }

</sc_bundles>
